<compile_context>
chip_gen: v7x
topology: tpu7x:2x2x1
jax: 0.10.2.dev20260603
libtpu: 0.0.44.dev20260713+nightly
codegen_flags: <defaults>
</compile_context>

<pallas_src>
import functools

import numpy as np
import jax
import jax.numpy as jnp
from jax import lax
from jax.experimental import pallas as pl
from jax.experimental.pallas import tpu as pltpu
from jax.experimental.pallas import tpu_sc as plsc

_BS = 128
_N = 256
_L = 16
_NC = 2
_NS = 16
_SAMPLES_PER_SUBCORE = _BS // (_NC * _NS)
_T_DOUBLE = 9
_PACK = _N + _L

_COEFF = 0.01
_LAM_PATH = np.float32(2.0 - 2.0 * np.cos(np.pi / _N))
_LAM_CYCLE = np.float32(2.0 - 2.0 * np.cos(2.0 * np.pi / _N))
_OPTI = _LAM_CYCLE



_B_BLK = 8


def _tc_body(x_ref, t_ref, out_ref):
    x = x_ref[...]
    t = t_ref[...]
    ax = jnp.abs(x)
    l = jnp.log(1.0 + jnp.exp(-ax))
    px = jnp.minimum(jnp.maximum(x, 0.0) + l, 100.0)
    xc = jnp.clip(x, -100.0, 100.0)
    s = (jnp.sum(px, axis=(1, 2), keepdims=True)
         - jnp.sum(t * xc, axis=(1, 2), keepdims=True)) * np.float32(1.0 / (_N * _N))

    iota = lax.broadcasted_iota(jnp.int32, (_B_BLK, _N, _N), 2)
    m1 = jnp.max(x, axis=2, keepdims=True)
    i1 = jnp.min(jnp.where(x == m1, iota, _N), axis=2, keepdims=True)
    x2 = jnp.where(iota == i1, -jnp.inf, x)
    m2 = jnp.max(x2, axis=2, keepdims=True)
    i2 = jnp.min(jnp.where(x2 == m2, iota, _N), axis=2, keepdims=True)

    combo = i1 * 256 + i2
    sbits = lax.bitcast_convert_type(s, jnp.int32)
    pad = jnp.zeros((_B_BLK, _PACK - _N - 1, 1), jnp.int32)
    out_ref[...] = jnp.concatenate([combo, sbits, pad], axis=1)[..., 0]


def _tc_call(raw_scores, target):
    return pl.pallas_call(
        _tc_body,
        grid=(_BS // _B_BLK,),
        in_specs=[
            pl.BlockSpec((_B_BLK, _N, _N), lambda b: (b, 0, 0)),
            pl.BlockSpec((_B_BLK, _N, _N), lambda b: (b, 0, 0)),
        ],
        out_specs=pl.BlockSpec((_B_BLK, _PACK), lambda b: (b, 0)),
        out_shape=jax.ShapeDtypeStruct((_BS, _PACK), jnp.int32),
        compiler_params=pltpu.CompilerParams(
            dimension_semantics=("parallel",),
        ),
    )(raw_scores, target)



def _sc_body(packed_hbm, out_hbm,
             row_v, n1_v, n2_v, mval_v, nxt_v, res_v, all_v, fv_v,
             part_sh):
    cid = lax.axis_index("c")
    sid = lax.axis_index("s")
    lanes = lax.iota(jnp.int32, _L)
    n_chunks = _N // _L

    partial = jnp.float32(0.0)
    for k in range(_SAMPLES_PER_SUBCORE):
        b = (cid * _NS + sid) * _SAMPLES_PER_SUBCORE + k
        pltpu.sync_copy(packed_hbm.at[b], row_v)
        bce_val = plsc.bitcast(row_v[pl.ds(_N, _L)], jnp.float32)[0]

        def setup_chunk(i, deg):
            base = i * _L
            iv = base + lanes
            combo = row_v[pl.ds(base, _L)]
            c1 = lax.shift_right_logical(combo, 8)
            c2 = combo & 255
            g1 = plsc.load_gather(row_v, [c1])
            g2 = plsc.load_gather(row_v, [c2])
            r1 = (((lax.shift_right_logical(g1, 8) == iv) | ((g1 & 255) == iv))
                  & (c1 != iv))
            r2 = (((lax.shift_right_logical(g2, 8) == iv) | ((g2 & 255) == iv))
                  & (c2 != iv))
            n1_v[pl.ds(base, _L)] = jnp.where(r1, c1, iv)
            n2_v[pl.ds(base, _L)] = jnp.where(r2, c2, iv)
            return deg + r1.astype(jnp.int32) + r2.astype(jnp.int32)

        deg = lax.fori_loop(0, n_chunks, setup_chunk,
                            jnp.zeros((_L,), jnp.int32))
        deg_total = jnp.sum(deg)

        fv_v[...] = jnp.zeros((_L,), jnp.float32)

        @pl.when(deg_total >= 2 * (_N - 1))
        def _component_search():
            _run_component_search(deg_total, lanes, n_chunks,
                                  n1_v, n2_v, mval_v, nxt_v, fv_v)

        fv = fv_v[...][0]
        d = fv - _OPTI
        partial = partial + bce_val + jnp.float32(_COEFF) * d * d

    res_v[...] = jnp.where(lanes == 0, partial, jnp.float32(0.0))
    pltpu.sync_copy(res_v, part_sh.at[pl.ds(sid * _L, _L)])
    plsc.subcore_barrier()

    @pl.when(sid == 0)
    def _():
        pltpu.sync_copy(part_sh, all_v)
        acc = jnp.zeros((_L,), jnp.float32)
        for j in range(_NS):
            acc = acc + all_v[pl.ds(j * _L, _L)]
        res_v[...] = acc * jnp.float32(1.0 / _BS)
        pltpu.sync_copy(res_v, out_hbm.at[cid])


def _run_component_search(deg_total, lanes, n_chunks,
                          n1_v, n2_v, mval_v, nxt_v, fv_v):
        def edge_chunk(i, _):
            base = i * _L
            iv = base + lanes
            n1 = n1_v[pl.ds(base, _L)]
            n2 = n2_v[pl.ds(base, _L)]
            n1_of_n1 = plsc.load_gather(n1_v, [n1])
            n1_of_n2 = plsc.load_gather(n1_v, [n2])
            nxt1 = jnp.where(n1 == iv, iv,
                             jnp.where(n1_of_n1 == iv, n1 + _N, n1))
            nxt2 = jnp.where(n2 == iv, iv + _N,
                             jnp.where(n1_of_n2 == iv, n2 + _N, n2))
            mval_v[pl.ds(base, _L)] = n1
            mval_v[pl.ds(base + _N, _L)] = n2
            nxt_v[pl.ds(base, _L)] = nxt1
            nxt_v[pl.ds(base + _N, _L)] = nxt2
            return 0

        lax.fori_loop(0, n_chunks, edge_chunk, 0)

        def double_round(t, _):
            def dbl_chunk(i, _):
                base = i * _L
                cm = mval_v[pl.ds(base, _L)]
                nx = nxt_v[pl.ds(base, _L)]
                gm = plsc.load_gather(mval_v, [nx])
                gn = plsc.load_gather(nxt_v, [nx])
                mval_v[pl.ds(base, _L)] = jnp.minimum(cm, gm)
                nxt_v[pl.ds(base, _L)] = gn
                return 0
            lax.fori_loop(0, 2 * _N // _L, dbl_chunk, 0)
            return 0

        lax.fori_loop(0, _T_DOUBLE, double_round, 0)

        def final_chunk(i, mx):
            base = i * _L
            iv = base + lanes
            cm = jnp.minimum(iv, jnp.minimum(mval_v[pl.ds(base, _L)],
                                             mval_v[pl.ds(base + _N, _L)]))
            return jnp.maximum(mx, cm)

        mx = lax.fori_loop(0, n_chunks, final_chunk,
                           jnp.zeros((_L,), jnp.int32))
        connected = jnp.max(mx) == 0
        fv = jnp.where(connected,
                       jnp.where(deg_total == 2 * _N, _LAM_CYCLE, _LAM_PATH),
                       jnp.float32(0.0))
        fv_v[...] = jnp.where(lanes == 0, fv, jnp.float32(0.0))


@functools.cache
def _get_sc_call():
    return pl.kernel(
        _sc_body,
        out_type=jax.ShapeDtypeStruct((_NC, _L), jnp.float32),
        mesh=plsc.VectorSubcoreMesh(core_axis_name="c", subcore_axis_name="s",
                                    num_cores=_NC, num_subcores=_NS),
        scratch_types=[
            pltpu.VMEM((_PACK,), jnp.int32),
            pltpu.VMEM((_N,), jnp.int32),
            pltpu.VMEM((_N,), jnp.int32),
            pltpu.VMEM((2 * _N,), jnp.int32),
            pltpu.VMEM((2 * _N,), jnp.int32),
            pltpu.VMEM((_L,), jnp.float32),
            pltpu.VMEM((_NS * _L,), jnp.float32),
            pltpu.VMEM((_L,), jnp.float32),
            pltpu.VMEM_SHARED((_NS * _L,), jnp.float32),
        ],
        compiler_params=pltpu.CompilerParams(needs_layout_passes=False),
    )



@jax.jit
def kernel(raw_scores, target):
    packed = _tc_call(raw_scores, target)
    out = _get_sc_call()(packed)
    return out[0, 0] + out[1, 0]

# --- scband reference (transcript-rebuilt; emitter-appended) ---
"""Pipeline reference for scband-tsp-fiedler-loss-35244501631236 (READ-ONLY COPY).

The authoritative reference and input builder live on the scoring server;
editing this copy changes nothing except your own understanding.
"""

import jax, jax.numpy as jnp
import numpy as np

FIEDLER_COEFF = 0.01


def setup_inputs(seed: int = 0):
    key = jax.random.key(seed)
    k1, k2 = jax.random.split(key)
    raw_scores = jax.random.normal(k1, (128, 256, 256), dtype=jnp.float32)
    target = jax.random.uniform(k2, (128, 256, 256), dtype=jnp.float32)
    return {"raw_scores": raw_scores, "target": target}


def _fiedler_opti(n):
    # M = 2I + roll(-I, 1, dim=-2) + roll(-I, -1, dim=-2)  (cycle-graph Laplacian)
    M = 2.0 * jnp.eye(n, dtype=jnp.float32)
    temp_id = -1.0 * jnp.eye(n, dtype=jnp.float32)
    M = M + jnp.roll(temp_id, 1, axis=-2) + jnp.roll(temp_id, -1, axis=-2)
    eigvals = jnp.linalg.eigvalsh(M)  # ascending, like torch.symeig
    return eigvals[1]


def _bce_no_reduction(p, t):
    # torch.nn.BCELoss(reduction='none') with log clamped at -100
    logp = jnp.clip(jnp.log(p), -100.0, None)
    log1mp = jnp.clip(jnp.log(1.0 - p), -100.0, None)
    return -(t * logp + (1.0 - t) * log1mp)


def reference(raw_scores, target):
    bs, n, _ = raw_scores.shape
    fiedler_opti = _fiedler_opti(n)

    proba = jax.nn.sigmoid(raw_scores)
    base_loss = _bce_no_reduction(proba, target)

    # top-2 per row, scatter ones along dim 2
    _, ind = jax.lax.top_k(raw_scores, 2)  # (bs, n, 2)
    b_idx = jnp.arange(bs)[:, None, None]
    r_idx = jnp.arange(n)[None, :, None]
    y_onehot = jnp.zeros_like(raw_scores).at[b_idx, r_idx, ind].set(1.0)

    # symmetrize: sign(y * y^T)
    y_onehot = jnp.sign(y_onehot * jnp.swapaxes(y_onehot, -2, -1))

    degrees = y_onehot.sum(axis=2)  # (bs, n)
    deg_mat = degrees[:, :, None] * jnp.eye(n, dtype=raw_scores.dtype)  # diag_embed
    lap = deg_mat - y_onehot

    eigvals = jnp.linalg.eigvalsh(lap)  # ascending eigenvalues
    fiedler_val = eigvals[:, 1]

    base_loss_flattened = jnp.mean(jnp.mean(base_loss, axis=-1), axis=-1)  # (bs,)
    fiedler_loss = jnp.mean((fiedler_val - fiedler_opti) ** 2)  # MSELoss

    return jnp.mean(base_loss_flattened + FIEDLER_COEFF * fiedler_loss)

if __name__ == "__main__":
    import jax
    _d = setup_inputs()
    print(jax.jit(kernel)(*tuple(_d.values())))

</pallas_src>

<mosaic_0001>
#map = affine_map<(d0, d1) -> (0, 0)>
module attributes {stable_mosaic.version = 14 : i64} {
  func.func @_sc_body(%arg0: i32, %arg1: i32, %arg2: memref<128x272xi32, #tpu.memory_space<hbm>>, %arg3: memref<2x16xf32, #tpu.memory_space<hbm>>, %arg4: memref<272xi32, #tpu.memory_space<vmem>>, %arg5: memref<256xi32, #tpu.memory_space<vmem>>, %arg6: memref<256xi32, #tpu.memory_space<vmem>>, %arg7: memref<512xi32, #tpu.memory_space<vmem>>, %arg8: memref<512xi32, #tpu.memory_space<vmem>>, %arg9: memref<16xf32, #tpu.memory_space<vmem>>, %arg10: memref<256xf32, #tpu.memory_space<vmem>>, %arg11: memref<16xf32, #tpu.memory_space<vmem>>, %arg12: memref<256xf32, #tpu.memory_space<vmem_shared>>) attributes {dimension_semantics = [#tpu.dimension_semantics<core_parallel>, #tpu.dimension_semantics<subcore_parallel>], iteration_bounds = array<i64: 2, 16>, scalar_prefetch = 0 : i64, scratch_operands = 9 : i64, tpu.core_type = #tpu.core_type<sc_vector_subcore>, window_params = [{transform_indices = #map}, {transform_indices = #map}]} {
    %iota3A = tpu.iota {dimensions = array<i32: 0>} : vector<16xi32>
    %mul3A = arith.constant 16 : i32
    %mul3A_0 = arith.muli %arg0, %mul3A : i32
    %add3A = arith.addi %mul3A_0, %arg1 : i32
    %mul3A_1 = arith.constant 4 : i32
    %mul3A_2 = arith.muli %add3A, %mul3A_1 : i32
    %add3A_3 = arith.constant 0 : i32
    %add3A_4 = arith.addi %mul3A_2, %add3A_3 : i32
    "tpu.region"() ({
      %run_scoped3A = tpu.sem_alloc : memref<!tpu.dma_semaphore, #tpu.memory_space<semaphore_mem>>
      %dma_start3A = arith.constant 0 : i32
      %dma_start3A_176 = tpu.memref_slice %arg2[%add3A_4, %dma_start3A] : memref<128x272xi32, #tpu.memory_space<hbm>> -> memref<1x272xi32, #tpu.memory_space<hbm>>
      %dma_start3A_177 = tpu.memref_squeeze %dma_start3A_176 : memref<1x272xi32, #tpu.memory_space<hbm>> -> memref<272xi32, #tpu.memory_space<hbm>>
      %dma_start3A_178 = arith.constant 0 : i32
      %dma_start3A_179 = tpu.memref_slice %arg2[%add3A_4, %dma_start3A_178] : memref<128x272xi32, #tpu.memory_space<hbm>> -> memref<1x272xi32, #tpu.memory_space<hbm>>
      %dma_start3A_180 = tpu.memref_squeeze %dma_start3A_179 : memref<1x272xi32, #tpu.memory_space<hbm>> -> memref<272xi32, #tpu.memory_space<hbm>>
      tpu.enqueue_dma source(%dma_start3A_180 : memref<272xi32, #tpu.memory_space<hbm>>) target(%arg4 : memref<272xi32, #tpu.memory_space<vmem>>) target_semaphore(%run_scoped3A : memref<!tpu.dma_semaphore, #tpu.memory_space<semaphore_mem>>)
      %dma_wait3A = arith.constant 0 : i32
      %dma_wait3A_181 = tpu.memref_slice %arg2[%add3A_4, %dma_wait3A] : memref<128x272xi32, #tpu.memory_space<hbm>> -> memref<1x272xi32, #tpu.memory_space<hbm>>
      %dma_wait3A_182 = tpu.memref_squeeze %dma_wait3A_181 : memref<1x272xi32, #tpu.memory_space<hbm>> -> memref<272xi32, #tpu.memory_space<hbm>>
      %dma_wait3A_183 = arith.constant 0 : i32
      %dma_wait3A_184 = tpu.memref_slice %arg2[%add3A_4, %dma_wait3A_183] : memref<128x272xi32, #tpu.memory_space<hbm>> -> memref<1x272xi32, #tpu.memory_space<hbm>>
      %dma_wait3A_185 = tpu.memref_squeeze %dma_wait3A_184 : memref<1x272xi32, #tpu.memory_space<hbm>> -> memref<272xi32, #tpu.memory_space<hbm>>
      tpu.wait_dma2 semaphore(%run_scoped3A : memref<!tpu.dma_semaphore, #tpu.memory_space<semaphore_mem>>) src(%dma_wait3A_185 : memref<272xi32, #tpu.memory_space<hbm>>) dst(%arg4 : memref<272xi32, #tpu.memory_space<vmem>>)
      tpu.yield
    }) : () -> ()
    %get3A = arith.constant 256 : index
    %get3A_5 = tpu.vector_load %arg4[%get3A] {strides = array<i32>} : memref<272xi32, #tpu.memory_space<vmem>>, vector<16xi32>,
    %bitcast3A = vector.bitcast %get3A_5 : vector<16xi32> to vector<16xf32>
    %slice3A = vector.extract_strided_slice %bitcast3A {offsets = [0], sizes = [1], strides = [1]} : vector<16xf32> to vector<1xf32>
    %squeeze3A = vector.extract %slice3A[0] : f32 from vector<1xf32>
    %broadcast_in_dim3A = arith.constant 0 : i32
    %broadcast_in_dim3A_6 = vector.broadcast %broadcast_in_dim3A : i32 to vector<16xi32>
    %scan3A = arith.constant 0 : i32
    %scan3A_7 = arith.constant 16 : i32
    %scan3A_8 = arith.addi %scan3A, %scan3A_7 : i32
    %scan3A_9 = arith.constant 1 : i32
    %scan3A_10 = scf.for %scan3A_176 = %scan3A to %scan3A_8 step %scan3A_9 iter_args(%scan3A_177 = %broadcast_in_dim3A_6) -> (vector<16xi32>)  : i32 {
      %mul3A_178 = arith.constant 16 : i32
      %mul3A_179 = arith.muli %scan3A_176, %mul3A_178 : i32
      %add3A_180 = vector.broadcast %mul3A_179 : i32 to vector<16xi32>
      %add3A_181 = arith.addi %add3A_180, %iota3A : vector<16xi32>
      %get3A_182 = arith.index_cast %mul3A_179 : i32 to index
      %get3A_183 = tpu.vector_load %arg4[%get3A_182] {strides = array<i32>} : memref<272xi32, #tpu.memory_space<vmem>>, vector<16xi32>,
      %shift_right_logical3A = arith.constant 8 : i32
      %shift_right_logical3A_184 = vector.broadcast %shift_right_logical3A : i32 to vector<16xi32>
      %shift_right_logical3A_185 = arith.shrui %get3A_183, %shift_right_logical3A_184 : vector<16xi32>
      %and3A = arith.constant 255 : i32
      %and3A_186 = vector.broadcast %and3A : i32 to vector<16xi32>
      %and3A_187 = arith.andi %get3A_183, %and3A_186 : vector<16xi32>
      %gather3A = tpu.vector_load_idx %arg4[%shift_right_logical3A_185] : memref<272xi32, #tpu.memory_space<vmem>>[vector<16xi32>], vector<16xi32>,
      %gather3A_188 = tpu.vector_load_idx %arg4[%and3A_187] : memref<272xi32, #tpu.memory_space<vmem>>[vector<16xi32>], vector<16xi32>,
      %shift_right_logical3A_189 = arith.constant 8 : i32
      %shift_right_logical3A_190 = vector.broadcast %shift_right_logical3A_189 : i32 to vector<16xi32>
      %shift_right_logical3A_191 = arith.shrui %gather3A, %shift_right_logical3A_190 : vector<16xi32>
      %eq3A_192 = arith.cmpi eq, %shift_right_logical3A_191, %add3A_181 : vector<16xi32>
      %and3A_193 = arith.constant 255 : i32
      %and3A_194 = vector.broadcast %and3A_193 : i32 to vector<16xi32>
      %and3A_195 = arith.andi %gather3A, %and3A_194 : vector<16xi32>
      %eq3A_196 = arith.cmpi eq, %and3A_195, %add3A_181 : vector<16xi32>
      %or3A = arith.ori %eq3A_192, %eq3A_196 : vector<16xi1>
      %ne3A = arith.cmpi ne, %shift_right_logical3A_185, %add3A_181 : vector<16xi32>
      %and3A_197 = arith.andi %or3A, %ne3A : vector<16xi1>
      %shift_right_logical3A_198 = arith.constant 8 : i32
      %shift_right_logical3A_199 = vector.broadcast %shift_right_logical3A_198 : i32 to vector<16xi32>
      %shift_right_logical3A_200 = arith.shrui %gather3A_188, %shift_right_logical3A_199 : vector<16xi32>
      %eq3A_201 = arith.cmpi eq, %shift_right_logical3A_200, %add3A_181 : vector<16xi32>
      %and3A_202 = arith.constant 255 : i32
      %and3A_203 = vector.broadcast %and3A_202 : i32 to vector<16xi32>
      %and3A_204 = arith.andi %gather3A_188, %and3A_203 : vector<16xi32>
      %eq3A_205 = arith.cmpi eq, %and3A_204, %add3A_181 : vector<16xi32>
      %or3A_206 = arith.ori %eq3A_201, %eq3A_205 : vector<16xi1>
      %ne3A_207 = arith.cmpi ne, %and3A_187, %add3A_181 : vector<16xi32>
      %and3A_208 = arith.andi %or3A_206, %ne3A_207 : vector<16xi1>
      %select_n3A_209 = arith.select %and3A_197, %shift_right_logical3A_185, %add3A_181 : vector<16xi1>, vector<16xi32>
      %swap3A_210 = arith.index_cast %mul3A_179 : i32 to index
      %swap3A_211 = tpu.vector_load %arg5[%swap3A_210] {strides = array<i32>} : memref<256xi32, #tpu.memory_space<vmem>>, vector<16xi32>,
      tpu.vector_store %arg5[%swap3A_210], %select_n3A_209 {strides = array<i32>} : memref<256xi32, #tpu.memory_space<vmem>>, vector<16xi32>,
      %select_n3A_212 = arith.select %and3A_208, %and3A_187, %add3A_181 : vector<16xi1>, vector<16xi32>
      %swap3A_213 = arith.index_cast %mul3A_179 : i32 to index
      %swap3A_214 = tpu.vector_load %arg6[%swap3A_213] {strides = array<i32>} : memref<256xi32, #tpu.memory_space<vmem>>, vector<16xi32>,
      tpu.vector_store %arg6[%swap3A_213], %select_n3A_212 {strides = array<i32>} : memref<256xi32, #tpu.memory_space<vmem>>, vector<16xi32>,
      %convert_element_type3A_215 = arith.extui %and3A_197 : vector<16xi1> to vector<16xi32>
      %add3A_216 = arith.addi %scan3A_177, %convert_element_type3A_215 : vector<16xi32>
      %convert_element_type3A_217 = arith.extui %and3A_208 : vector<16xi1> to vector<16xi32>
      %add3A_218 = arith.addi %add3A_216, %convert_element_type3A_217 : vector<16xi32>
      scf.yield %add3A_218 : vector<16xi32>
    }
    %scan3A_11 = arith.constant 16 : i32
    %reduce_sum3A = arith.constant true
    %reduce_sum3A_12 = vector.broadcast %reduce_sum3A : i1 to vector<16xi1>
    %reduce_sum3A_13 = tpu.scan <sum>, %scan3A_10 masked %reduce_sum3A_12 : vector<16xi32>, vector<16xi1> -> vector<16xi32>
    %reduce_sum3A_14 = vector.extract %reduce_sum3A_13[15] : i32 from vector<16xi32>
    %broadcast_in_dim3A_15 = arith.constant 0.000000e+00 : f32
    %broadcast_in_dim3A_16 = vector.broadcast %broadcast_in_dim3A_15 : f32 to vector<16xf32>
    %swap3A = arith.constant 0 : index
    %swap3A_17 = tpu.vector_load %arg11[%swap3A] {strides = array<i32>} : memref<16xf32, #tpu.memory_space<vmem>>, vector<16xf32>,
    tpu.vector_store %arg11[%swap3A], %broadcast_in_dim3A_16 {strides = array<i32>} : memref<16xf32, #tpu.memory_space<vmem>>, vector<16xf32>,
    %ge3A = arith.constant 510 : i32
    %ge3A_18 = arith.cmpi sge, %reduce_sum3A_14, %ge3A : i32
    %convert_element_type3A = arith.extui %ge3A_18 : i1 to i32
    %cond3A = arith.constant 0 : i32
    %cond3A_19 = arith.cmpi ne, %convert_element_type3A, %cond3A : i32
    scf.if %cond3A_19 {
      %scan3A_176 = arith.constant 0 : i32
      %scan3A_177 = arith.constant 0 : i32
      %scan3A_178 = arith.constant 16 : i32
      %scan3A_179 = arith.addi %scan3A_177, %scan3A_178 : i32
      %scan3A_180 = arith.constant 1 : i32
      %scan3A_181 = scf.for %scan3A_223 = %scan3A_177 to %scan3A_179 step %scan3A_180 iter_args(%scan3A_224 = %scan3A_176) -> (i32)  : i32 {
        %mul3A_225 = arith.constant 16 : i32
        %mul3A_226 = arith.muli %scan3A_223, %mul3A_225 : i32
        %add3A_227 = vector.broadcast %mul3A_226 : i32 to vector<16xi32>
        %add3A_228 = arith.addi %add3A_227, %iota3A : vector<16xi32>
        %get3A_229 = arith.index_cast %mul3A_226 : i32 to index
        %get3A_230 = tpu.vector_load %arg5[%get3A_229] {strides = array<i32>} : memref<256xi32, #tpu.memory_space<vmem>>, vector<16xi32>,
        %get3A_231 = arith.index_cast %mul3A_226 : i32 to index
        %get3A_232 = tpu.vector_load %arg6[%get3A_231] {strides = array<i32>} : memref<256xi32, #tpu.memory_space<vmem>>, vector<16xi32>,
        %gather3A = tpu.vector_load_idx %arg5[%get3A_230] : memref<256xi32, #tpu.memory_space<vmem>>[vector<16xi32>], vector<16xi32>,
        %gather3A_233 = tpu.vector_load_idx %arg5[%get3A_232] : memref<256xi32, #tpu.memory_space<vmem>>[vector<16xi32>], vector<16xi32>,
        %eq3A_234 = arith.cmpi eq, %get3A_230, %add3A_228 : vector<16xi32>
        %eq3A_235 = arith.cmpi eq, %gather3A, %add3A_228 : vector<16xi32>
        %add3A_236 = arith.constant 256 : i32
        %add3A_237 = vector.broadcast %add3A_236 : i32 to vector<16xi32>
        %add3A_238 = arith.addi %get3A_230, %add3A_237 : vector<16xi32>
        %select_n3A_239 = arith.select %eq3A_235, %add3A_238, %get3A_230 : vector<16xi1>, vector<16xi32>
        %select_n3A_240 = arith.select %eq3A_234, %add3A_228, %select_n3A_239 : vector<16xi1>, vector<16xi32>
        %eq3A_241 = arith.cmpi eq, %get3A_232, %add3A_228 : vector<16xi32>
        %add3A_242 = arith.constant 256 : i32
        %add3A_243 = vector.broadcast %add3A_242 : i32 to vector<16xi32>
        %add3A_244 = arith.addi %add3A_228, %add3A_243 : vector<16xi32>
        %eq3A_245 = arith.cmpi eq, %gather3A_233, %add3A_228 : vector<16xi32>
        %add3A_246 = arith.constant 256 : i32
        %add3A_247 = vector.broadcast %add3A_246 : i32 to vector<16xi32>
        %add3A_248 = arith.addi %get3A_232, %add3A_247 : vector<16xi32>
        %select_n3A_249 = arith.select %eq3A_245, %add3A_248, %get3A_232 : vector<16xi1>, vector<16xi32>
        %select_n3A_250 = arith.select %eq3A_241, %add3A_244, %select_n3A_249 : vector<16xi1>, vector<16xi32>
        %swap3A_251 = arith.index_cast %mul3A_226 : i32 to index
        %swap3A_252 = tpu.vector_load %arg7[%swap3A_251] {strides = array<i32>} : memref<512xi32, #tpu.memory_space<vmem>>, vector<16xi32>,
        tpu.vector_store %arg7[%swap3A_251], %get3A_230 {strides = array<i32>} : memref<512xi32, #tpu.memory_space<vmem>>, vector<16xi32>,
        %add3A_253 = arith.constant 256 : i32
        %add3A_254 = arith.addi %mul3A_226, %add3A_253 : i32
        %swap3A_255 = arith.index_cast %add3A_254 : i32 to index
        %swap3A_256 = tpu.vector_load %arg7[%swap3A_255] {strides = array<i32>} : memref<512xi32, #tpu.memory_space<vmem>>, vector<16xi32>,
        tpu.vector_store %arg7[%swap3A_255], %get3A_232 {strides = array<i32>} : memref<512xi32, #tpu.memory_space<vmem>>, vector<16xi32>,
        %swap3A_257 = arith.index_cast %mul3A_226 : i32 to index
        %swap3A_258 = tpu.vector_load %arg8[%swap3A_257] {strides = array<i32>} : memref<512xi32, #tpu.memory_space<vmem>>, vector<16xi32>,
        tpu.vector_store %arg8[%swap3A_257], %select_n3A_240 {strides = array<i32>} : memref<512xi32, #tpu.memory_space<vmem>>, vector<16xi32>,
        %add3A_259 = arith.constant 256 : i32
        %add3A_260 = arith.addi %mul3A_226, %add3A_259 : i32
        %swap3A_261 = arith.index_cast %add3A_260 : i32 to index
        %swap3A_262 = tpu.vector_load %arg8[%swap3A_261] {strides = array<i32>} : memref<512xi32, #tpu.memory_space<vmem>>, vector<16xi32>,
        tpu.vector_store %arg8[%swap3A_261], %select_n3A_250 {strides = array<i32>} : memref<512xi32, #tpu.memory_space<vmem>>, vector<16xi32>,
        %scan3A_263 = arith.constant 0 : i32
        scf.yield %scan3A_263 : i32
      }
      %scan3A_182 = arith.constant 16 : i32
      %scan3A_183 = arith.constant 0 : i32
      %scan3A_184 = arith.constant 0 : i32
      %scan3A_185 = arith.constant 9 : i32
      %scan3A_186 = arith.addi %scan3A_184, %scan3A_185 : i32
      %scan3A_187 = arith.constant 1 : i32
      %scan3A_188 = scf.for %scan3A_223 = %scan3A_184 to %scan3A_186 step %scan3A_187 iter_args(%scan3A_224 = %scan3A_183) -> (i32)  : i32 {
        %scan3A_225 = arith.constant 0 : i32
        %scan3A_226 = arith.constant 0 : i32
        %scan3A_227 = arith.constant 32 : i32
        %scan3A_228 = arith.addi %scan3A_226, %scan3A_227 : i32
        %scan3A_229 = arith.constant 1 : i32
        %scan3A_230 = scf.for %scan3A_233 = %scan3A_226 to %scan3A_228 step %scan3A_229 iter_args(%scan3A_234 = %scan3A_225) -> (i32)  : i32 {
          %mul3A_235 = arith.constant 16 : i32
          %mul3A_236 = arith.muli %scan3A_233, %mul3A_235 : i32
          %get3A_237 = arith.index_cast %mul3A_236 : i32 to index
          %get3A_238 = tpu.vector_load %arg7[%get3A_237] {strides = array<i32>} : memref<512xi32, #tpu.memory_space<vmem>>, vector<16xi32>,
          %get3A_239 = arith.index_cast %mul3A_236 : i32 to index
          %get3A_240 = tpu.vector_load %arg8[%get3A_239] {strides = array<i32>} : memref<512xi32, #tpu.memory_space<vmem>>, vector<16xi32>,
          %gather3A = tpu.vector_load_idx %arg7[%get3A_240] : memref<512xi32, #tpu.memory_space<vmem>>[vector<16xi32>], vector<16xi32>,
          %gather3A_241 = tpu.vector_load_idx %arg8[%get3A_240] : memref<512xi32, #tpu.memory_space<vmem>>[vector<16xi32>], vector<16xi32>,
          %min3A = arith.minsi %get3A_238, %gather3A : vector<16xi32>
          %swap3A_242 = arith.index_cast %mul3A_236 : i32 to index
          %swap3A_243 = tpu.vector_load %arg7[%swap3A_242] {strides = array<i32>} : memref<512xi32, #tpu.memory_space<vmem>>, vector<16xi32>,
          tpu.vector_store %arg7[%swap3A_242], %min3A {strides = array<i32>} : memref<512xi32, #tpu.memory_space<vmem>>, vector<16xi32>,
          %swap3A_244 = arith.index_cast %mul3A_236 : i32 to index
          %swap3A_245 = tpu.vector_load %arg8[%swap3A_244] {strides = array<i32>} : memref<512xi32, #tpu.memory_space<vmem>>, vector<16xi32>,
          tpu.vector_store %arg8[%swap3A_244], %gather3A_241 {strides = array<i32>} : memref<512xi32, #tpu.memory_space<vmem>>, vector<16xi32>,
          %scan3A_246 = arith.constant 0 : i32
          scf.yield %scan3A_246 : i32
        }
        %scan3A_231 = arith.constant 32 : i32
        %scan3A_232 = arith.constant 0 : i32
        scf.yield %scan3A_232 : i32
      }
      %scan3A_189 = arith.constant 9 : i32
      %broadcast_in_dim3A_190 = arith.constant 0 : i32
      %broadcast_in_dim3A_191 = vector.broadcast %broadcast_in_dim3A_190 : i32 to vector<16xi32>
      %scan3A_192 = arith.constant 0 : i32
      %scan3A_193 = arith.constant 16 : i32
      %scan3A_194 = arith.addi %scan3A_192, %scan3A_193 : i32
      %scan3A_195 = arith.constant 1 : i32
      %scan3A_196 = scf.for %scan3A_223 = %scan3A_192 to %scan3A_194 step %scan3A_195 iter_args(%scan3A_224 = %broadcast_in_dim3A_191) -> (vector<16xi32>)  : i32 {
        %mul3A_225 = arith.constant 16 : i32
        %mul3A_226 = arith.muli %scan3A_223, %mul3A_225 : i32
        %add3A_227 = vector.broadcast %mul3A_226 : i32 to vector<16xi32>
        %add3A_228 = arith.addi %add3A_227, %iota3A : vector<16xi32>
        %get3A_229 = arith.index_cast %mul3A_226 : i32 to index
        %get3A_230 = tpu.vector_load %arg7[%get3A_229] {strides = array<i32>} : memref<512xi32, #tpu.memory_space<vmem>>, vector<16xi32>,
        %add3A_231 = arith.constant 256 : i32
        %add3A_232 = arith.addi %mul3A_226, %add3A_231 : i32
        %get3A_233 = arith.index_cast %add3A_232 : i32 to index
        %get3A_234 = tpu.vector_load %arg7[%get3A_233] {strides = array<i32>} : memref<512xi32, #tpu.memory_space<vmem>>, vector<16xi32>,
        %min3A = arith.minsi %get3A_230, %get3A_234 : vector<16xi32>
        %min3A_235 = arith.minsi %add3A_228, %min3A : vector<16xi32>
        %max3A = arith.maxsi %scan3A_224, %min3A_235 : vector<16xi32>
        scf.yield %max3A : vector<16xi32>
      }
      %scan3A_197 = arith.constant 16 : i32
      %reduce_max3A = arith.constant true
      %reduce_max3A_198 = vector.broadcast %reduce_max3A : i1 to vector<16xi1>
      %reduce_max3A_199 = arith.constant -2147483648 : i32
      %reduce_max3A_200 = vector.broadcast %reduce_max3A_199 : i32 to vector<16xi32>
      %reduce_max3A_201 = arith.xori %scan3A_196, %reduce_max3A_200 : vector<16xi32>
      %reduce_max3A_202 = tpu.scan <max>, %reduce_max3A_201 masked %reduce_max3A_198 : vector<16xi32>, vector<16xi1> -> vector<16xi32>
      %reduce_max3A_203 = arith.xori %reduce_max3A_202, %reduce_max3A_200 : vector<16xi32>
      %reduce_max3A_204 = vector.extract %reduce_max3A_203[15] : i32 from vector<16xi32>
      %eq3A_205 = arith.constant 0 : i32
      %eq3A_206 = arith.cmpi eq, %reduce_max3A_204, %eq3A_205 : i32
      %eq3A_207 = arith.constant 512 : i32
      %eq3A_208 = arith.cmpi eq, %reduce_sum3A_14, %eq3A_207 : i32
      %jit3A_209 = arith.constant 6.02362619E-4 : f32
      %jit3A_210 = arith.constant 1.50596316E-4 : f32
      %select_n3A_211 = arith.select %eq3A_208, %jit3A_209, %jit3A_210 : f32
      %jit3A_212 = arith.constant 0.000000e+00 : f32
      %select_n3A_213 = arith.select %eq3A_206, %select_n3A_211, %jit3A_212 : f32
      %eq3A_214 = arith.constant 0 : i32
      %eq3A_215 = vector.broadcast %eq3A_214 : i32 to vector<16xi32>
      %eq3A_216 = arith.cmpi eq, %iota3A, %eq3A_215 : vector<16xi32>
      %jit3A_217 = arith.constant 0.000000e+00 : f32
      %broadcast_in_dim3A_218 = vector.broadcast %select_n3A_213 : f32 to vector<16xf32>
      %broadcast_in_dim3A_219 = vector.broadcast %jit3A_217 : f32 to vector<16xf32>
      %select_n3A_220 = arith.select %eq3A_216, %broadcast_in_dim3A_218, %broadcast_in_dim3A_219 : vector<16xi1>, vector<16xf32>
      %swap3A_221 = arith.constant 0 : index
      %swap3A_222 = tpu.vector_load %arg11[%swap3A_221] {strides = array<i32>} : memref<16xf32, #tpu.memory_space<vmem>>, vector<16xf32>,
      tpu.vector_store %arg11[%swap3A_221], %select_n3A_220 {strides = array<i32>} : memref<16xf32, #tpu.memory_space<vmem>>, vector<16xf32>,
    } else {
    }
    %get3A_20 = arith.constant 0 : index
    %get3A_21 = tpu.vector_load %arg11[%get3A_20] {strides = array<i32>} : memref<16xf32, #tpu.memory_space<vmem>>, vector<16xf32>,
    %slice3A_22 = vector.extract_strided_slice %get3A_21 {offsets = [0], sizes = [1], strides = [1]} : vector<16xf32> to vector<1xf32>
    %squeeze3A_23 = vector.extract %slice3A_22[0] : f32 from vector<1xf32>
    %sub3A = arith.constant 6.02362619E-4 : f32
    %sub3A_24 = arith.subf %squeeze3A_23, %sub3A : f32
    %add3A_25 = arith.constant 0.000000e+00 : f32
    %add3A_26 = arith.addf %add3A_25, %squeeze3A : f32
    %mul3A_27 = arith.constant 0.00999999977 : f32
    %mul3A_28 = arith.mulf %mul3A_27, %sub3A_24 : f32
    %mul3A_29 = arith.mulf %mul3A_28, %sub3A_24 : f32
    %add3A_30 = arith.addf %add3A_26, %mul3A_29 : f32
    %mul3A_31 = arith.constant 16 : i32
    %mul3A_32 = arith.muli %arg0, %mul3A_31 : i32
    %add3A_33 = arith.addi %mul3A_32, %arg1 : i32
    %mul3A_34 = arith.constant 4 : i32
    %mul3A_35 = arith.muli %add3A_33, %mul3A_34 : i32
    %add3A_36 = arith.constant 1 : i32
    %add3A_37 = arith.addi %mul3A_35, %add3A_36 : i32
    "tpu.region"() ({
      %run_scoped3A = tpu.sem_alloc : memref<!tpu.dma_semaphore, #tpu.memory_space<semaphore_mem>>
      %dma_start3A = arith.constant 0 : i32
      %dma_start3A_176 = tpu.memref_slice %arg2[%add3A_37, %dma_start3A] : memref<128x272xi32, #tpu.memory_space<hbm>> -> memref<1x272xi32, #tpu.memory_space<hbm>>
      %dma_start3A_177 = tpu.memref_squeeze %dma_start3A_176 : memref<1x272xi32, #tpu.memory_space<hbm>> -> memref<272xi32, #tpu.memory_space<hbm>>
      %dma_start3A_178 = arith.constant 0 : i32
      %dma_start3A_179 = tpu.memref_slice %arg2[%add3A_37, %dma_start3A_178] : memref<128x272xi32, #tpu.memory_space<hbm>> -> memref<1x272xi32, #tpu.memory_space<hbm>>
      %dma_start3A_180 = tpu.memref_squeeze %dma_start3A_179 : memref<1x272xi32, #tpu.memory_space<hbm>> -> memref<272xi32, #tpu.memory_space<hbm>>
      tpu.enqueue_dma source(%dma_start3A_180 : memref<272xi32, #tpu.memory_space<hbm>>) target(%arg4 : memref<272xi32, #tpu.memory_space<vmem>>) target_semaphore(%run_scoped3A : memref<!tpu.dma_semaphore, #tpu.memory_space<semaphore_mem>>)
      %dma_wait3A = arith.constant 0 : i32
      %dma_wait3A_181 = tpu.memref_slice %arg2[%add3A_37, %dma_wait3A] : memref<128x272xi32, #tpu.memory_space<hbm>> -> memref<1x272xi32, #tpu.memory_space<hbm>>
      %dma_wait3A_182 = tpu.memref_squeeze %dma_wait3A_181 : memref<1x272xi32, #tpu.memory_space<hbm>> -> memref<272xi32, #tpu.memory_space<hbm>>
      %dma_wait3A_183 = arith.constant 0 : i32
      %dma_wait3A_184 = tpu.memref_slice %arg2[%add3A_37, %dma_wait3A_183] : memref<128x272xi32, #tpu.memory_space<hbm>> -> memref<1x272xi32, #tpu.memory_space<hbm>>
      %dma_wait3A_185 = tpu.memref_squeeze %dma_wait3A_184 : memref<1x272xi32, #tpu.memory_space<hbm>> -> memref<272xi32, #tpu.memory_space<hbm>>
      tpu.wait_dma2 semaphore(%run_scoped3A : memref<!tpu.dma_semaphore, #tpu.memory_space<semaphore_mem>>) src(%dma_wait3A_185 : memref<272xi32, #tpu.memory_space<hbm>>) dst(%arg4 : memref<272xi32, #tpu.memory_space<vmem>>)
      tpu.yield
    }) : () -> ()
    %get3A_38 = arith.constant 256 : index
    %get3A_39 = tpu.vector_load %arg4[%get3A_38] {strides = array<i32>} : memref<272xi32, #tpu.memory_space<vmem>>, vector<16xi32>,
    %bitcast3A_40 = vector.bitcast %get3A_39 : vector<16xi32> to vector<16xf32>
    %slice3A_41 = vector.extract_strided_slice %bitcast3A_40 {offsets = [0], sizes = [1], strides = [1]} : vector<16xf32> to vector<1xf32>
    %squeeze3A_42 = vector.extract %slice3A_41[0] : f32 from vector<1xf32>
    %broadcast_in_dim3A_43 = arith.constant 0 : i32
    %broadcast_in_dim3A_44 = vector.broadcast %broadcast_in_dim3A_43 : i32 to vector<16xi32>
    %scan3A_45 = arith.constant 0 : i32
    %scan3A_46 = arith.constant 16 : i32
    %scan3A_47 = arith.addi %scan3A_45, %scan3A_46 : i32
    %scan3A_48 = arith.constant 1 : i32
    %scan3A_49 = scf.for %scan3A_176 = %scan3A_45 to %scan3A_47 step %scan3A_48 iter_args(%scan3A_177 = %broadcast_in_dim3A_44) -> (vector<16xi32>)  : i32 {
      %mul3A_178 = arith.constant 16 : i32
      %mul3A_179 = arith.muli %scan3A_176, %mul3A_178 : i32
      %add3A_180 = vector.broadcast %mul3A_179 : i32 to vector<16xi32>
      %add3A_181 = arith.addi %add3A_180, %iota3A : vector<16xi32>
      %get3A_182 = arith.index_cast %mul3A_179 : i32 to index
      %get3A_183 = tpu.vector_load %arg4[%get3A_182] {strides = array<i32>} : memref<272xi32, #tpu.memory_space<vmem>>, vector<16xi32>,
      %shift_right_logical3A = arith.constant 8 : i32
      %shift_right_logical3A_184 = vector.broadcast %shift_right_logical3A : i32 to vector<16xi32>
      %shift_right_logical3A_185 = arith.shrui %get3A_183, %shift_right_logical3A_184 : vector<16xi32>
      %and3A = arith.constant 255 : i32
      %and3A_186 = vector.broadcast %and3A : i32 to vector<16xi32>
      %and3A_187 = arith.andi %get3A_183, %and3A_186 : vector<16xi32>
      %gather3A = tpu.vector_load_idx %arg4[%shift_right_logical3A_185] : memref<272xi32, #tpu.memory_space<vmem>>[vector<16xi32>], vector<16xi32>,
      %gather3A_188 = tpu.vector_load_idx %arg4[%and3A_187] : memref<272xi32, #tpu.memory_space<vmem>>[vector<16xi32>], vector<16xi32>,
      %shift_right_logical3A_189 = arith.constant 8 : i32
      %shift_right_logical3A_190 = vector.broadcast %shift_right_logical3A_189 : i32 to vector<16xi32>
      %shift_right_logical3A_191 = arith.shrui %gather3A, %shift_right_logical3A_190 : vector<16xi32>
      %eq3A_192 = arith.cmpi eq, %shift_right_logical3A_191, %add3A_181 : vector<16xi32>
      %and3A_193 = arith.constant 255 : i32
      %and3A_194 = vector.broadcast %and3A_193 : i32 to vector<16xi32>
      %and3A_195 = arith.andi %gather3A, %and3A_194 : vector<16xi32>
      %eq3A_196 = arith.cmpi eq, %and3A_195, %add3A_181 : vector<16xi32>
      %or3A = arith.ori %eq3A_192, %eq3A_196 : vector<16xi1>
      %ne3A = arith.cmpi ne, %shift_right_logical3A_185, %add3A_181 : vector<16xi32>
      %and3A_197 = arith.andi %or3A, %ne3A : vector<16xi1>
      %shift_right_logical3A_198 = arith.constant 8 : i32
      %shift_right_logical3A_199 = vector.broadcast %shift_right_logical3A_198 : i32 to vector<16xi32>
      %shift_right_logical3A_200 = arith.shrui %gather3A_188, %shift_right_logical3A_199 : vector<16xi32>
      %eq3A_201 = arith.cmpi eq, %shift_right_logical3A_200, %add3A_181 : vector<16xi32>
      %and3A_202 = arith.constant 255 : i32
      %and3A_203 = vector.broadcast %and3A_202 : i32 to vector<16xi32>
      %and3A_204 = arith.andi %gather3A_188, %and3A_203 : vector<16xi32>
      %eq3A_205 = arith.cmpi eq, %and3A_204, %add3A_181 : vector<16xi32>
      %or3A_206 = arith.ori %eq3A_201, %eq3A_205 : vector<16xi1>
      %ne3A_207 = arith.cmpi ne, %and3A_187, %add3A_181 : vector<16xi32>
      %and3A_208 = arith.andi %or3A_206, %ne3A_207 : vector<16xi1>
      %select_n3A_209 = arith.select %and3A_197, %shift_right_logical3A_185, %add3A_181 : vector<16xi1>, vector<16xi32>
      %swap3A_210 = arith.index_cast %mul3A_179 : i32 to index
      %swap3A_211 = tpu.vector_load %arg5[%swap3A_210] {strides = array<i32>} : memref<256xi32, #tpu.memory_space<vmem>>, vector<16xi32>,
      tpu.vector_store %arg5[%swap3A_210], %select_n3A_209 {strides = array<i32>} : memref<256xi32, #tpu.memory_space<vmem>>, vector<16xi32>,
      %select_n3A_212 = arith.select %and3A_208, %and3A_187, %add3A_181 : vector<16xi1>, vector<16xi32>
      %swap3A_213 = arith.index_cast %mul3A_179 : i32 to index
      %swap3A_214 = tpu.vector_load %arg6[%swap3A_213] {strides = array<i32>} : memref<256xi32, #tpu.memory_space<vmem>>, vector<16xi32>,
      tpu.vector_store %arg6[%swap3A_213], %select_n3A_212 {strides = array<i32>} : memref<256xi32, #tpu.memory_space<vmem>>, vector<16xi32>,
      %convert_element_type3A_215 = arith.extui %and3A_197 : vector<16xi1> to vector<16xi32>
      %add3A_216 = arith.addi %scan3A_177, %convert_element_type3A_215 : vector<16xi32>
      %convert_element_type3A_217 = arith.extui %and3A_208 : vector<16xi1> to vector<16xi32>
      %add3A_218 = arith.addi %add3A_216, %convert_element_type3A_217 : vector<16xi32>
      scf.yield %add3A_218 : vector<16xi32>
    }
    %scan3A_50 = arith.constant 16 : i32
    %reduce_sum3A_51 = arith.constant true
    %reduce_sum3A_52 = vector.broadcast %reduce_sum3A_51 : i1 to vector<16xi1>
    %reduce_sum3A_53 = tpu.scan <sum>, %scan3A_49 masked %reduce_sum3A_52 : vector<16xi32>, vector<16xi1> -> vector<16xi32>
    %reduce_sum3A_54 = vector.extract %reduce_sum3A_53[15] : i32 from vector<16xi32>
    %broadcast_in_dim3A_55 = arith.constant 0.000000e+00 : f32
    %broadcast_in_dim3A_56 = vector.broadcast %broadcast_in_dim3A_55 : f32 to vector<16xf32>
    %swap3A_57 = arith.constant 0 : index
    %swap3A_58 = tpu.vector_load %arg11[%swap3A_57] {strides = array<i32>} : memref<16xf32, #tpu.memory_space<vmem>>, vector<16xf32>,
    tpu.vector_store %arg11[%swap3A_57], %broadcast_in_dim3A_56 {strides = array<i32>} : memref<16xf32, #tpu.memory_space<vmem>>, vector<16xf32>,
    %ge3A_59 = arith.constant 510 : i32
    %ge3A_60 = arith.cmpi sge, %reduce_sum3A_54, %ge3A_59 : i32
    %convert_element_type3A_61 = arith.extui %ge3A_60 : i1 to i32
    %cond3A_62 = arith.constant 0 : i32
    %cond3A_63 = arith.cmpi ne, %convert_element_type3A_61, %cond3A_62 : i32
    scf.if %cond3A_63 {
      %scan3A_176 = arith.constant 0 : i32
      %scan3A_177 = arith.constant 0 : i32
      %scan3A_178 = arith.constant 16 : i32
      %scan3A_179 = arith.addi %scan3A_177, %scan3A_178 : i32
      %scan3A_180 = arith.constant 1 : i32
      %scan3A_181 = scf.for %scan3A_223 = %scan3A_177 to %scan3A_179 step %scan3A_180 iter_args(%scan3A_224 = %scan3A_176) -> (i32)  : i32 {
        %mul3A_225 = arith.constant 16 : i32
        %mul3A_226 = arith.muli %scan3A_223, %mul3A_225 : i32
        %add3A_227 = vector.broadcast %mul3A_226 : i32 to vector<16xi32>
        %add3A_228 = arith.addi %add3A_227, %iota3A : vector<16xi32>
        %get3A_229 = arith.index_cast %mul3A_226 : i32 to index
        %get3A_230 = tpu.vector_load %arg5[%get3A_229] {strides = array<i32>} : memref<256xi32, #tpu.memory_space<vmem>>, vector<16xi32>,
        %get3A_231 = arith.index_cast %mul3A_226 : i32 to index
        %get3A_232 = tpu.vector_load %arg6[%get3A_231] {strides = array<i32>} : memref<256xi32, #tpu.memory_space<vmem>>, vector<16xi32>,
        %gather3A = tpu.vector_load_idx %arg5[%get3A_230] : memref<256xi32, #tpu.memory_space<vmem>>[vector<16xi32>], vector<16xi32>,
        %gather3A_233 = tpu.vector_load_idx %arg5[%get3A_232] : memref<256xi32, #tpu.memory_space<vmem>>[vector<16xi32>], vector<16xi32>,
        %eq3A_234 = arith.cmpi eq, %get3A_230, %add3A_228 : vector<16xi32>
        %eq3A_235 = arith.cmpi eq, %gather3A, %add3A_228 : vector<16xi32>
        %add3A_236 = arith.constant 256 : i32
        %add3A_237 = vector.broadcast %add3A_236 : i32 to vector<16xi32>
        %add3A_238 = arith.addi %get3A_230, %add3A_237 : vector<16xi32>
        %select_n3A_239 = arith.select %eq3A_235, %add3A_238, %get3A_230 : vector<16xi1>, vector<16xi32>
        %select_n3A_240 = arith.select %eq3A_234, %add3A_228, %select_n3A_239 : vector<16xi1>, vector<16xi32>
        %eq3A_241 = arith.cmpi eq, %get3A_232, %add3A_228 : vector<16xi32>
        %add3A_242 = arith.constant 256 : i32
        %add3A_243 = vector.broadcast %add3A_242 : i32 to vector<16xi32>
        %add3A_244 = arith.addi %add3A_228, %add3A_243 : vector<16xi32>
        %eq3A_245 = arith.cmpi eq, %gather3A_233, %add3A_228 : vector<16xi32>
        %add3A_246 = arith.constant 256 : i32
        %add3A_247 = vector.broadcast %add3A_246 : i32 to vector<16xi32>
        %add3A_248 = arith.addi %get3A_232, %add3A_247 : vector<16xi32>
        %select_n3A_249 = arith.select %eq3A_245, %add3A_248, %get3A_232 : vector<16xi1>, vector<16xi32>
        %select_n3A_250 = arith.select %eq3A_241, %add3A_244, %select_n3A_249 : vector<16xi1>, vector<16xi32>
        %swap3A_251 = arith.index_cast %mul3A_226 : i32 to index
        %swap3A_252 = tpu.vector_load %arg7[%swap3A_251] {strides = array<i32>} : memref<512xi32, #tpu.memory_space<vmem>>, vector<16xi32>,
        tpu.vector_store %arg7[%swap3A_251], %get3A_230 {strides = array<i32>} : memref<512xi32, #tpu.memory_space<vmem>>, vector<16xi32>,
        %add3A_253 = arith.constant 256 : i32
        %add3A_254 = arith.addi %mul3A_226, %add3A_253 : i32
        %swap3A_255 = arith.index_cast %add3A_254 : i32 to index
        %swap3A_256 = tpu.vector_load %arg7[%swap3A_255] {strides = array<i32>} : memref<512xi32, #tpu.memory_space<vmem>>, vector<16xi32>,
        tpu.vector_store %arg7[%swap3A_255], %get3A_232 {strides = array<i32>} : memref<512xi32, #tpu.memory_space<vmem>>, vector<16xi32>,
        %swap3A_257 = arith.index_cast %mul3A_226 : i32 to index
        %swap3A_258 = tpu.vector_load %arg8[%swap3A_257] {strides = array<i32>} : memref<512xi32, #tpu.memory_space<vmem>>, vector<16xi32>,
        tpu.vector_store %arg8[%swap3A_257], %select_n3A_240 {strides = array<i32>} : memref<512xi32, #tpu.memory_space<vmem>>, vector<16xi32>,
        %add3A_259 = arith.constant 256 : i32
        %add3A_260 = arith.addi %mul3A_226, %add3A_259 : i32
        %swap3A_261 = arith.index_cast %add3A_260 : i32 to index
        %swap3A_262 = tpu.vector_load %arg8[%swap3A_261] {strides = array<i32>} : memref<512xi32, #tpu.memory_space<vmem>>, vector<16xi32>,
        tpu.vector_store %arg8[%swap3A_261], %select_n3A_250 {strides = array<i32>} : memref<512xi32, #tpu.memory_space<vmem>>, vector<16xi32>,
        %scan3A_263 = arith.constant 0 : i32
        scf.yield %scan3A_263 : i32
      }
      %scan3A_182 = arith.constant 16 : i32
      %scan3A_183 = arith.constant 0 : i32
      %scan3A_184 = arith.constant 0 : i32
      %scan3A_185 = arith.constant 9 : i32
      %scan3A_186 = arith.addi %scan3A_184, %scan3A_185 : i32
      %scan3A_187 = arith.constant 1 : i32
      %scan3A_188 = scf.for %scan3A_223 = %scan3A_184 to %scan3A_186 step %scan3A_187 iter_args(%scan3A_224 = %scan3A_183) -> (i32)  : i32 {
        %scan3A_225 = arith.constant 0 : i32
        %scan3A_226 = arith.constant 0 : i32
        %scan3A_227 = arith.constant 32 : i32
        %scan3A_228 = arith.addi %scan3A_226, %scan3A_227 : i32
        %scan3A_229 = arith.constant 1 : i32
        %scan3A_230 = scf.for %scan3A_233 = %scan3A_226 to %scan3A_228 step %scan3A_229 iter_args(%scan3A_234 = %scan3A_225) -> (i32)  : i32 {
          %mul3A_235 = arith.constant 16 : i32
          %mul3A_236 = arith.muli %scan3A_233, %mul3A_235 : i32
          %get3A_237 = arith.index_cast %mul3A_236 : i32 to index
          %get3A_238 = tpu.vector_load %arg7[%get3A_237] {strides = array<i32>} : memref<512xi32, #tpu.memory_space<vmem>>, vector<16xi32>,
          %get3A_239 = arith.index_cast %mul3A_236 : i32 to index
          %get3A_240 = tpu.vector_load %arg8[%get3A_239] {strides = array<i32>} : memref<512xi32, #tpu.memory_space<vmem>>, vector<16xi32>,
          %gather3A = tpu.vector_load_idx %arg7[%get3A_240] : memref<512xi32, #tpu.memory_space<vmem>>[vector<16xi32>], vector<16xi32>,
          %gather3A_241 = tpu.vector_load_idx %arg8[%get3A_240] : memref<512xi32, #tpu.memory_space<vmem>>[vector<16xi32>], vector<16xi32>,
          %min3A = arith.minsi %get3A_238, %gather3A : vector<16xi32>
          %swap3A_242 = arith.index_cast %mul3A_236 : i32 to index
          %swap3A_243 = tpu.vector_load %arg7[%swap3A_242] {strides = array<i32>} : memref<512xi32, #tpu.memory_space<vmem>>, vector<16xi32>,
          tpu.vector_store %arg7[%swap3A_242], %min3A {strides = array<i32>} : memref<512xi32, #tpu.memory_space<vmem>>, vector<16xi32>,
          %swap3A_244 = arith.index_cast %mul3A_236 : i32 to index
          %swap3A_245 = tpu.vector_load %arg8[%swap3A_244] {strides = array<i32>} : memref<512xi32, #tpu.memory_space<vmem>>, vector<16xi32>,
          tpu.vector_store %arg8[%swap3A_244], %gather3A_241 {strides = array<i32>} : memref<512xi32, #tpu.memory_space<vmem>>, vector<16xi32>,
          %scan3A_246 = arith.constant 0 : i32
          scf.yield %scan3A_246 : i32
        }
        %scan3A_231 = arith.constant 32 : i32
        %scan3A_232 = arith.constant 0 : i32
        scf.yield %scan3A_232 : i32
      }
      %scan3A_189 = arith.constant 9 : i32
      %broadcast_in_dim3A_190 = arith.constant 0 : i32
      %broadcast_in_dim3A_191 = vector.broadcast %broadcast_in_dim3A_190 : i32 to vector<16xi32>
      %scan3A_192 = arith.constant 0 : i32
      %scan3A_193 = arith.constant 16 : i32
      %scan3A_194 = arith.addi %scan3A_192, %scan3A_193 : i32
      %scan3A_195 = arith.constant 1 : i32
      %scan3A_196 = scf.for %scan3A_223 = %scan3A_192 to %scan3A_194 step %scan3A_195 iter_args(%scan3A_224 = %broadcast_in_dim3A_191) -> (vector<16xi32>)  : i32 {
        %mul3A_225 = arith.constant 16 : i32
        %mul3A_226 = arith.muli %scan3A_223, %mul3A_225 : i32
        %add3A_227 = vector.broadcast %mul3A_226 : i32 to vector<16xi32>
        %add3A_228 = arith.addi %add3A_227, %iota3A : vector<16xi32>
        %get3A_229 = arith.index_cast %mul3A_226 : i32 to index
        %get3A_230 = tpu.vector_load %arg7[%get3A_229] {strides = array<i32>} : memref<512xi32, #tpu.memory_space<vmem>>, vector<16xi32>,
        %add3A_231 = arith.constant 256 : i32
        %add3A_232 = arith.addi %mul3A_226, %add3A_231 : i32
        %get3A_233 = arith.index_cast %add3A_232 : i32 to index
        %get3A_234 = tpu.vector_load %arg7[%get3A_233] {strides = array<i32>} : memref<512xi32, #tpu.memory_space<vmem>>, vector<16xi32>,
        %min3A = arith.minsi %get3A_230, %get3A_234 : vector<16xi32>
        %min3A_235 = arith.minsi %add3A_228, %min3A : vector<16xi32>
        %max3A = arith.maxsi %scan3A_224, %min3A_235 : vector<16xi32>
        scf.yield %max3A : vector<16xi32>
      }
      %scan3A_197 = arith.constant 16 : i32
      %reduce_max3A = arith.constant true
      %reduce_max3A_198 = vector.broadcast %reduce_max3A : i1 to vector<16xi1>
      %reduce_max3A_199 = arith.constant -2147483648 : i32
      %reduce_max3A_200 = vector.broadcast %reduce_max3A_199 : i32 to vector<16xi32>
      %reduce_max3A_201 = arith.xori %scan3A_196, %reduce_max3A_200 : vector<16xi32>
      %reduce_max3A_202 = tpu.scan <max>, %reduce_max3A_201 masked %reduce_max3A_198 : vector<16xi32>, vector<16xi1> -> vector<16xi32>
      %reduce_max3A_203 = arith.xori %reduce_max3A_202, %reduce_max3A_200 : vector<16xi32>
      %reduce_max3A_204 = vector.extract %reduce_max3A_203[15] : i32 from vector<16xi32>
      %eq3A_205 = arith.constant 0 : i32
      %eq3A_206 = arith.cmpi eq, %reduce_max3A_204, %eq3A_205 : i32
      %eq3A_207 = arith.constant 512 : i32
      %eq3A_208 = arith.cmpi eq, %reduce_sum3A_54, %eq3A_207 : i32
      %jit3A_209 = arith.constant 6.02362619E-4 : f32
      %jit3A_210 = arith.constant 1.50596316E-4 : f32
      %select_n3A_211 = arith.select %eq3A_208, %jit3A_209, %jit3A_210 : f32
      %jit3A_212 = arith.constant 0.000000e+00 : f32
      %select_n3A_213 = arith.select %eq3A_206, %select_n3A_211, %jit3A_212 : f32
      %eq3A_214 = arith.constant 0 : i32
      %eq3A_215 = vector.broadcast %eq3A_214 : i32 to vector<16xi32>
      %eq3A_216 = arith.cmpi eq, %iota3A, %eq3A_215 : vector<16xi32>
      %jit3A_217 = arith.constant 0.000000e+00 : f32
      %broadcast_in_dim3A_218 = vector.broadcast %select_n3A_213 : f32 to vector<16xf32>
      %broadcast_in_dim3A_219 = vector.broadcast %jit3A_217 : f32 to vector<16xf32>
      %select_n3A_220 = arith.select %eq3A_216, %broadcast_in_dim3A_218, %broadcast_in_dim3A_219 : vector<16xi1>, vector<16xf32>
      %swap3A_221 = arith.constant 0 : index
      %swap3A_222 = tpu.vector_load %arg11[%swap3A_221] {strides = array<i32>} : memref<16xf32, #tpu.memory_space<vmem>>, vector<16xf32>,
      tpu.vector_store %arg11[%swap3A_221], %select_n3A_220 {strides = array<i32>} : memref<16xf32, #tpu.memory_space<vmem>>, vector<16xf32>,
    } else {
    }
    %get3A_64 = arith.constant 0 : index
    %get3A_65 = tpu.vector_load %arg11[%get3A_64] {strides = array<i32>} : memref<16xf32, #tpu.memory_space<vmem>>, vector<16xf32>,
    %slice3A_66 = vector.extract_strided_slice %get3A_65 {offsets = [0], sizes = [1], strides = [1]} : vector<16xf32> to vector<1xf32>
    %squeeze3A_67 = vector.extract %slice3A_66[0] : f32 from vector<1xf32>
    %sub3A_68 = arith.constant 6.02362619E-4 : f32
    %sub3A_69 = arith.subf %squeeze3A_67, %sub3A_68 : f32
    %add3A_70 = arith.addf %add3A_30, %squeeze3A_42 : f32
    %mul3A_71 = arith.constant 0.00999999977 : f32
    %mul3A_72 = arith.mulf %mul3A_71, %sub3A_69 : f32
    %mul3A_73 = arith.mulf %mul3A_72, %sub3A_69 : f32
    %add3A_74 = arith.addf %add3A_70, %mul3A_73 : f32
    %mul3A_75 = arith.constant 16 : i32
    %mul3A_76 = arith.muli %arg0, %mul3A_75 : i32
    %add3A_77 = arith.addi %mul3A_76, %arg1 : i32
    %mul3A_78 = arith.constant 4 : i32
    %mul3A_79 = arith.muli %add3A_77, %mul3A_78 : i32
    %add3A_80 = arith.constant 2 : i32
    %add3A_81 = arith.addi %mul3A_79, %add3A_80 : i32
    "tpu.region"() ({
      %run_scoped3A = tpu.sem_alloc : memref<!tpu.dma_semaphore, #tpu.memory_space<semaphore_mem>>
      %dma_start3A = arith.constant 0 : i32
      %dma_start3A_176 = tpu.memref_slice %arg2[%add3A_81, %dma_start3A] : memref<128x272xi32, #tpu.memory_space<hbm>> -> memref<1x272xi32, #tpu.memory_space<hbm>>
      %dma_start3A_177 = tpu.memref_squeeze %dma_start3A_176 : memref<1x272xi32, #tpu.memory_space<hbm>> -> memref<272xi32, #tpu.memory_space<hbm>>
      %dma_start3A_178 = arith.constant 0 : i32
      %dma_start3A_179 = tpu.memref_slice %arg2[%add3A_81, %dma_start3A_178] : memref<128x272xi32, #tpu.memory_space<hbm>> -> memref<1x272xi32, #tpu.memory_space<hbm>>
      %dma_start3A_180 = tpu.memref_squeeze %dma_start3A_179 : memref<1x272xi32, #tpu.memory_space<hbm>> -> memref<272xi32, #tpu.memory_space<hbm>>
      tpu.enqueue_dma source(%dma_start3A_180 : memref<272xi32, #tpu.memory_space<hbm>>) target(%arg4 : memref<272xi32, #tpu.memory_space<vmem>>) target_semaphore(%run_scoped3A : memref<!tpu.dma_semaphore, #tpu.memory_space<semaphore_mem>>)
      %dma_wait3A = arith.constant 0 : i32
      %dma_wait3A_181 = tpu.memref_slice %arg2[%add3A_81, %dma_wait3A] : memref<128x272xi32, #tpu.memory_space<hbm>> -> memref<1x272xi32, #tpu.memory_space<hbm>>
      %dma_wait3A_182 = tpu.memref_squeeze %dma_wait3A_181 : memref<1x272xi32, #tpu.memory_space<hbm>> -> memref<272xi32, #tpu.memory_space<hbm>>
      %dma_wait3A_183 = arith.constant 0 : i32
      %dma_wait3A_184 = tpu.memref_slice %arg2[%add3A_81, %dma_wait3A_183] : memref<128x272xi32, #tpu.memory_space<hbm>> -> memref<1x272xi32, #tpu.memory_space<hbm>>
      %dma_wait3A_185 = tpu.memref_squeeze %dma_wait3A_184 : memref<1x272xi32, #tpu.memory_space<hbm>> -> memref<272xi32, #tpu.memory_space<hbm>>
      tpu.wait_dma2 semaphore(%run_scoped3A : memref<!tpu.dma_semaphore, #tpu.memory_space<semaphore_mem>>) src(%dma_wait3A_185 : memref<272xi32, #tpu.memory_space<hbm>>) dst(%arg4 : memref<272xi32, #tpu.memory_space<vmem>>)
      tpu.yield
    }) : () -> ()
    %get3A_82 = arith.constant 256 : index
    %get3A_83 = tpu.vector_load %arg4[%get3A_82] {strides = array<i32>} : memref<272xi32, #tpu.memory_space<vmem>>, vector<16xi32>,
    %bitcast3A_84 = vector.bitcast %get3A_83 : vector<16xi32> to vector<16xf32>
    %slice3A_85 = vector.extract_strided_slice %bitcast3A_84 {offsets = [0], sizes = [1], strides = [1]} : vector<16xf32> to vector<1xf32>
    %squeeze3A_86 = vector.extract %slice3A_85[0] : f32 from vector<1xf32>
    %broadcast_in_dim3A_87 = arith.constant 0 : i32
    %broadcast_in_dim3A_88 = vector.broadcast %broadcast_in_dim3A_87 : i32 to vector<16xi32>
    %scan3A_89 = arith.constant 0 : i32
    %scan3A_90 = arith.constant 16 : i32
    %scan3A_91 = arith.addi %scan3A_89, %scan3A_90 : i32
    %scan3A_92 = arith.constant 1 : i32
    %scan3A_93 = scf.for %scan3A_176 = %scan3A_89 to %scan3A_91 step %scan3A_92 iter_args(%scan3A_177 = %broadcast_in_dim3A_88) -> (vector<16xi32>)  : i32 {
      %mul3A_178 = arith.constant 16 : i32
      %mul3A_179 = arith.muli %scan3A_176, %mul3A_178 : i32
      %add3A_180 = vector.broadcast %mul3A_179 : i32 to vector<16xi32>
      %add3A_181 = arith.addi %add3A_180, %iota3A : vector<16xi32>
      %get3A_182 = arith.index_cast %mul3A_179 : i32 to index
      %get3A_183 = tpu.vector_load %arg4[%get3A_182] {strides = array<i32>} : memref<272xi32, #tpu.memory_space<vmem>>, vector<16xi32>,
      %shift_right_logical3A = arith.constant 8 : i32
      %shift_right_logical3A_184 = vector.broadcast %shift_right_logical3A : i32 to vector<16xi32>
      %shift_right_logical3A_185 = arith.shrui %get3A_183, %shift_right_logical3A_184 : vector<16xi32>
      %and3A = arith.constant 255 : i32
      %and3A_186 = vector.broadcast %and3A : i32 to vector<16xi32>
      %and3A_187 = arith.andi %get3A_183, %and3A_186 : vector<16xi32>
      %gather3A = tpu.vector_load_idx %arg4[%shift_right_logical3A_185] : memref<272xi32, #tpu.memory_space<vmem>>[vector<16xi32>], vector<16xi32>,
      %gather3A_188 = tpu.vector_load_idx %arg4[%and3A_187] : memref<272xi32, #tpu.memory_space<vmem>>[vector<16xi32>], vector<16xi32>,
      %shift_right_logical3A_189 = arith.constant 8 : i32
      %shift_right_logical3A_190 = vector.broadcast %shift_right_logical3A_189 : i32 to vector<16xi32>
      %shift_right_logical3A_191 = arith.shrui %gather3A, %shift_right_logical3A_190 : vector<16xi32>
      %eq3A_192 = arith.cmpi eq, %shift_right_logical3A_191, %add3A_181 : vector<16xi32>
      %and3A_193 = arith.constant 255 : i32
      %and3A_194 = vector.broadcast %and3A_193 : i32 to vector<16xi32>
      %and3A_195 = arith.andi %gather3A, %and3A_194 : vector<16xi32>
      %eq3A_196 = arith.cmpi eq, %and3A_195, %add3A_181 : vector<16xi32>
      %or3A = arith.ori %eq3A_192, %eq3A_196 : vector<16xi1>
      %ne3A = arith.cmpi ne, %shift_right_logical3A_185, %add3A_181 : vector<16xi32>
      %and3A_197 = arith.andi %or3A, %ne3A : vector<16xi1>
      %shift_right_logical3A_198 = arith.constant 8 : i32
      %shift_right_logical3A_199 = vector.broadcast %shift_right_logical3A_198 : i32 to vector<16xi32>
      %shift_right_logical3A_200 = arith.shrui %gather3A_188, %shift_right_logical3A_199 : vector<16xi32>
      %eq3A_201 = arith.cmpi eq, %shift_right_logical3A_200, %add3A_181 : vector<16xi32>
      %and3A_202 = arith.constant 255 : i32
      %and3A_203 = vector.broadcast %and3A_202 : i32 to vector<16xi32>
      %and3A_204 = arith.andi %gather3A_188, %and3A_203 : vector<16xi32>
      %eq3A_205 = arith.cmpi eq, %and3A_204, %add3A_181 : vector<16xi32>
      %or3A_206 = arith.ori %eq3A_201, %eq3A_205 : vector<16xi1>
      %ne3A_207 = arith.cmpi ne, %and3A_187, %add3A_181 : vector<16xi32>
      %and3A_208 = arith.andi %or3A_206, %ne3A_207 : vector<16xi1>
      %select_n3A_209 = arith.select %and3A_197, %shift_right_logical3A_185, %add3A_181 : vector<16xi1>, vector<16xi32>
      %swap3A_210 = arith.index_cast %mul3A_179 : i32 to index
      %swap3A_211 = tpu.vector_load %arg5[%swap3A_210] {strides = array<i32>} : memref<256xi32, #tpu.memory_space<vmem>>, vector<16xi32>,
      tpu.vector_store %arg5[%swap3A_210], %select_n3A_209 {strides = array<i32>} : memref<256xi32, #tpu.memory_space<vmem>>, vector<16xi32>,
      %select_n3A_212 = arith.select %and3A_208, %and3A_187, %add3A_181 : vector<16xi1>, vector<16xi32>
      %swap3A_213 = arith.index_cast %mul3A_179 : i32 to index
      %swap3A_214 = tpu.vector_load %arg6[%swap3A_213] {strides = array<i32>} : memref<256xi32, #tpu.memory_space<vmem>>, vector<16xi32>,
      tpu.vector_store %arg6[%swap3A_213], %select_n3A_212 {strides = array<i32>} : memref<256xi32, #tpu.memory_space<vmem>>, vector<16xi32>,
      %convert_element_type3A_215 = arith.extui %and3A_197 : vector<16xi1> to vector<16xi32>
      %add3A_216 = arith.addi %scan3A_177, %convert_element_type3A_215 : vector<16xi32>
      %convert_element_type3A_217 = arith.extui %and3A_208 : vector<16xi1> to vector<16xi32>
      %add3A_218 = arith.addi %add3A_216, %convert_element_type3A_217 : vector<16xi32>
      scf.yield %add3A_218 : vector<16xi32>
    }
    %scan3A_94 = arith.constant 16 : i32
    %reduce_sum3A_95 = arith.constant true
    %reduce_sum3A_96 = vector.broadcast %reduce_sum3A_95 : i1 to vector<16xi1>
    %reduce_sum3A_97 = tpu.scan <sum>, %scan3A_93 masked %reduce_sum3A_96 : vector<16xi32>, vector<16xi1> -> vector<16xi32>
    %reduce_sum3A_98 = vector.extract %reduce_sum3A_97[15] : i32 from vector<16xi32>
    %broadcast_in_dim3A_99 = arith.constant 0.000000e+00 : f32
    %broadcast_in_dim3A_100 = vector.broadcast %broadcast_in_dim3A_99 : f32 to vector<16xf32>
    %swap3A_101 = arith.constant 0 : index
    %swap3A_102 = tpu.vector_load %arg11[%swap3A_101] {strides = array<i32>} : memref<16xf32, #tpu.memory_space<vmem>>, vector<16xf32>,
    tpu.vector_store %arg11[%swap3A_101], %broadcast_in_dim3A_100 {strides = array<i32>} : memref<16xf32, #tpu.memory_space<vmem>>, vector<16xf32>,
    %ge3A_103 = arith.constant 510 : i32
    %ge3A_104 = arith.cmpi sge, %reduce_sum3A_98, %ge3A_103 : i32
    %convert_element_type3A_105 = arith.extui %ge3A_104 : i1 to i32
    %cond3A_106 = arith.constant 0 : i32
    %cond3A_107 = arith.cmpi ne, %convert_element_type3A_105, %cond3A_106 : i32
    scf.if %cond3A_107 {
      %scan3A_176 = arith.constant 0 : i32
      %scan3A_177 = arith.constant 0 : i32
      %scan3A_178 = arith.constant 16 : i32
      %scan3A_179 = arith.addi %scan3A_177, %scan3A_178 : i32
      %scan3A_180 = arith.constant 1 : i32
      %scan3A_181 = scf.for %scan3A_223 = %scan3A_177 to %scan3A_179 step %scan3A_180 iter_args(%scan3A_224 = %scan3A_176) -> (i32)  : i32 {
        %mul3A_225 = arith.constant 16 : i32
        %mul3A_226 = arith.muli %scan3A_223, %mul3A_225 : i32
        %add3A_227 = vector.broadcast %mul3A_226 : i32 to vector<16xi32>
        %add3A_228 = arith.addi %add3A_227, %iota3A : vector<16xi32>
        %get3A_229 = arith.index_cast %mul3A_226 : i32 to index
        %get3A_230 = tpu.vector_load %arg5[%get3A_229] {strides = array<i32>} : memref<256xi32, #tpu.memory_space<vmem>>, vector<16xi32>,
        %get3A_231 = arith.index_cast %mul3A_226 : i32 to index
        %get3A_232 = tpu.vector_load %arg6[%get3A_231] {strides = array<i32>} : memref<256xi32, #tpu.memory_space<vmem>>, vector<16xi32>,
        %gather3A = tpu.vector_load_idx %arg5[%get3A_230] : memref<256xi32, #tpu.memory_space<vmem>>[vector<16xi32>], vector<16xi32>,
        %gather3A_233 = tpu.vector_load_idx %arg5[%get3A_232] : memref<256xi32, #tpu.memory_space<vmem>>[vector<16xi32>], vector<16xi32>,
        %eq3A_234 = arith.cmpi eq, %get3A_230, %add3A_228 : vector<16xi32>
        %eq3A_235 = arith.cmpi eq, %gather3A, %add3A_228 : vector<16xi32>
        %add3A_236 = arith.constant 256 : i32
        %add3A_237 = vector.broadcast %add3A_236 : i32 to vector<16xi32>
        %add3A_238 = arith.addi %get3A_230, %add3A_237 : vector<16xi32>
        %select_n3A_239 = arith.select %eq3A_235, %add3A_238, %get3A_230 : vector<16xi1>, vector<16xi32>
        %select_n3A_240 = arith.select %eq3A_234, %add3A_228, %select_n3A_239 : vector<16xi1>, vector<16xi32>
        %eq3A_241 = arith.cmpi eq, %get3A_232, %add3A_228 : vector<16xi32>
        %add3A_242 = arith.constant 256 : i32
        %add3A_243 = vector.broadcast %add3A_242 : i32 to vector<16xi32>
        %add3A_244 = arith.addi %add3A_228, %add3A_243 : vector<16xi32>
        %eq3A_245 = arith.cmpi eq, %gather3A_233, %add3A_228 : vector<16xi32>
        %add3A_246 = arith.constant 256 : i32
        %add3A_247 = vector.broadcast %add3A_246 : i32 to vector<16xi32>
        %add3A_248 = arith.addi %get3A_232, %add3A_247 : vector<16xi32>
        %select_n3A_249 = arith.select %eq3A_245, %add3A_248, %get3A_232 : vector<16xi1>, vector<16xi32>
        %select_n3A_250 = arith.select %eq3A_241, %add3A_244, %select_n3A_249 : vector<16xi1>, vector<16xi32>
        %swap3A_251 = arith.index_cast %mul3A_226 : i32 to index
        %swap3A_252 = tpu.vector_load %arg7[%swap3A_251] {strides = array<i32>} : memref<512xi32, #tpu.memory_space<vmem>>, vector<16xi32>,
        tpu.vector_store %arg7[%swap3A_251], %get3A_230 {strides = array<i32>} : memref<512xi32, #tpu.memory_space<vmem>>, vector<16xi32>,
        %add3A_253 = arith.constant 256 : i32
        %add3A_254 = arith.addi %mul3A_226, %add3A_253 : i32
        %swap3A_255 = arith.index_cast %add3A_254 : i32 to index
        %swap3A_256 = tpu.vector_load %arg7[%swap3A_255] {strides = array<i32>} : memref<512xi32, #tpu.memory_space<vmem>>, vector<16xi32>,
        tpu.vector_store %arg7[%swap3A_255], %get3A_232 {strides = array<i32>} : memref<512xi32, #tpu.memory_space<vmem>>, vector<16xi32>,
        %swap3A_257 = arith.index_cast %mul3A_226 : i32 to index
        %swap3A_258 = tpu.vector_load %arg8[%swap3A_257] {strides = array<i32>} : memref<512xi32, #tpu.memory_space<vmem>>, vector<16xi32>,
        tpu.vector_store %arg8[%swap3A_257], %select_n3A_240 {strides = array<i32>} : memref<512xi32, #tpu.memory_space<vmem>>, vector<16xi32>,
        %add3A_259 = arith.constant 256 : i32
        %add3A_260 = arith.addi %mul3A_226, %add3A_259 : i32
        %swap3A_261 = arith.index_cast %add3A_260 : i32 to index
        %swap3A_262 = tpu.vector_load %arg8[%swap3A_261] {strides = array<i32>} : memref<512xi32, #tpu.memory_space<vmem>>, vector<16xi32>,
        tpu.vector_store %arg8[%swap3A_261], %select_n3A_250 {strides = array<i32>} : memref<512xi32, #tpu.memory_space<vmem>>, vector<16xi32>,
        %scan3A_263 = arith.constant 0 : i32
        scf.yield %scan3A_263 : i32
      }
      %scan3A_182 = arith.constant 16 : i32
      %scan3A_183 = arith.constant 0 : i32
      %scan3A_184 = arith.constant 0 : i32
      %scan3A_185 = arith.constant 9 : i32
      %scan3A_186 = arith.addi %scan3A_184, %scan3A_185 : i32
      %scan3A_187 = arith.constant 1 : i32
      %scan3A_188 = scf.for %scan3A_223 = %scan3A_184 to %scan3A_186 step %scan3A_187 iter_args(%scan3A_224 = %scan3A_183) -> (i32)  : i32 {
        %scan3A_225 = arith.constant 0 : i32
        %scan3A_226 = arith.constant 0 : i32
        %scan3A_227 = arith.constant 32 : i32
        %scan3A_228 = arith.addi %scan3A_226, %scan3A_227 : i32
        %scan3A_229 = arith.constant 1 : i32
        %scan3A_230 = scf.for %scan3A_233 = %scan3A_226 to %scan3A_228 step %scan3A_229 iter_args(%scan3A_234 = %scan3A_225) -> (i32)  : i32 {
          %mul3A_235 = arith.constant 16 : i32
          %mul3A_236 = arith.muli %scan3A_233, %mul3A_235 : i32
          %get3A_237 = arith.index_cast %mul3A_236 : i32 to index
          %get3A_238 = tpu.vector_load %arg7[%get3A_237] {strides = array<i32>} : memref<512xi32, #tpu.memory_space<vmem>>, vector<16xi32>,
          %get3A_239 = arith.index_cast %mul3A_236 : i32 to index
          %get3A_240 = tpu.vector_load %arg8[%get3A_239] {strides = array<i32>} : memref<512xi32, #tpu.memory_space<vmem>>, vector<16xi32>,
          %gather3A = tpu.vector_load_idx %arg7[%get3A_240] : memref<512xi32, #tpu.memory_space<vmem>>[vector<16xi32>], vector<16xi32>,
          %gather3A_241 = tpu.vector_load_idx %arg8[%get3A_240] : memref<512xi32, #tpu.memory_space<vmem>>[vector<16xi32>], vector<16xi32>,
          %min3A = arith.minsi %get3A_238, %gather3A : vector<16xi32>
          %swap3A_242 = arith.index_cast %mul3A_236 : i32 to index
          %swap3A_243 = tpu.vector_load %arg7[%swap3A_242] {strides = array<i32>} : memref<512xi32, #tpu.memory_space<vmem>>, vector<16xi32>,
          tpu.vector_store %arg7[%swap3A_242], %min3A {strides = array<i32>} : memref<512xi32, #tpu.memory_space<vmem>>, vector<16xi32>,
          %swap3A_244 = arith.index_cast %mul3A_236 : i32 to index
          %swap3A_245 = tpu.vector_load %arg8[%swap3A_244] {strides = array<i32>} : memref<512xi32, #tpu.memory_space<vmem>>, vector<16xi32>,
          tpu.vector_store %arg8[%swap3A_244], %gather3A_241 {strides = array<i32>} : memref<512xi32, #tpu.memory_space<vmem>>, vector<16xi32>,
          %scan3A_246 = arith.constant 0 : i32
          scf.yield %scan3A_246 : i32
        }
        %scan3A_231 = arith.constant 32 : i32
        %scan3A_232 = arith.constant 0 : i32
        scf.yield %scan3A_232 : i32
      }
      %scan3A_189 = arith.constant 9 : i32
      %broadcast_in_dim3A_190 = arith.constant 0 : i32
      %broadcast_in_dim3A_191 = vector.broadcast %broadcast_in_dim3A_190 : i32 to vector<16xi32>
      %scan3A_192 = arith.constant 0 : i32
      %scan3A_193 = arith.constant 16 : i32
      %scan3A_194 = arith.addi %scan3A_192, %scan3A_193 : i32
      %scan3A_195 = arith.constant 1 : i32
      %scan3A_196 = scf.for %scan3A_223 = %scan3A_192 to %scan3A_194 step %scan3A_195 iter_args(%scan3A_224 = %broadcast_in_dim3A_191) -> (vector<16xi32>)  : i32 {
        %mul3A_225 = arith.constant 16 : i32
        %mul3A_226 = arith.muli %scan3A_223, %mul3A_225 : i32
        %add3A_227 = vector.broadcast %mul3A_226 : i32 to vector<16xi32>
        %add3A_228 = arith.addi %add3A_227, %iota3A : vector<16xi32>
        %get3A_229 = arith.index_cast %mul3A_226 : i32 to index
        %get3A_230 = tpu.vector_load %arg7[%get3A_229] {strides = array<i32>} : memref<512xi32, #tpu.memory_space<vmem>>, vector<16xi32>,
        %add3A_231 = arith.constant 256 : i32
        %add3A_232 = arith.addi %mul3A_226, %add3A_231 : i32
        %get3A_233 = arith.index_cast %add3A_232 : i32 to index
        %get3A_234 = tpu.vector_load %arg7[%get3A_233] {strides = array<i32>} : memref<512xi32, #tpu.memory_space<vmem>>, vector<16xi32>,
        %min3A = arith.minsi %get3A_230, %get3A_234 : vector<16xi32>
        %min3A_235 = arith.minsi %add3A_228, %min3A : vector<16xi32>
        %max3A = arith.maxsi %scan3A_224, %min3A_235 : vector<16xi32>
        scf.yield %max3A : vector<16xi32>
      }
      %scan3A_197 = arith.constant 16 : i32
      %reduce_max3A = arith.constant true
      %reduce_max3A_198 = vector.broadcast %reduce_max3A : i1 to vector<16xi1>
      %reduce_max3A_199 = arith.constant -2147483648 : i32
      %reduce_max3A_200 = vector.broadcast %reduce_max3A_199 : i32 to vector<16xi32>
      %reduce_max3A_201 = arith.xori %scan3A_196, %reduce_max3A_200 : vector<16xi32>
      %reduce_max3A_202 = tpu.scan <max>, %reduce_max3A_201 masked %reduce_max3A_198 : vector<16xi32>, vector<16xi1> -> vector<16xi32>
      %reduce_max3A_203 = arith.xori %reduce_max3A_202, %reduce_max3A_200 : vector<16xi32>
      %reduce_max3A_204 = vector.extract %reduce_max3A_203[15] : i32 from vector<16xi32>
      %eq3A_205 = arith.constant 0 : i32
      %eq3A_206 = arith.cmpi eq, %reduce_max3A_204, %eq3A_205 : i32
      %eq3A_207 = arith.constant 512 : i32
      %eq3A_208 = arith.cmpi eq, %reduce_sum3A_98, %eq3A_207 : i32
      %jit3A_209 = arith.constant 6.02362619E-4 : f32
      %jit3A_210 = arith.constant 1.50596316E-4 : f32
      %select_n3A_211 = arith.select %eq3A_208, %jit3A_209, %jit3A_210 : f32
      %jit3A_212 = arith.constant 0.000000e+00 : f32
      %select_n3A_213 = arith.select %eq3A_206, %select_n3A_211, %jit3A_212 : f32
      %eq3A_214 = arith.constant 0 : i32
      %eq3A_215 = vector.broadcast %eq3A_214 : i32 to vector<16xi32>
      %eq3A_216 = arith.cmpi eq, %iota3A, %eq3A_215 : vector<16xi32>
      %jit3A_217 = arith.constant 0.000000e+00 : f32
      %broadcast_in_dim3A_218 = vector.broadcast %select_n3A_213 : f32 to vector<16xf32>
      %broadcast_in_dim3A_219 = vector.broadcast %jit3A_217 : f32 to vector<16xf32>
      %select_n3A_220 = arith.select %eq3A_216, %broadcast_in_dim3A_218, %broadcast_in_dim3A_219 : vector<16xi1>, vector<16xf32>
      %swap3A_221 = arith.constant 0 : index
      %swap3A_222 = tpu.vector_load %arg11[%swap3A_221] {strides = array<i32>} : memref<16xf32, #tpu.memory_space<vmem>>, vector<16xf32>,
      tpu.vector_store %arg11[%swap3A_221], %select_n3A_220 {strides = array<i32>} : memref<16xf32, #tpu.memory_space<vmem>>, vector<16xf32>,
    } else {
    }
    %get3A_108 = arith.constant 0 : index
    %get3A_109 = tpu.vector_load %arg11[%get3A_108] {strides = array<i32>} : memref<16xf32, #tpu.memory_space<vmem>>, vector<16xf32>,
    %slice3A_110 = vector.extract_strided_slice %get3A_109 {offsets = [0], sizes = [1], strides = [1]} : vector<16xf32> to vector<1xf32>
    %squeeze3A_111 = vector.extract %slice3A_110[0] : f32 from vector<1xf32>
    %sub3A_112 = arith.constant 6.02362619E-4 : f32
    %sub3A_113 = arith.subf %squeeze3A_111, %sub3A_112 : f32
    %add3A_114 = arith.addf %add3A_74, %squeeze3A_86 : f32
    %mul3A_115 = arith.constant 0.00999999977 : f32
    %mul3A_116 = arith.mulf %mul3A_115, %sub3A_113 : f32
    %mul3A_117 = arith.mulf %mul3A_116, %sub3A_113 : f32
    %add3A_118 = arith.addf %add3A_114, %mul3A_117 : f32
    %mul3A_119 = arith.constant 16 : i32
    %mul3A_120 = arith.muli %arg0, %mul3A_119 : i32
    %add3A_121 = arith.addi %mul3A_120, %arg1 : i32
    %mul3A_122 = arith.constant 4 : i32
    %mul3A_123 = arith.muli %add3A_121, %mul3A_122 : i32
    %add3A_124 = arith.constant 3 : i32
    %add3A_125 = arith.addi %mul3A_123, %add3A_124 : i32
    "tpu.region"() ({
      %run_scoped3A = tpu.sem_alloc : memref<!tpu.dma_semaphore, #tpu.memory_space<semaphore_mem>>
      %dma_start3A = arith.constant 0 : i32
      %dma_start3A_176 = tpu.memref_slice %arg2[%add3A_125, %dma_start3A] : memref<128x272xi32, #tpu.memory_space<hbm>> -> memref<1x272xi32, #tpu.memory_space<hbm>>
      %dma_start3A_177 = tpu.memref_squeeze %dma_start3A_176 : memref<1x272xi32, #tpu.memory_space<hbm>> -> memref<272xi32, #tpu.memory_space<hbm>>
      %dma_start3A_178 = arith.constant 0 : i32
      %dma_start3A_179 = tpu.memref_slice %arg2[%add3A_125, %dma_start3A_178] : memref<128x272xi32, #tpu.memory_space<hbm>> -> memref<1x272xi32, #tpu.memory_space<hbm>>
      %dma_start3A_180 = tpu.memref_squeeze %dma_start3A_179 : memref<1x272xi32, #tpu.memory_space<hbm>> -> memref<272xi32, #tpu.memory_space<hbm>>
      tpu.enqueue_dma source(%dma_start3A_180 : memref<272xi32, #tpu.memory_space<hbm>>) target(%arg4 : memref<272xi32, #tpu.memory_space<vmem>>) target_semaphore(%run_scoped3A : memref<!tpu.dma_semaphore, #tpu.memory_space<semaphore_mem>>)
      %dma_wait3A = arith.constant 0 : i32
      %dma_wait3A_181 = tpu.memref_slice %arg2[%add3A_125, %dma_wait3A] : memref<128x272xi32, #tpu.memory_space<hbm>> -> memref<1x272xi32, #tpu.memory_space<hbm>>
      %dma_wait3A_182 = tpu.memref_squeeze %dma_wait3A_181 : memref<1x272xi32, #tpu.memory_space<hbm>> -> memref<272xi32, #tpu.memory_space<hbm>>
      %dma_wait3A_183 = arith.constant 0 : i32
      %dma_wait3A_184 = tpu.memref_slice %arg2[%add3A_125, %dma_wait3A_183] : memref<128x272xi32, #tpu.memory_space<hbm>> -> memref<1x272xi32, #tpu.memory_space<hbm>>
      %dma_wait3A_185 = tpu.memref_squeeze %dma_wait3A_184 : memref<1x272xi32, #tpu.memory_space<hbm>> -> memref<272xi32, #tpu.memory_space<hbm>>
      tpu.wait_dma2 semaphore(%run_scoped3A : memref<!tpu.dma_semaphore, #tpu.memory_space<semaphore_mem>>) src(%dma_wait3A_185 : memref<272xi32, #tpu.memory_space<hbm>>) dst(%arg4 : memref<272xi32, #tpu.memory_space<vmem>>)
      tpu.yield
    }) : () -> ()
    %get3A_126 = arith.constant 256 : index
    %get3A_127 = tpu.vector_load %arg4[%get3A_126] {strides = array<i32>} : memref<272xi32, #tpu.memory_space<vmem>>, vector<16xi32>,
    %bitcast3A_128 = vector.bitcast %get3A_127 : vector<16xi32> to vector<16xf32>
    %slice3A_129 = vector.extract_strided_slice %bitcast3A_128 {offsets = [0], sizes = [1], strides = [1]} : vector<16xf32> to vector<1xf32>
    %squeeze3A_130 = vector.extract %slice3A_129[0] : f32 from vector<1xf32>
    %broadcast_in_dim3A_131 = arith.constant 0 : i32
    %broadcast_in_dim3A_132 = vector.broadcast %broadcast_in_dim3A_131 : i32 to vector<16xi32>
    %scan3A_133 = arith.constant 0 : i32
    %scan3A_134 = arith.constant 16 : i32
    %scan3A_135 = arith.addi %scan3A_133, %scan3A_134 : i32
    %scan3A_136 = arith.constant 1 : i32
    %scan3A_137 = scf.for %scan3A_176 = %scan3A_133 to %scan3A_135 step %scan3A_136 iter_args(%scan3A_177 = %broadcast_in_dim3A_132) -> (vector<16xi32>)  : i32 {
      %mul3A_178 = arith.constant 16 : i32
      %mul3A_179 = arith.muli %scan3A_176, %mul3A_178 : i32
      %add3A_180 = vector.broadcast %mul3A_179 : i32 to vector<16xi32>
      %add3A_181 = arith.addi %add3A_180, %iota3A : vector<16xi32>
      %get3A_182 = arith.index_cast %mul3A_179 : i32 to index
      %get3A_183 = tpu.vector_load %arg4[%get3A_182] {strides = array<i32>} : memref<272xi32, #tpu.memory_space<vmem>>, vector<16xi32>,
      %shift_right_logical3A = arith.constant 8 : i32
      %shift_right_logical3A_184 = vector.broadcast %shift_right_logical3A : i32 to vector<16xi32>
      %shift_right_logical3A_185 = arith.shrui %get3A_183, %shift_right_logical3A_184 : vector<16xi32>
      %and3A = arith.constant 255 : i32
      %and3A_186 = vector.broadcast %and3A : i32 to vector<16xi32>
      %and3A_187 = arith.andi %get3A_183, %and3A_186 : vector<16xi32>
      %gather3A = tpu.vector_load_idx %arg4[%shift_right_logical3A_185] : memref<272xi32, #tpu.memory_space<vmem>>[vector<16xi32>], vector<16xi32>,
      %gather3A_188 = tpu.vector_load_idx %arg4[%and3A_187] : memref<272xi32, #tpu.memory_space<vmem>>[vector<16xi32>], vector<16xi32>,
      %shift_right_logical3A_189 = arith.constant 8 : i32
      %shift_right_logical3A_190 = vector.broadcast %shift_right_logical3A_189 : i32 to vector<16xi32>
      %shift_right_logical3A_191 = arith.shrui %gather3A, %shift_right_logical3A_190 : vector<16xi32>
      %eq3A_192 = arith.cmpi eq, %shift_right_logical3A_191, %add3A_181 : vector<16xi32>
      %and3A_193 = arith.constant 255 : i32
      %and3A_194 = vector.broadcast %and3A_193 : i32 to vector<16xi32>
      %and3A_195 = arith.andi %gather3A, %and3A_194 : vector<16xi32>
      %eq3A_196 = arith.cmpi eq, %and3A_195, %add3A_181 : vector<16xi32>
      %or3A = arith.ori %eq3A_192, %eq3A_196 : vector<16xi1>
      %ne3A = arith.cmpi ne, %shift_right_logical3A_185, %add3A_181 : vector<16xi32>
      %and3A_197 = arith.andi %or3A, %ne3A : vector<16xi1>
      %shift_right_logical3A_198 = arith.constant 8 : i32
      %shift_right_logical3A_199 = vector.broadcast %shift_right_logical3A_198 : i32 to vector<16xi32>
      %shift_right_logical3A_200 = arith.shrui %gather3A_188, %shift_right_logical3A_199 : vector<16xi32>
      %eq3A_201 = arith.cmpi eq, %shift_right_logical3A_200, %add3A_181 : vector<16xi32>
      %and3A_202 = arith.constant 255 : i32
      %and3A_203 = vector.broadcast %and3A_202 : i32 to vector<16xi32>
      %and3A_204 = arith.andi %gather3A_188, %and3A_203 : vector<16xi32>
      %eq3A_205 = arith.cmpi eq, %and3A_204, %add3A_181 : vector<16xi32>
      %or3A_206 = arith.ori %eq3A_201, %eq3A_205 : vector<16xi1>
      %ne3A_207 = arith.cmpi ne, %and3A_187, %add3A_181 : vector<16xi32>
      %and3A_208 = arith.andi %or3A_206, %ne3A_207 : vector<16xi1>
      %select_n3A_209 = arith.select %and3A_197, %shift_right_logical3A_185, %add3A_181 : vector<16xi1>, vector<16xi32>
      %swap3A_210 = arith.index_cast %mul3A_179 : i32 to index
      %swap3A_211 = tpu.vector_load %arg5[%swap3A_210] {strides = array<i32>} : memref<256xi32, #tpu.memory_space<vmem>>, vector<16xi32>,
      tpu.vector_store %arg5[%swap3A_210], %select_n3A_209 {strides = array<i32>} : memref<256xi32, #tpu.memory_space<vmem>>, vector<16xi32>,
      %select_n3A_212 = arith.select %and3A_208, %and3A_187, %add3A_181 : vector<16xi1>, vector<16xi32>
      %swap3A_213 = arith.index_cast %mul3A_179 : i32 to index
      %swap3A_214 = tpu.vector_load %arg6[%swap3A_213] {strides = array<i32>} : memref<256xi32, #tpu.memory_space<vmem>>, vector<16xi32>,
      tpu.vector_store %arg6[%swap3A_213], %select_n3A_212 {strides = array<i32>} : memref<256xi32, #tpu.memory_space<vmem>>, vector<16xi32>,
      %convert_element_type3A_215 = arith.extui %and3A_197 : vector<16xi1> to vector<16xi32>
      %add3A_216 = arith.addi %scan3A_177, %convert_element_type3A_215 : vector<16xi32>
      %convert_element_type3A_217 = arith.extui %and3A_208 : vector<16xi1> to vector<16xi32>
      %add3A_218 = arith.addi %add3A_216, %convert_element_type3A_217 : vector<16xi32>
      scf.yield %add3A_218 : vector<16xi32>
    }
    %scan3A_138 = arith.constant 16 : i32
    %reduce_sum3A_139 = arith.constant true
    %reduce_sum3A_140 = vector.broadcast %reduce_sum3A_139 : i1 to vector<16xi1>
    %reduce_sum3A_141 = tpu.scan <sum>, %scan3A_137 masked %reduce_sum3A_140 : vector<16xi32>, vector<16xi1> -> vector<16xi32>
    %reduce_sum3A_142 = vector.extract %reduce_sum3A_141[15] : i32 from vector<16xi32>
    %broadcast_in_dim3A_143 = arith.constant 0.000000e+00 : f32
    %broadcast_in_dim3A_144 = vector.broadcast %broadcast_in_dim3A_143 : f32 to vector<16xf32>
    %swap3A_145 = arith.constant 0 : index
    %swap3A_146 = tpu.vector_load %arg11[%swap3A_145] {strides = array<i32>} : memref<16xf32, #tpu.memory_space<vmem>>, vector<16xf32>,
    tpu.vector_store %arg11[%swap3A_145], %broadcast_in_dim3A_144 {strides = array<i32>} : memref<16xf32, #tpu.memory_space<vmem>>, vector<16xf32>,
    %ge3A_147 = arith.constant 510 : i32
    %ge3A_148 = arith.cmpi sge, %reduce_sum3A_142, %ge3A_147 : i32
    %convert_element_type3A_149 = arith.extui %ge3A_148 : i1 to i32
    %cond3A_150 = arith.constant 0 : i32
    %cond3A_151 = arith.cmpi ne, %convert_element_type3A_149, %cond3A_150 : i32
    scf.if %cond3A_151 {
      %scan3A_176 = arith.constant 0 : i32
      %scan3A_177 = arith.constant 0 : i32
      %scan3A_178 = arith.constant 16 : i32
      %scan3A_179 = arith.addi %scan3A_177, %scan3A_178 : i32
      %scan3A_180 = arith.constant 1 : i32
      %scan3A_181 = scf.for %scan3A_223 = %scan3A_177 to %scan3A_179 step %scan3A_180 iter_args(%scan3A_224 = %scan3A_176) -> (i32)  : i32 {
        %mul3A_225 = arith.constant 16 : i32
        %mul3A_226 = arith.muli %scan3A_223, %mul3A_225 : i32
        %add3A_227 = vector.broadcast %mul3A_226 : i32 to vector<16xi32>
        %add3A_228 = arith.addi %add3A_227, %iota3A : vector<16xi32>
        %get3A_229 = arith.index_cast %mul3A_226 : i32 to index
        %get3A_230 = tpu.vector_load %arg5[%get3A_229] {strides = array<i32>} : memref<256xi32, #tpu.memory_space<vmem>>, vector<16xi32>,
        %get3A_231 = arith.index_cast %mul3A_226 : i32 to index
        %get3A_232 = tpu.vector_load %arg6[%get3A_231] {strides = array<i32>} : memref<256xi32, #tpu.memory_space<vmem>>, vector<16xi32>,
        %gather3A = tpu.vector_load_idx %arg5[%get3A_230] : memref<256xi32, #tpu.memory_space<vmem>>[vector<16xi32>], vector<16xi32>,
        %gather3A_233 = tpu.vector_load_idx %arg5[%get3A_232] : memref<256xi32, #tpu.memory_space<vmem>>[vector<16xi32>], vector<16xi32>,
        %eq3A_234 = arith.cmpi eq, %get3A_230, %add3A_228 : vector<16xi32>
        %eq3A_235 = arith.cmpi eq, %gather3A, %add3A_228 : vector<16xi32>
        %add3A_236 = arith.constant 256 : i32
        %add3A_237 = vector.broadcast %add3A_236 : i32 to vector<16xi32>
        %add3A_238 = arith.addi %get3A_230, %add3A_237 : vector<16xi32>
        %select_n3A_239 = arith.select %eq3A_235, %add3A_238, %get3A_230 : vector<16xi1>, vector<16xi32>
        %select_n3A_240 = arith.select %eq3A_234, %add3A_228, %select_n3A_239 : vector<16xi1>, vector<16xi32>
        %eq3A_241 = arith.cmpi eq, %get3A_232, %add3A_228 : vector<16xi32>
        %add3A_242 = arith.constant 256 : i32
        %add3A_243 = vector.broadcast %add3A_242 : i32 to vector<16xi32>
        %add3A_244 = arith.addi %add3A_228, %add3A_243 : vector<16xi32>
        %eq3A_245 = arith.cmpi eq, %gather3A_233, %add3A_228 : vector<16xi32>
        %add3A_246 = arith.constant 256 : i32
        %add3A_247 = vector.broadcast %add3A_246 : i32 to vector<16xi32>
        %add3A_248 = arith.addi %get3A_232, %add3A_247 : vector<16xi32>
        %select_n3A_249 = arith.select %eq3A_245, %add3A_248, %get3A_232 : vector<16xi1>, vector<16xi32>
        %select_n3A_250 = arith.select %eq3A_241, %add3A_244, %select_n3A_249 : vector<16xi1>, vector<16xi32>
        %swap3A_251 = arith.index_cast %mul3A_226 : i32 to index
        %swap3A_252 = tpu.vector_load %arg7[%swap3A_251] {strides = array<i32>} : memref<512xi32, #tpu.memory_space<vmem>>, vector<16xi32>,
        tpu.vector_store %arg7[%swap3A_251], %get3A_230 {strides = array<i32>} : memref<512xi32, #tpu.memory_space<vmem>>, vector<16xi32>,
        %add3A_253 = arith.constant 256 : i32
        %add3A_254 = arith.addi %mul3A_226, %add3A_253 : i32
        %swap3A_255 = arith.index_cast %add3A_254 : i32 to index
        %swap3A_256 = tpu.vector_load %arg7[%swap3A_255] {strides = array<i32>} : memref<512xi32, #tpu.memory_space<vmem>>, vector<16xi32>,
        tpu.vector_store %arg7[%swap3A_255], %get3A_232 {strides = array<i32>} : memref<512xi32, #tpu.memory_space<vmem>>, vector<16xi32>,
        %swap3A_257 = arith.index_cast %mul3A_226 : i32 to index
        %swap3A_258 = tpu.vector_load %arg8[%swap3A_257] {strides = array<i32>} : memref<512xi32, #tpu.memory_space<vmem>>, vector<16xi32>,
        tpu.vector_store %arg8[%swap3A_257], %select_n3A_240 {strides = array<i32>} : memref<512xi32, #tpu.memory_space<vmem>>, vector<16xi32>,
        %add3A_259 = arith.constant 256 : i32
        %add3A_260 = arith.addi %mul3A_226, %add3A_259 : i32
        %swap3A_261 = arith.index_cast %add3A_260 : i32 to index
        %swap3A_262 = tpu.vector_load %arg8[%swap3A_261] {strides = array<i32>} : memref<512xi32, #tpu.memory_space<vmem>>, vector<16xi32>,
        tpu.vector_store %arg8[%swap3A_261], %select_n3A_250 {strides = array<i32>} : memref<512xi32, #tpu.memory_space<vmem>>, vector<16xi32>,
        %scan3A_263 = arith.constant 0 : i32
        scf.yield %scan3A_263 : i32
      }
      %scan3A_182 = arith.constant 16 : i32
      %scan3A_183 = arith.constant 0 : i32
      %scan3A_184 = arith.constant 0 : i32
      %scan3A_185 = arith.constant 9 : i32
      %scan3A_186 = arith.addi %scan3A_184, %scan3A_185 : i32
      %scan3A_187 = arith.constant 1 : i32
      %scan3A_188 = scf.for %scan3A_223 = %scan3A_184 to %scan3A_186 step %scan3A_187 iter_args(%scan3A_224 = %scan3A_183) -> (i32)  : i32 {
        %scan3A_225 = arith.constant 0 : i32
        %scan3A_226 = arith.constant 0 : i32
        %scan3A_227 = arith.constant 32 : i32
        %scan3A_228 = arith.addi %scan3A_226, %scan3A_227 : i32
        %scan3A_229 = arith.constant 1 : i32
        %scan3A_230 = scf.for %scan3A_233 = %scan3A_226 to %scan3A_228 step %scan3A_229 iter_args(%scan3A_234 = %scan3A_225) -> (i32)  : i32 {
          %mul3A_235 = arith.constant 16 : i32
          %mul3A_236 = arith.muli %scan3A_233, %mul3A_235 : i32
          %get3A_237 = arith.index_cast %mul3A_236 : i32 to index
          %get3A_238 = tpu.vector_load %arg7[%get3A_237] {strides = array<i32>} : memref<512xi32, #tpu.memory_space<vmem>>, vector<16xi32>,
          %get3A_239 = arith.index_cast %mul3A_236 : i32 to index
          %get3A_240 = tpu.vector_load %arg8[%get3A_239] {strides = array<i32>} : memref<512xi32, #tpu.memory_space<vmem>>, vector<16xi32>,
          %gather3A = tpu.vector_load_idx %arg7[%get3A_240] : memref<512xi32, #tpu.memory_space<vmem>>[vector<16xi32>], vector<16xi32>,
          %gather3A_241 = tpu.vector_load_idx %arg8[%get3A_240] : memref<512xi32, #tpu.memory_space<vmem>>[vector<16xi32>], vector<16xi32>,
          %min3A = arith.minsi %get3A_238, %gather3A : vector<16xi32>
          %swap3A_242 = arith.index_cast %mul3A_236 : i32 to index
          %swap3A_243 = tpu.vector_load %arg7[%swap3A_242] {strides = array<i32>} : memref<512xi32, #tpu.memory_space<vmem>>, vector<16xi32>,
          tpu.vector_store %arg7[%swap3A_242], %min3A {strides = array<i32>} : memref<512xi32, #tpu.memory_space<vmem>>, vector<16xi32>,
          %swap3A_244 = arith.index_cast %mul3A_236 : i32 to index
          %swap3A_245 = tpu.vector_load %arg8[%swap3A_244] {strides = array<i32>} : memref<512xi32, #tpu.memory_space<vmem>>, vector<16xi32>,
          tpu.vector_store %arg8[%swap3A_244], %gather3A_241 {strides = array<i32>} : memref<512xi32, #tpu.memory_space<vmem>>, vector<16xi32>,
          %scan3A_246 = arith.constant 0 : i32
          scf.yield %scan3A_246 : i32
        }
        %scan3A_231 = arith.constant 32 : i32
        %scan3A_232 = arith.constant 0 : i32
        scf.yield %scan3A_232 : i32
      }
      %scan3A_189 = arith.constant 9 : i32
      %broadcast_in_dim3A_190 = arith.constant 0 : i32
      %broadcast_in_dim3A_191 = vector.broadcast %broadcast_in_dim3A_190 : i32 to vector<16xi32>
      %scan3A_192 = arith.constant 0 : i32
      %scan3A_193 = arith.constant 16 : i32
      %scan3A_194 = arith.addi %scan3A_192, %scan3A_193 : i32
      %scan3A_195 = arith.constant 1 : i32
      %scan3A_196 = scf.for %scan3A_223 = %scan3A_192 to %scan3A_194 step %scan3A_195 iter_args(%scan3A_224 = %broadcast_in_dim3A_191) -> (vector<16xi32>)  : i32 {
        %mul3A_225 = arith.constant 16 : i32
        %mul3A_226 = arith.muli %scan3A_223, %mul3A_225 : i32
        %add3A_227 = vector.broadcast %mul3A_226 : i32 to vector<16xi32>
        %add3A_228 = arith.addi %add3A_227, %iota3A : vector<16xi32>
        %get3A_229 = arith.index_cast %mul3A_226 : i32 to index
        %get3A_230 = tpu.vector_load %arg7[%get3A_229] {strides = array<i32>} : memref<512xi32, #tpu.memory_space<vmem>>, vector<16xi32>,
        %add3A_231 = arith.constant 256 : i32
        %add3A_232 = arith.addi %mul3A_226, %add3A_231 : i32
        %get3A_233 = arith.index_cast %add3A_232 : i32 to index
        %get3A_234 = tpu.vector_load %arg7[%get3A_233] {strides = array<i32>} : memref<512xi32, #tpu.memory_space<vmem>>, vector<16xi32>,
        %min3A = arith.minsi %get3A_230, %get3A_234 : vector<16xi32>
        %min3A_235 = arith.minsi %add3A_228, %min3A : vector<16xi32>
        %max3A = arith.maxsi %scan3A_224, %min3A_235 : vector<16xi32>
        scf.yield %max3A : vector<16xi32>
      }
      %scan3A_197 = arith.constant 16 : i32
      %reduce_max3A = arith.constant true
      %reduce_max3A_198 = vector.broadcast %reduce_max3A : i1 to vector<16xi1>
      %reduce_max3A_199 = arith.constant -2147483648 : i32
      %reduce_max3A_200 = vector.broadcast %reduce_max3A_199 : i32 to vector<16xi32>
      %reduce_max3A_201 = arith.xori %scan3A_196, %reduce_max3A_200 : vector<16xi32>
      %reduce_max3A_202 = tpu.scan <max>, %reduce_max3A_201 masked %reduce_max3A_198 : vector<16xi32>, vector<16xi1> -> vector<16xi32>
      %reduce_max3A_203 = arith.xori %reduce_max3A_202, %reduce_max3A_200 : vector<16xi32>
      %reduce_max3A_204 = vector.extract %reduce_max3A_203[15] : i32 from vector<16xi32>
      %eq3A_205 = arith.constant 0 : i32
      %eq3A_206 = arith.cmpi eq, %reduce_max3A_204, %eq3A_205 : i32
      %eq3A_207 = arith.constant 512 : i32
      %eq3A_208 = arith.cmpi eq, %reduce_sum3A_142, %eq3A_207 : i32
      %jit3A_209 = arith.constant 6.02362619E-4 : f32
      %jit3A_210 = arith.constant 1.50596316E-4 : f32
      %select_n3A_211 = arith.select %eq3A_208, %jit3A_209, %jit3A_210 : f32
      %jit3A_212 = arith.constant 0.000000e+00 : f32
      %select_n3A_213 = arith.select %eq3A_206, %select_n3A_211, %jit3A_212 : f32
      %eq3A_214 = arith.constant 0 : i32
      %eq3A_215 = vector.broadcast %eq3A_214 : i32 to vector<16xi32>
      %eq3A_216 = arith.cmpi eq, %iota3A, %eq3A_215 : vector<16xi32>
      %jit3A_217 = arith.constant 0.000000e+00 : f32
      %broadcast_in_dim3A_218 = vector.broadcast %select_n3A_213 : f32 to vector<16xf32>
      %broadcast_in_dim3A_219 = vector.broadcast %jit3A_217 : f32 to vector<16xf32>
      %select_n3A_220 = arith.select %eq3A_216, %broadcast_in_dim3A_218, %broadcast_in_dim3A_219 : vector<16xi1>, vector<16xf32>
      %swap3A_221 = arith.constant 0 : index
      %swap3A_222 = tpu.vector_load %arg11[%swap3A_221] {strides = array<i32>} : memref<16xf32, #tpu.memory_space<vmem>>, vector<16xf32>,
      tpu.vector_store %arg11[%swap3A_221], %select_n3A_220 {strides = array<i32>} : memref<16xf32, #tpu.memory_space<vmem>>, vector<16xf32>,
    } else {
    }
    %get3A_152 = arith.constant 0 : index
    %get3A_153 = tpu.vector_load %arg11[%get3A_152] {strides = array<i32>} : memref<16xf32, #tpu.memory_space<vmem>>, vector<16xf32>,
    %slice3A_154 = vector.extract_strided_slice %get3A_153 {offsets = [0], sizes = [1], strides = [1]} : vector<16xf32> to vector<1xf32>
    %squeeze3A_155 = vector.extract %slice3A_154[0] : f32 from vector<1xf32>
    %sub3A_156 = arith.constant 6.02362619E-4 : f32
    %sub3A_157 = arith.subf %squeeze3A_155, %sub3A_156 : f32
    %add3A_158 = arith.addf %add3A_118, %squeeze3A_130 : f32
    %mul3A_159 = arith.constant 0.00999999977 : f32
    %mul3A_160 = arith.mulf %mul3A_159, %sub3A_157 : f32
    %mul3A_161 = arith.mulf %mul3A_160, %sub3A_157 : f32
    %add3A_162 = arith.addf %add3A_158, %mul3A_161 : f32
    %eq3A = arith.constant 0 : i32
    %eq3A_163 = vector.broadcast %eq3A : i32 to vector<16xi32>
    %eq3A_164 = arith.cmpi eq, %iota3A, %eq3A_163 : vector<16xi32>
    %jit3A = arith.constant 0.000000e+00 : f32
    %broadcast_in_dim3A_165 = vector.broadcast %add3A_162 : f32 to vector<16xf32>
    %broadcast_in_dim3A_166 = vector.broadcast %jit3A : f32 to vector<16xf32>
    %select_n3A = arith.select %eq3A_164, %broadcast_in_dim3A_165, %broadcast_in_dim3A_166 : vector<16xi1>, vector<16xf32>
    %swap3A_167 = arith.constant 0 : index
    %swap3A_168 = tpu.vector_load %arg9[%swap3A_167] {strides = array<i32>} : memref<16xf32, #tpu.memory_space<vmem>>, vector<16xf32>,
    tpu.vector_store %arg9[%swap3A_167], %select_n3A {strides = array<i32>} : memref<16xf32, #tpu.memory_space<vmem>>, vector<16xf32>,
    %mul3A_169 = arith.constant 16 : i32
    %mul3A_170 = arith.muli %arg1, %mul3A_169 : i32
    "tpu.region"() ({
      %run_scoped3A = tpu.sem_alloc : memref<!tpu.dma_semaphore, #tpu.memory_space<semaphore_mem>>
      %dma_start3A = tpu.memref_slice %arg12[%mul3A_170] : memref<256xf32, #tpu.memory_space<vmem_shared>> -> memref<16xf32, #tpu.memory_space<vmem_shared>>
      %dma_start3A_176 = tpu.memref_slice %arg12[%mul3A_170] : memref<256xf32, #tpu.memory_space<vmem_shared>> -> memref<16xf32, #tpu.memory_space<vmem_shared>>
      tpu.enqueue_dma source(%arg9 : memref<16xf32, #tpu.memory_space<vmem>>) target(%dma_start3A_176 : memref<16xf32, #tpu.memory_space<vmem_shared>>) target_semaphore(%run_scoped3A : memref<!tpu.dma_semaphore, #tpu.memory_space<semaphore_mem>>)
      %dma_wait3A = tpu.memref_slice %arg12[%mul3A_170] : memref<256xf32, #tpu.memory_space<vmem_shared>> -> memref<16xf32, #tpu.memory_space<vmem_shared>>
      %dma_wait3A_177 = tpu.memref_slice %arg12[%mul3A_170] : memref<256xf32, #tpu.memory_space<vmem_shared>> -> memref<16xf32, #tpu.memory_space<vmem_shared>>
      tpu.wait_dma2 semaphore(%run_scoped3A : memref<!tpu.dma_semaphore, #tpu.memory_space<semaphore_mem>>) src(%arg9 : memref<16xf32, #tpu.memory_space<vmem>>) dst(%dma_wait3A_177 : memref<16xf32, #tpu.memory_space<vmem_shared>>)
      tpu.yield
    }) : () -> ()
    %barrier3A = arith.constant 0 : index
    tpu.barrier barrier_id(%barrier3A)
    %eq3A_171 = arith.constant 0 : i32
    %eq3A_172 = arith.cmpi eq, %arg1, %eq3A_171 : i32
    %convert_element_type3A_173 = arith.extui %eq3A_172 : i1 to i32
    %cond3A_174 = arith.constant 0 : i32
    %cond3A_175 = arith.cmpi ne, %convert_element_type3A_173, %cond3A_174 : i32
    scf.if %cond3A_175 {
      "tpu.region"() ({
        %run_scoped3A = tpu.sem_alloc : memref<!tpu.dma_semaphore, #tpu.memory_space<semaphore_mem>>
        tpu.enqueue_dma source(%arg12 : memref<256xf32, #tpu.memory_space<vmem_shared>>) target(%arg10 : memref<256xf32, #tpu.memory_space<vmem>>) target_semaphore(%run_scoped3A : memref<!tpu.dma_semaphore, #tpu.memory_space<semaphore_mem>>)
        tpu.wait_dma2 semaphore(%run_scoped3A : memref<!tpu.dma_semaphore, #tpu.memory_space<semaphore_mem>>) src(%arg12 : memref<256xf32, #tpu.memory_space<vmem_shared>>) dst(%arg10 : memref<256xf32, #tpu.memory_space<vmem>>)
        tpu.yield
      }) : () -> ()
      %broadcast_in_dim3A_176 = arith.constant 0.000000e+00 : f32
      %broadcast_in_dim3A_177 = vector.broadcast %broadcast_in_dim3A_176 : f32 to vector<16xf32>
      %get3A_178 = arith.constant 0 : index
      %get3A_179 = tpu.vector_load %arg10[%get3A_178] {strides = array<i32>} : memref<256xf32, #tpu.memory_space<vmem>>, vector<16xf32>,
      %add3A_180 = arith.addf %broadcast_in_dim3A_177, %get3A_179 : vector<16xf32>
      %get3A_181 = arith.constant 16 : index
      %get3A_182 = tpu.vector_load %arg10[%get3A_181] {strides = array<i32>} : memref<256xf32, #tpu.memory_space<vmem>>, vector<16xf32>,
      %add3A_183 = arith.addf %add3A_180, %get3A_182 : vector<16xf32>
      %get3A_184 = arith.constant 32 : index
      %get3A_185 = tpu.vector_load %arg10[%get3A_184] {strides = array<i32>} : memref<256xf32, #tpu.memory_space<vmem>>, vector<16xf32>,
      %add3A_186 = arith.addf %add3A_183, %get3A_185 : vector<16xf32>
      %get3A_187 = arith.constant 48 : index
      %get3A_188 = tpu.vector_load %arg10[%get3A_187] {strides = array<i32>} : memref<256xf32, #tpu.memory_space<vmem>>, vector<16xf32>,
      %add3A_189 = arith.addf %add3A_186, %get3A_188 : vector<16xf32>
      %get3A_190 = arith.constant 64 : index
      %get3A_191 = tpu.vector_load %arg10[%get3A_190] {strides = array<i32>} : memref<256xf32, #tpu.memory_space<vmem>>, vector<16xf32>,
      %add3A_192 = arith.addf %add3A_189, %get3A_191 : vector<16xf32>
      %get3A_193 = arith.constant 80 : index
      %get3A_194 = tpu.vector_load %arg10[%get3A_193] {strides = array<i32>} : memref<256xf32, #tpu.memory_space<vmem>>, vector<16xf32>,
      %add3A_195 = arith.addf %add3A_192, %get3A_194 : vector<16xf32>
      %get3A_196 = arith.constant 96 : index
      %get3A_197 = tpu.vector_load %arg10[%get3A_196] {strides = array<i32>} : memref<256xf32, #tpu.memory_space<vmem>>, vector<16xf32>,
      %add3A_198 = arith.addf %add3A_195, %get3A_197 : vector<16xf32>
      %get3A_199 = arith.constant 112 : index
      %get3A_200 = tpu.vector_load %arg10[%get3A_199] {strides = array<i32>} : memref<256xf32, #tpu.memory_space<vmem>>, vector<16xf32>,
      %add3A_201 = arith.addf %add3A_198, %get3A_200 : vector<16xf32>
      %get3A_202 = arith.constant 128 : index
      %get3A_203 = tpu.vector_load %arg10[%get3A_202] {strides = array<i32>} : memref<256xf32, #tpu.memory_space<vmem>>, vector<16xf32>,
      %add3A_204 = arith.addf %add3A_201, %get3A_203 : vector<16xf32>
      %get3A_205 = arith.constant 144 : index
      %get3A_206 = tpu.vector_load %arg10[%get3A_205] {strides = array<i32>} : memref<256xf32, #tpu.memory_space<vmem>>, vector<16xf32>,
      %add3A_207 = arith.addf %add3A_204, %get3A_206 : vector<16xf32>
      %get3A_208 = arith.constant 160 : index
      %get3A_209 = tpu.vector_load %arg10[%get3A_208] {strides = array<i32>} : memref<256xf32, #tpu.memory_space<vmem>>, vector<16xf32>,
      %add3A_210 = arith.addf %add3A_207, %get3A_209 : vector<16xf32>
      %get3A_211 = arith.constant 176 : index
      %get3A_212 = tpu.vector_load %arg10[%get3A_211] {strides = array<i32>} : memref<256xf32, #tpu.memory_space<vmem>>, vector<16xf32>,
      %add3A_213 = arith.addf %add3A_210, %get3A_212 : vector<16xf32>
      %get3A_214 = arith.constant 192 : index
      %get3A_215 = tpu.vector_load %arg10[%get3A_214] {strides = array<i32>} : memref<256xf32, #tpu.memory_space<vmem>>, vector<16xf32>,
      %add3A_216 = arith.addf %add3A_213, %get3A_215 : vector<16xf32>
      %get3A_217 = arith.constant 208 : index
      %get3A_218 = tpu.vector_load %arg10[%get3A_217] {strides = array<i32>} : memref<256xf32, #tpu.memory_space<vmem>>, vector<16xf32>,
      %add3A_219 = arith.addf %add3A_216, %get3A_218 : vector<16xf32>
      %get3A_220 = arith.constant 224 : index
      %get3A_221 = tpu.vector_load %arg10[%get3A_220] {strides = array<i32>} : memref<256xf32, #tpu.memory_space<vmem>>, vector<16xf32>,
      %add3A_222 = arith.addf %add3A_219, %get3A_221 : vector<16xf32>
      %get3A_223 = arith.constant 240 : index
      %get3A_224 = tpu.vector_load %arg10[%get3A_223] {strides = array<i32>} : memref<256xf32, #tpu.memory_space<vmem>>, vector<16xf32>,
      %add3A_225 = arith.addf %add3A_222, %get3A_224 : vector<16xf32>
      %mul3A_226 = arith.constant 7.812500e-03 : f32
      %mul3A_227 = vector.broadcast %mul3A_226 : f32 to vector<16xf32>
      %mul3A_228 = arith.mulf %add3A_225, %mul3A_227 : vector<16xf32>
      %swap3A_229 = arith.constant 0 : index
      %swap3A_230 = tpu.vector_load %arg9[%swap3A_229] {strides = array<i32>} : memref<16xf32, #tpu.memory_space<vmem>>, vector<16xf32>,
      tpu.vector_store %arg9[%swap3A_229], %mul3A_228 {strides = array<i32>} : memref<16xf32, #tpu.memory_space<vmem>>, vector<16xf32>,
      "tpu.region"() ({
        %run_scoped3A = tpu.sem_alloc : memref<!tpu.dma_semaphore, #tpu.memory_space<semaphore_mem>>
        %dma_start3A = arith.constant 0 : i32
        %dma_start3A_231 = tpu.memref_slice %arg3[%arg0, %dma_start3A] : memref<2x16xf32, #tpu.memory_space<hbm>> -> memref<1x16xf32, #tpu.memory_space<hbm>>
        %dma_start3A_232 = tpu.memref_squeeze %dma_start3A_231 : memref<1x16xf32, #tpu.memory_space<hbm>> -> memref<16xf32, #tpu.memory_space<hbm>>
        %dma_start3A_233 = arith.constant 0 : i32
        %dma_start3A_234 = tpu.memref_slice %arg3[%arg0, %dma_start3A_233] : memref<2x16xf32, #tpu.memory_space<hbm>> -> memref<1x16xf32, #tpu.memory_space<hbm>>
        %dma_start3A_235 = tpu.memref_squeeze %dma_start3A_234 : memref<1x16xf32, #tpu.memory_space<hbm>> -> memref<16xf32, #tpu.memory_space<hbm>>
        tpu.enqueue_dma source(%arg9 : memref<16xf32, #tpu.memory_space<vmem>>) target(%dma_start3A_235 : memref<16xf32, #tpu.memory_space<hbm>>) target_semaphore(%run_scoped3A : memref<!tpu.dma_semaphore, #tpu.memory_space<semaphore_mem>>)
        %dma_wait3A = arith.constant 0 : i32
        %dma_wait3A_236 = tpu.memref_slice %arg3[%arg0, %dma_wait3A] : memref<2x16xf32, #tpu.memory_space<hbm>> -> memref<1x16xf32, #tpu.memory_space<hbm>>
        %dma_wait3A_237 = tpu.memref_squeeze %dma_wait3A_236 : memref<1x16xf32, #tpu.memory_space<hbm>> -> memref<16xf32, #tpu.memory_space<hbm>>
        %dma_wait3A_238 = arith.constant 0 : i32
        %dma_wait3A_239 = tpu.memref_slice %arg3[%arg0, %dma_wait3A_238] : memref<2x16xf32, #tpu.memory_space<hbm>> -> memref<1x16xf32, #tpu.memory_space<hbm>>
        %dma_wait3A_240 = tpu.memref_squeeze %dma_wait3A_239 : memref<1x16xf32, #tpu.memory_space<hbm>> -> memref<16xf32, #tpu.memory_space<hbm>>
        tpu.wait_dma2 semaphore(%run_scoped3A : memref<!tpu.dma_semaphore, #tpu.memory_space<semaphore_mem>>) src(%arg9 : memref<16xf32, #tpu.memory_space<vmem>>) dst(%dma_wait3A_240 : memref<16xf32, #tpu.memory_space<hbm>>)
        tpu.yield
      }) : () -> ()
    } else {
    }
    return
  }
}

module attributes {stable_mosaic.version = 14 : i64} {
  func.func @_tc_body(%arg0: i32, %arg1: memref<8x256x256xf32, #tpu.memory_space<vmem>>, %arg2: memref<8x256x256xf32, #tpu.memory_space<vmem>>, %arg3: memref<8x272xi32, #tpu.memory_space<vmem>>) attributes {dimension_semantics = [#tpu.dimension_semantics<parallel>], iteration_bounds = array<i64: 16>, scalar_prefetch = 0 : i64, scratch_operands = 0 : i64, tpu.core_type = #tpu.core_type<tc>, window_params = [{transform_indices = @transform_0, window_bounds = array<i64: 8, 256, 256>}, {transform_indices = @transform_1, window_bounds = array<i64: 8, 256, 256>}, {transform_indices = @transform_2, window_bounds = array<i64: 8, 272>}]} {
    %get3A = arith.constant 0 : index
    %get3A_0 = arith.constant 0 : index
    %get3A_1 = arith.constant 0 : index
    %get3A_2 = vector.load %arg1[%get3A, %get3A_0, %get3A_1] : memref<8x256x256xf32, #tpu.memory_space<vmem>>, vector<8x256x256xf32>
    %get3A_3 = arith.constant 0 : index
    %get3A_4 = arith.constant 0 : index
    %get3A_5 = arith.constant 0 : index
    %get3A_6 = vector.load %arg2[%get3A_3, %get3A_4, %get3A_5] : memref<8x256x256xf32, #tpu.memory_space<vmem>>, vector<8x256x256xf32>
    %abs3A = math.absf %get3A_2 : vector<8x256x256xf32>
    %neg3A = arith.constant 0.000000e+00 : f32
    %neg3A_7 = vector.broadcast %neg3A : f32 to vector<8x256x256xf32>
    %neg3A_8 = arith.subf %neg3A_7, %abs3A : vector<8x256x256xf32>
    %exp3A = math.exp %neg3A_8 : vector<8x256x256xf32>
    %add3A = arith.constant 1.000000e+00 : f32
    %add3A_9 = vector.broadcast %add3A : f32 to vector<8x256x256xf32>
    %add3A_10 = arith.addf %add3A_9, %exp3A : vector<8x256x256xf32>
    %log3A = math.log %add3A_10 : vector<8x256x256xf32>
    %max3A = arith.constant 0.000000e+00 : f32
    %max3A_11 = vector.broadcast %max3A : f32 to vector<8x256x256xf32>
    %max3A_12 = arith.maximumf %get3A_2, %max3A_11 : vector<8x256x256xf32>
    %add3A_13 = arith.addf %max3A_12, %log3A : vector<8x256x256xf32>
    %min3A = arith.constant 1.000000e+02 : f32
    %min3A_14 = vector.broadcast %min3A : f32 to vector<8x256x256xf32>
    %min3A_15 = arith.minimumf %add3A_13, %min3A_14 : vector<8x256x256xf32>
    %jit3A = arith.constant -1.000000e+02 : f32
    %jit3A_16 = arith.constant 1.000000e+02 : f32
    %max3A_17 = vector.broadcast %jit3A : f32 to vector<8x256x256xf32>
    %max3A_18 = arith.maximumf %max3A_17, %get3A_2 : vector<8x256x256xf32>
    %min3A_19 = vector.broadcast %jit3A_16 : f32 to vector<8x256x256xf32>
    %min3A_20 = arith.minimumf %min3A_19, %max3A_18 : vector<8x256x256xf32>
    %reduce_sum3A = arith.constant dense<0.000000e+00> : vector<8xf32>
    %reduce_sum3A_21 = vector.multi_reduction <add>, %min3A_15, %reduce_sum3A [1, 2] : vector<8x256x256xf32> to vector<8xf32>
    %broadcast_in_dim3A = vector.shape_cast %reduce_sum3A_21 : vector<8xf32> to vector<8x1x1xf32>
    %mul3A = arith.mulf %get3A_6, %min3A_20 : vector<8x256x256xf32>
    %reduce_sum3A_22 = arith.constant dense<0.000000e+00> : vector<8xf32>
    %reduce_sum3A_23 = vector.multi_reduction <add>, %mul3A, %reduce_sum3A_22 [1, 2] : vector<8x256x256xf32> to vector<8xf32>
    %broadcast_in_dim3A_24 = vector.shape_cast %reduce_sum3A_23 : vector<8xf32> to vector<8x1x1xf32>
    %sub3A = arith.subf %broadcast_in_dim3A, %broadcast_in_dim3A_24 : vector<8x1x1xf32>
    %mul3A_25 = arith.constant 1.52587891E-5 : f32
    %mul3A_26 = vector.broadcast %mul3A_25 : f32 to vector<8x1x1xf32>
    %mul3A_27 = arith.mulf %sub3A, %mul3A_26 : vector<8x1x1xf32>
    %iota3A = tpu.iota {dimensions = array<i32: 2>} : vector<8x256x256xi32>
    %reduce_max3A = arith.constant dense<0xFF800000> : vector<8x256xf32>
    %reduce_max3A_28 = vector.multi_reduction <maximumf>, %get3A_2, %reduce_max3A [2] : vector<8x256x256xf32> to vector<8x256xf32>
    %broadcast_in_dim3A_29 = vector.shape_cast %reduce_max3A_28 : vector<8x256xf32> to vector<8x256x1xf32>
    %eq3A = vector.broadcast %broadcast_in_dim3A_29 : vector<8x256x1xf32> to vector<8x256x256xf32>
    %eq3A_30 = arith.cmpf oeq, %get3A_2, %eq3A : vector<8x256x256xf32>
    %jit3A_31 = arith.constant 256 : i32
    %broadcast_in_dim3A_32 = vector.broadcast %jit3A_31 : i32 to vector<8x256x256xi32>
    %select_n3A = arith.select %eq3A_30, %iota3A, %broadcast_in_dim3A_32 : vector<8x256x256xi1>, vector<8x256x256xi32>
    %reduce_min3A = arith.constant dense<2147483647> : vector<8x256xi32>
    %reduce_min3A_33 = vector.multi_reduction <minsi>, %select_n3A, %reduce_min3A [2] : vector<8x256x256xi32> to vector<8x256xi32>
    %broadcast_in_dim3A_34 = vector.shape_cast %reduce_min3A_33 : vector<8x256xi32> to vector<8x256x1xi32>
    %eq3A_35 = vector.broadcast %broadcast_in_dim3A_34 : vector<8x256x1xi32> to vector<8x256x256xi32>
    %eq3A_36 = arith.cmpi eq, %iota3A, %eq3A_35 : vector<8x256x256xi32>
    %jit3A_37 = arith.constant 0xFF800000 : f32
    %broadcast_in_dim3A_38 = vector.broadcast %jit3A_37 : f32 to vector<8x256x256xf32>
    %select_n3A_39 = arith.select %eq3A_36, %broadcast_in_dim3A_38, %get3A_2 : vector<8x256x256xi1>, vector<8x256x256xf32>
    %reduce_max3A_40 = arith.constant dense<0xFF800000> : vector<8x256xf32>
    %reduce_max3A_41 = vector.multi_reduction <maximumf>, %select_n3A_39, %reduce_max3A_40 [2] : vector<8x256x256xf32> to vector<8x256xf32>
    %broadcast_in_dim3A_42 = vector.shape_cast %reduce_max3A_41 : vector<8x256xf32> to vector<8x256x1xf32>
    %eq3A_43 = vector.broadcast %broadcast_in_dim3A_42 : vector<8x256x1xf32> to vector<8x256x256xf32>
    %eq3A_44 = arith.cmpf oeq, %select_n3A_39, %eq3A_43 : vector<8x256x256xf32>
    %jit3A_45 = arith.constant 256 : i32
    %broadcast_in_dim3A_46 = vector.broadcast %jit3A_45 : i32 to vector<8x256x256xi32>
    %select_n3A_47 = arith.select %eq3A_44, %iota3A, %broadcast_in_dim3A_46 : vector<8x256x256xi1>, vector<8x256x256xi32>
    %reduce_min3A_48 = arith.constant dense<2147483647> : vector<8x256xi32>
    %reduce_min3A_49 = vector.multi_reduction <minsi>, %select_n3A_47, %reduce_min3A_48 [2] : vector<8x256x256xi32> to vector<8x256xi32>
    %broadcast_in_dim3A_50 = vector.shape_cast %reduce_min3A_49 : vector<8x256xi32> to vector<8x256x1xi32>
    %mul3A_51 = arith.constant 256 : i32
    %mul3A_52 = vector.broadcast %mul3A_51 : i32 to vector<8x256x1xi32>
    %mul3A_53 = arith.muli %broadcast_in_dim3A_34, %mul3A_52 : vector<8x256x1xi32>
    %add3A_54 = arith.addi %mul3A_53, %broadcast_in_dim3A_50 : vector<8x256x1xi32>
    %bitcast_convert_type3A = tpu.bitcast %mul3A_27 : vector<8x1x1xf32> -> vector<8x1x1xi32>
    %broadcast_in_dim3A_55 = arith.constant 0 : i32
    %broadcast_in_dim3A_56 = vector.broadcast %broadcast_in_dim3A_55 : i32 to vector<8x15x1xi32>
    %concatenate3A = tpu.concatenate %add3A_54, %bitcast_convert_type3A, %broadcast_in_dim3A_56 in 1 : vector<8x256x1xi32>, vector<8x1x1xi32>, vector<8x15x1xi32> -> vector<8x272x1xi32>
    %squeeze3A = vector.shape_cast %concatenate3A : vector<8x272x1xi32> to vector<8x272xi32>
    %swap3A = arith.constant 0 : index
    %swap3A_57 = arith.constant 0 : index
    %swap3A_58 = vector.load %arg3[%swap3A, %swap3A_57] : memref<8x272xi32, #tpu.memory_space<vmem>>, vector<8x272xi32>
    tpu.vector_store %arg3[%swap3A, %swap3A_57], %squeeze3A {strides = array<i32>} : memref<8x272xi32, #tpu.memory_space<vmem>>, vector<8x272xi32>,
    return
  }
  func.func @transform_0(%arg0: i32) -> (i32, i32, i32) {
    %c0_i32 = arith.constant 0 : i32
    %c0_i32_0 = arith.constant 0 : i32
    %c0_i32_1 = arith.constant 0 : i32
    return %arg0, %c0_i32, %c0_i32_0 : i32, i32, i32
  }
  func.func @transform_1(%arg0: i32) -> (i32, i32, i32) {
    %c0_i32 = arith.constant 0 : i32
    %c0_i32_0 = arith.constant 0 : i32
    %c0_i32_1 = arith.constant 0 : i32
    return %arg0, %c0_i32, %c0_i32_0 : i32, i32, i32
  }
  func.func @transform_2(%arg0: i32) -> (i32, i32) {
    %c0_i32 = arith.constant 0 : i32
    %c0_i32_0 = arith.constant 0 : i32
    return %arg0, %c0_i32 : i32, i32
  }
}

</mosaic_0001>

<sc_bundles>
// kernel: kernel.4.cloned.1.call-start
scs
__scs_entry_jumppad:
0x0: {  	(pc) =	sbr.rel $0x88, $3  }
0x1: {  	(tag) =	ssettag $0x0;
	lr =	simm.s32 $0x1  }
0x2: {  	[smem:$0x3F9F] =	sst lr;
	_ =	strace $0xD0000000  }
0x3: {  	_ = 	snop  }
0x4: {  	_ = 	snop  }
0x5: {  	_ = 	snop  }
0x6: {  	_ = 	snop  }
0x7: {  	_ = 	snop  }
__scs_overlays_trampoline_lowered:
0x8: {  	[smem:$0x3FAE] =	sst s0  }
0x9: {  	[smem:$0x3FAF] =	sst s1  }
0xa: {  	[smem:$0x3FB0] =	sst s2  }
0xb: {  	[smem:$0x3FB1] =	sst s3  }
0xc: {  	[smem:$0x3FB2] =	sst s4  }
0xd: {  	[smem:$0x3FB3] =	sst s5  }
0xe: {  	[smem:$0x3FB4] =	sst s6  }
0xf: {  	[smem:$0x3FB5] =	sst s7  }
0x10: {  	[smem:$0x3FB6] =	sst s8  }
0x11: {  	[smem:$0x3FB7] =	sst s9;
	s0 =	simm.s32 @!p0 $0x0  }
0x12: {  	s1 =	sld [smem:$0x3F9D];
	s0 =	simm.s32 @p0 $0x1  }
0x13: {  	[smem:$0x3FB8] =	sst s0;
	s0 =	simm.s32 @!p1 $0x0  }
0x14: {  	s2 =	sld [smem:$0x3F9C];
	s0 =	simm.s32 @p1 $0x1  }
0x15: {  	[smem:$0x3FB9] =	sst s0;
	s0 =	simm.s32 @!p2 $0x0  }
0x16: {  	s3 =	sld [smem:$0x3FDB];
	s0 =	simm.s32 @p2 $0x1  }
0x17: {  	s4 =	simm.s32 $0x1BF5;
	[smem:$0x3FBB] =	sst s0  }
0x18: {  	s0 =	sld [smem:$0x3F9E];
	_ =	swait.ge [sflag:s4], $0x0  }
0x19: {  	s7 =	sld [smem:$0x3F9F]  }
0x1a: {  	s8 =	sadd.s32 $0xFFFFE003, lr  }
0x1b: {  	s9 =	sadd.s32 $0xFFFFFEF7, lr;
	s5 =	simm.s32 $0xFFFFFFFF;
	p2 =	slt.u32 s8, $0xFFFFF086  }
0x1c: {  	p1 =	slt.u32 s9, $0xF7A;
	s5 =	simm.s32 @!p2 $0x0  }
0x1d: {  	s5 =	simm.s32 @p1 $0x1;
	p0 =	seq.s32 s7, s2  }
0x1e: {  	s7 =	smul.u32 @!p0 $0xF7A, s2;
	p2 =	seq.s32 @!p0 s5, $0x0  }
0x1f: {  	s9 =	smul.u32 $0xF7A, s1;
	s8 =	simm.s32 @!p0 $0x1BF5;
	p2 =	por !p2, p0  }
0x20: {  	[sflag:s8] =	ssyncset.s32 @!p0 $0xFFFFF086;
	s6 =	sadd.s32 @!p0 s3, s7;
	s7 =	simm.s32 @!p0 $0x108  }
0x21: {  	s3 =	sadd.s32 s3, s9;
	s6 =	sadd.s32 @!p0 $0x88, s6;
	s7 =	simm.s32 @p2 $0x1082  }
0x22: {  	[simem:s7], [sflag:s8] =	dma.local @!p0 [hbm:s6], $0xF7A  }
0x23: {  	s9 =	sor.u32 $0xD0000000, s2;
	s6 =	simm.s32 $0x108;
	_ =	swait.ge @!p0 [sflag:s8], $0x0  }
0x24: {  	s3 =	sadd.s32 $0x88, s3;
	s6 =	simm.s32 @!p1 $0x1082;
	[sflag:s4] =	ssyncset.s32 $0xFFFFF086  }
0x25: {  	[simem:s6], [sflag:s4] =	dma.local [hbm:s3], $0xF7A  }
0x26: {  	[smem:$0x3F9F] =	sst s1;
	(tag) =	ssettag s2;
	_ =	strace s9  }
0x27: {  	s1 =	sld [smem:$0x3FAF]  }
0x28: {  	s2 =	sld [smem:$0x3FB0]  }
0x29: {  	s4 =	sld [smem:$0x3FB2]  }
0x2a: {  	p0 =	seq.s32 s5, $0x0;
	s5 =	sld [smem:$0x3FB3]  }
0x2b: {  	s6 =	sld [smem:$0x3FB4]  }
0x2c: {  	s7 =	sld [smem:$0x3FB5]  }
0x2d: {  	s3 =	simm.s32 $0x108;
	s8 =	sld [smem:$0x3FB6]  }
0x2e: {  	s3 =	simm.s32 @!p0 $0x1082;
	s9 =	sld [smem:$0x3FB7]  }
0x2f: {  	lr =	sadd.s32 s0, s3;
	s0 =	sld [smem:$0x3FAE]  }
0x30: {  	s3 =	sld [smem:$0x3FB1]  }
0x31: {  	[smem:$0x3FBA] =	sst s10  }
0x32: {  	s10 =	sld [smem:$0x3FB8];
	_ =	sdelay $0x3  }
0x33: {  	p0 =	seq.s32 s10, $0x1;
	s10 =	sld [smem:$0x3FBA];
	_ =	sdelay $0x3  }
0x34: {  	[smem:$0x3FBA] =	sst s10  }
0x35: {  	s10 =	sld [smem:$0x3FB9];
	_ =	sdelay $0x3  }
0x36: {  	p1 =	seq.s32 s10, $0x1;
	s10 =	sld [smem:$0x3FBA];
	_ =	sdelay $0x3  }
0x37: {  	[smem:$0x3FBA] =	sst s10  }
0x38: {  	s10 =	sld [smem:$0x3FBB]  }
0x39: {  	_ = 	snop;
	(pc) =	sbr.ind lr, $3  }
0x3a: {  	_ = 	snop  }
0x3b: {  	_ = 	snop  }
0x3c: {  	p2 =	seq.s32 s10, $0x1;
	s10 =	sld [smem:$0x3FBA]  }
0x3d: {  	_ =	shalt  }
0x3e: {  	_ =	shalt  }
0x3f: {  	_ =	shalt  }
0x40: {  	_ =	shalt  }
0x41: {  	_ =	shalt  }
0x42: {  	_ =	shalt  }
0x43: {  	_ =	shalt  }
0x44: {  	_ =	shalt  }
0x45: {  	_ =	shalt  }
0x46: {  	_ =	shalt  }
0x47: {  	_ =	shalt  }
0x48: {  	_ =	shalt  }
0x49: {  	_ =	shalt  }
0x4a: {  	_ =	shalt  }
0x4b: {  	_ =	shalt  }
0x4c: {  	_ =	shalt  }
0x4d: {  	_ =	shalt  }
0x4e: {  	_ =	shalt  }
0x4f: {  	_ =	shalt  }
0x50: {  	_ =	shalt  }
0x51: {  	_ =	shalt  }
0x52: {  	_ =	shalt  }
0x53: {  	_ =	shalt  }
0x54: {  	_ =	shalt  }
0x55: {  	_ =	shalt  }
0x56: {  	_ =	shalt  }
0x57: {  	_ =	shalt  }
0x58: {  	_ =	shalt  }
0x59: {  	_ =	shalt  }
0x5a: {  	_ =	shalt  }
0x5b: {  	_ =	shalt  }
0x5c: {  	_ =	shalt  }
0x5d: {  	_ =	shalt  }
0x5e: {  	_ =	shalt  }
0x5f: {  	_ =	shalt  }
0x60: {  	_ =	shalt  }
0x61: {  	_ =	shalt  }
0x62: {  	_ =	shalt  }
0x63: {  	_ =	shalt  }
0x64: {  	_ =	shalt  }
0x65: {  	_ =	shalt  }
0x66: {  	_ =	shalt  }
0x67: {  	_ =	shalt  }
0x68: {  	_ =	shalt  }
0x69: {  	_ =	shalt  }
0x6a: {  	_ =	shalt  }
0x6b: {  	_ =	shalt  }
0x6c: {  	_ =	shalt  }
0x6d: {  	_ =	shalt  }
0x6e: {  	_ =	shalt  }
0x6f: {  	_ =	shalt  }
0x70: {  	_ =	shalt  }
0x71: {  	_ =	shalt  }
0x72: {  	_ =	shalt  }
0x73: {  	_ =	shalt  }
0x74: {  	_ =	shalt  }
0x75: {  	_ =	shalt  }
0x76: {  	_ =	shalt  }
0x77: {  	_ =	shalt  }
0x78: {  	_ =	shalt  }
0x79: {  	_ =	shalt  }
0x7a: {  	_ =	shalt  }
0x7b: {  	_ =	shalt  }
0x7c: {  	_ =	shalt  }
0x7d: {  	_ =	shalt  }
0x7e: {  	_ =	shalt  }
0x7f: {  	_ =	shalt  }
0x80: {  	_ =	shalt  }
0x81: {  	_ =	shalt  }
0x82: {  	_ =	shalt  }
0x83: {  	_ =	shalt  }
0x84: {  	_ =	shalt  }
0x85: {  	_ =	shalt  }
0x86: {  	_ =	shalt  }
0x87: {  	_ =	shalt  }
.Lfunc_end0:
.L_simem_size_0:
called_computation_lowered:
.L_overlay_start_0:
0x88: {  	s2 =	sld [smem:$0x3FD9]  }
0x89: {  	s3 =	sld [smem:$0x3FFE];
	_ =	sdelay $0x1  }
0x8a: {  	s1 =	srdreg.scid  }
0x8b: {  	s0 =	sand.u32 $0x1, s1  }
0x8c: {  	s16 =	sshll.u32 s0, $0xA;
	s2 =	sadd.s32 s3, s2  }
0x8d: {  	s2 =	sadd.s32 s2, s16  }
0x8e: {  	[smem:$0x3FC6] =	sst s2  }
0x8f: {  	_ = 	snop  }
0x90: {  	(tm) =	ssettm $0x1  }
0x91: {  	s17 =	sld [smem:$0x3FFB];
	_ =	sdelay $0x3  }
0x92: {  	_ =	strace s17  }
0x93: {  	s2 =	sld [smem:$0x3FFC];
	_ =	sdelay $0x3  }
0x94: {  	_ =	strace s2  }
0x95: {  	s2 =	sld [smem:$0x3FFD];
	_ =	sdelay $0x3  }
0x96: {  	_ =	strace s2  }
0x97: {  	_ =	strace $0x8FFFFFFF  }
0x98: {  	s18 =	sld [smem:$0x3FDB];
	_ =	sdelay $0x1  }
0x99: {  	s19 =	simm.s32 $_scs_section_size  }
0x9a: {  	s4 =	simm.s32 $_size__tile_overlayer_lowered;
	s5 =	simm.s32 $_tile_overlayer_lowered  }
0x9b: {  	s22 =	simm.s32 $0x1BFF;
	s21 =	sshll.u32 s5, $0x1;
	s2 =	sadd.s32 s19, s18  }
0x9c: {  	s6 =	simm.s32 $0x0;
	s20 =	sshll.u32 s4, $0x1;
	s4 =	sadd.s32 s21, s2  }
0x9d: {  	[timem:s6], [sflag:s22] =	dma.local [hbm:s4], s20  }
0x9e: {  	_ =	swait.ge [sflag:s22], s20  }
0x9f: {  	s3 =	ssub.s32 $0x0, s20;
	[sflag:s22] =	ssyncset.done $0x0  }
0xa0: {  	[sflag:s22] =	ssyncadd.s32 s3;
	_ =	sdelay $0x1  }
0xa1: {  	s23 =	simm.s32 $0x1B8B  }
0xa2: {  	_ =	swait.ge [sflag:s23], $0x1  }
0xa3: {  	[sflag:s23] =	ssyncset.done $0x0  }
0xa4: {  	s25 =	simm.s32 $0x1B8E;
	s24 =	sld [smem:$0x3FFE];
	[sflag:s23] =	ssyncadd.s32 $0xFFFFFFFF  }
0xa5: {  	s26 =	simm.s32 $execute0_lowered;
	[smem:$0x3FD2] =	sst s25  }
0xa6: {  	s4 =	sshll.u32 s26, $0x1;
	_ =	strace $0x80000046;
	[dreg:$0x1] =	wrdreg $0xFFFFFFFF  }
0xa7: {  	s28 =	simm.s32 $_size_execute0_lowered;
	s2 =	sadd.s32 s2, s4;
	[dreg:$0x0] =	wrdreg $0x0  }
0xa8: {  	s4 =	sshll.u32 s28, $0x1;
	[dreg:$0x2] =	wrdreg s2  }
0xa9: {  	[dreg:$0x3] =	wrdreg s4  }
0xaa: {  	[dreg:$0x4] =	wrdreg $0xC0  }
0xab: {  	_ =	task [dreg:s6], $0x5FFFF  }
0xac: {  	[dreg:$0x1] =	wrdreg $0xFFFFFFFF  }
0xad: {  	[dreg:$0x0] =	wrdreg $0x60  }
0xae: {  	[dreg:$0x2] =	wrdreg s24  }
0xaf: {  	[dreg:$0x3] =	wrdreg $0x9800  }
0xb0: {  	[dreg:$0x4] =	wrdreg $0x9  }
0xb1: {  	_ =	task.clear_ibuf [dreg:s6], $0x5FFFF;
	_ =	strace $0x90000046  }
0xb2: {  	s29 =	simm.s32 $0x9;
	_ =	strace $0x80000048  }
0xb3: {  	_ =	swait.ge [sflag:s29], $0x1  }
0xb4: {  	[sflag:s29] =	ssyncadd.s32 $0xFFFFFFFF  }
0xb5: {  	_ =	strace $0x90000048  }
0xb6: {  	_ =	sfence  }
0xb7: {  	s30 =	sld [smem:$0x0];
	_ =	sdelay $0x2  }
0xb8: {  	s31 =	sshll.u32 s1, $0xD;
	s1 =	sshrl.u32 s1, $0x2  }
0xb9: {  	s3 =	sand.u32 $0x4000, s31;
	s1 =	sadd.s32 s1, s30  }
0xba: {  	s0 =	sor.u32 s3, s0;
	s1 =	sshll.u32 s1, $0x11  }
0xbb: {  	s0 =	sor.u32 s1, s0  }
0xbc: {  	s0 =	sadd.s32 $0x8F2B, s0  }
0xbd: {  	[sflag:s0] =	ssyncadd.remote.s32 $0x1  }
0xbe: {  	_ =	sfence.sel $0xFFFF  }
0xbf: {  	[dreg:$0x0] =	wrdreg $0xFFFFFFFF;
	(pc) =	sbr.abs _section_cstart, $3  }
0xc0: {  	[dreg:$0x1] =	wrdreg $0xFFFFFFFF  }
0xc1: {  	_ =	task.clear_ibuf [dreg:s6], $0x2FFFF;
	_ =	strace $0x9FFFFFFF  }
0xc2: {  	(tm) =	ssettm $0x7FFFFFFF  }
0xc3: {  	_ =	shalt  }
tec
execute0_lowered:
.L_overlay_start_1:
0x0: {  	(tag) =	ssettag $0x1  }
0x1: {  	s0 =	srdreg.scid  }
0x2: {  	s16 =	stileid.u32;
	s4 =	rddreg [dreg:$0x0]  }
0x3: {  	s1 =	rddreg [dreg:$0x1];
	s10 =	simm.s32 $0x80;
	s11 =	simm.s32 $0x400  }
0x4: {  	s12 =	simm.s32 $0x1;
	s13 =	simm.s32 $0x180;
	s14 =	simm.s32 $0x380  }
0x5: {  	s15 =	simm.s32 $0x580;
	s17 =	simm.s32 $0x0;
	s3 =	sand.u32 $0x1, s0  }
0x6: {  	s2 =	sshll.u32 s16, $0x2;
	s6 =	sshll.u32 s16, $0x9;
	s0 =	sshll.u32 s3, $0x6  }
0x7: {  	s31 =	sshll.u32 s16, $0x4;
	p0 =	sne.s32 s16, $0x0;
	s2 =	sor.u32 s2, s0  }
0x8: {  	s16 =	simm.s32 $0x780;
	s6 =	sand.u32 $0x200, s6;
	s5 =	sshrl.u32 s2, $0x3  }
0x9: {  	s29 =	sshll.u32 s3, $0x4;
	s3 =	ssub.s32 $0x2, s3;
	s5 =	smul.u32 $0xC00, s5  }
0xa: {  	s0 =	rddreg [dreg:$0x2];
	s8 =	sadd.s32 s29, s4;
	s30 =	sshrl.u32 s3, $0x1  }
.Ltmp0:
0xb: {  	s2 =	simm.s32 $0x0;
	s5 =	sor.u32 s6, s5;
	(pc) =	sbr.rel .LBB2_1-.Ltmp0, $4  }
0xc: {  	s9 =	ssub.s32 s3, s30;
	s8 =	sadd.s32 $0x2000, s8;
	s5 =	sshrl.u32 s5, $0x3  }
0xd: {  	[smem:$0x7FF] =	sst s2;
	s9 =	smax.u32 s9, $0x1;
	s7 =	sadd.s32 s5, s4  }
0xe: {  	v0 =	vlaneseq.u32;
	_ =	strace $0x80000047;
	s3 =	sadd.s32 $0x800, s7;
	s4 =	sadd.s32 $0x810, s7  }
0xf: {  	v1 =	vimm.s32 $0x0;
	vm0 =	vcmask $0x300;
	v2 =	vor.u32 $0x100, v0;
	s5 =	sadd.s32 $0x820, s7;
	s6 =	sadd.s32 $0x830, s7;
	s7 =	sadd.s32 s31, s1  }
.LBB2_104:
0x10: {  	vm1 =	vlt.s32 v5, v4  }
0x11: {  	v6 =	vor.u32 s23, v0;
	v4 =	vsel vm1, v5, v4  }
0x12: {  	vm1 =	vlt.s32 v6, v4  }
0x13: {  	v4 =	vsel vm1, v6, v4  }
0x14: {  	vm1 =	vgt.s32 v3, v4  }
0x15: {  	v3 =	vsel vm1, v3, v4  }
0x16: {  	v3 =	vxor.u32 $0x80000000, v3  }
0x17: {  	(xrf0) =	vmax.scan.msk.u32 $0xffff, v3;
	_ =	sdelay $0x5  }
0x18: {  	v3, _, _ =	vpop (xrf0)  }
0x19: {  	(v2sf) =	vpush v3, $0xF;
	_ =	sdelay $0xe  }
0x1a: {  	p1 =	seq.s32 s22, $0x200;
	s22 =	simm.f32 $6.023626190e-04;
	s31 =	spop (v2sf)  }
0x1b: {  	s22 =	simm.s32 @!p1 $0x391DE964;
	p2 =	seq.s32 s31, $0x80000000  }
0x1c: {  	s22 =	simm.s32 @!p2 $0x0  }
0x1d: {  	v3 =	vmov s22  }
0x1e: {  	v3 =	vnsel vm0, $0x0, v3  }
0x1f: {  	[tilespmem:$0x900] =	vst v3  }
.LBB2_105:
0x20: {  	(v2sf) =	vpush v3, $0x0;
	_ =	sdelay $0xb  }
0x21: {  	s21 =	sadd.f32 $-6.023626190e-04, s21;
	_ =	sdelay $0x1  }
0x22: {  	s22 =	smul.f32 $9.999999770e-03, s21  }
0x23: {  	s18 =	sadd.f32 s19, s18;
	s30 =	spop (v2sf)  }
0x24: {  	s21 =	smul.f32 s22, s21;
	s19 =	sadd.f32 $-6.023626190e-04, s30  }
0x25: {  	_ = 	snop  }
0x26: {  	s18 =	sadd.f32 s21, s18;
	s31 =	smul.f32 $9.999999770e-03, s19  }
0x27: {  	_ = 	snop  }
0x28: {  	s18 =	sadd.f32 s20, s18;
	s19 =	smul.f32 s31, s19  }
0x29: {  	_ = 	snop  }
0x2a: {  	s18 =	sadd.f32 s19, s18;
	_ =	sdelay $0x1  }
0x2b: {  	v3 =	vmov s18  }
0x2c: {  	v3 =	vnsel vm0, $0x0, v3  }
0x2d: {  	[tilespmem:$0x780] =	vst v3  }
0x2e: {  	[spmem:s7] =	stream.linear.scatter [tilespmem:s16], [sflag:$0x1], $0x10, $0x38;
	[tilespmem:$0x990] =	vst v63  }
0x2f: {  	_ =	swait.ge [sflag:s12], $0x10  }
0x30: {  	[sflag:s12] =	ssyncset.done $0x0  }
0x31: {  	[sflag:s12] =	ssyncadd.s32 $0xFFFFFFF0  }
0x32: {  	s18 =	simm.s32 @!p0 $0x800;
	[bflag:$0x0] =	sbarrier.arrive $0xFFFF  }
0x33: {  	[tilespmem:s18], [sflag:$0x1] =	stream.linear.gather @!p0 [spmem:s1], $0x100, $0x38;
	[tilespmem:$0x990] =	vst v63  }
0x34: {  	s18 =	simm.s32 @!p0 $0x1  }
0x35: {  	_ =	swait.ge @!p0 [sflag:s18], $0x100  }
0x36: {  	[sflag:s18] =	ssyncset.done @!p0 $0x0  }
0x37: {  	[sflag:s18] =	ssyncadd.s32 @!p0 $0xFFFFFF00  }
0x38: {  	v3 =	vld @!p0 [tilespmem:$0x800];
	_ =	sdelay $0x1  }
0x39: {  	v4 =	vld @!p0 [tilespmem:$0x810];
	_ =	sdelay $0x1  }
0x3a: {  	v5 =	vld @!p0 [tilespmem:$0x820]  }
0x3b: {  	v3 =	vadd.f32 @!p0 $0.0e+00, v3  }
0x3c: {  	v6 =	vld @!p0 [tilespmem:$0x830]  }
0x3d: {  	v3 =	vadd.f32 @!p0 v4, v3  }
0x3e: {  	v4 =	vld @!p0 [tilespmem:$0x840]  }
0x3f: {  	v3 =	vadd.f32 @!p0 v5, v3  }
0x40: {  	v5 =	vld @!p0 [tilespmem:$0x850]  }
0x41: {  	v3 =	vadd.f32 @!p0 v6, v3  }
0x42: {  	v6 =	vld @!p0 [tilespmem:$0x860]  }
0x43: {  	v3 =	vadd.f32 @!p0 v4, v3  }
0x44: {  	v4 =	vld @!p0 [tilespmem:$0x870]  }
0x45: {  	v3 =	vadd.f32 @!p0 v5, v3  }
0x46: {  	v5 =	vld @!p0 [tilespmem:$0x880]  }
0x47: {  	v3 =	vadd.f32 @!p0 v6, v3  }
0x48: {  	v6 =	vld @!p0 [tilespmem:$0x890]  }
0x49: {  	v3 =	vadd.f32 @!p0 v4, v3  }
0x4a: {  	v4 =	vld @!p0 [tilespmem:$0x8A0]  }
0x4b: {  	v3 =	vadd.f32 @!p0 v5, v3  }
0x4c: {  	v5 =	vld @!p0 [tilespmem:$0x8B0]  }
0x4d: {  	v3 =	vadd.f32 @!p0 v6, v3  }
0x4e: {  	v6 =	vld @!p0 [tilespmem:$0x8C0]  }
0x4f: {  	v3 =	vadd.f32 @!p0 v4, v3  }
0x50: {  	v4 =	vld @!p0 [tilespmem:$0x8D0]  }
0x51: {  	v3 =	vadd.f32 @!p0 v5, v3  }
0x52: {  	v5 =	vld @!p0 [tilespmem:$0x8E0]  }
0x53: {  	v3 =	vadd.f32 @!p0 v6, v3  }
0x54: {  	v6 =	vld @!p0 [tilespmem:$0x8F0]  }
0x55: {  	v3 =	vadd.f32 @!p0 v4, v3;
	_ =	sdelay $0x1  }
0x56: {  	v3 =	vadd.f32 @!p0 v5, v3;
	_ =	sdelay $0x1  }
0x57: {  	v3 =	vadd.f32 @!p0 v6, v3;
	_ =	sdelay $0x1  }
0x58: {  	s17 =	sadd.s32 $0x1, s17;
	v3 =	vmul.f32 @!p0 $7.812500000e-03, v3  }
0x59: {  	p1 =	sne.s32 s17, s9  }
.Ltmp1:
0x5a: {  	s20 =	simm.s32 @!p0 $0x780;
	s19 =	simm.s32 @!p0 $0x0;
	[tilespmem:$0x780] =	vst @!p0 v3;
	(pc) =	sbr.rel @!p1 .LBB2_106-.Ltmp1, $4  }
0x5b: {  	[hbm4b:s8+s19] =	stream.linear.scatter @!p0 [tilespmem:s20], [sflag:$0x1], $0x80, $0x38;
	[tilespmem:$0x990] =	vst v63  }
0x5c: {  	_ =	swait.ge @!p0 [sflag:s18], $0x80  }
0x5d: {  	[sflag:s18] =	ssyncset.done @!p0 $0x0  }
0x5e: {  	[sflag:s18] =	ssyncadd.s32 @!p0 $0xFFFFFF80  }
.LBB2_1:
0x5f: {  	[tilespmem:s2], [sflag:$0x1] =	stream.strided.gather [hbm4b:s3+s10], $0x180, s11, s10, $0x38;
	[tilespmem:$0x990] =	vst v63  }
0x60: {  	_ =	swait.ge [sflag:s12], $0x180  }
0x61: {  	[sflag:s12] =	ssyncset.done $0x0  }
0x62: {  	[sflag:s12] =	ssyncadd.s32 $0xFFFFFE80  }
0x63: {  	v3 =	vld [tilespmem:s2+$0x0];
	_ =	sdelay $0x4  }
0x64: {  	v4 =	vshrl.u32 v3, $0x8;
	_ =	sdelay $0x1  }
0x65: {  	v5 =	vand.u32 $0xFF, v3;
	_ =	sdelay $0x2  }
0x66: {  	v3 =	vld.idx.msk [tilespmem:v4+s2+$0x0], $0xffff;
	_ =	sdelay $0x1  }
0x67: {  	v6 =	vld.idx.msk [tilespmem:v5+s2+$0x0], $0xffff;
	_ =	sdelay $0x1  }
0x68: {  	v7 =	vor.u32 s2, v0  }
0x69: {  	vm1 =	vne.s32 v5, v7;
	v8 =	vshrl.u32 v3, $0x8;
	v3 =	vand.u32 $0xFF, v3  }
0x6a: {  	vm2 =	vne.s32 v4, v7;
	vm3 =	veq.s32 v8, v7;
	vm4 =	veq.s32 v3, v7  }
0x6b: {  	v3 =	vshrl.u32 v6, $0x8;
	v6 =	vand.u32 $0xFF, v6;
	vm3 =	vmor vm3, vm4  }
0x6c: {  	vm15 =	veq.s32 v3, v7;
	vm5 =	veq.s32 v6, v7;
	vm2 =	vmand vm2, vm3  }
0x6d: {  	s20 =	simm.s32 $0x280;
	v4 =	vsel vm3, v4, v7;
	vm3 =	vmor vm15, vm5;
	v6 =	vsel vm2, $0x1, v1  }
0x6e: {  	s18 =	simm.s32 $0x10;
	s19 =	simm.s32 $0x0;
	s21 =	simm.s32 $0x180;
	v3 =	vld [tilespmem:$0x100];
	[tilespmem:s13+$0x0] =	vst v4;
	vm1 =	vmand vm1, vm3;
	v4 =	vsel vm3, v5, v7;
	v5 =	vadd.s32 v6, v1  }
.LBB2_2:
0x6f: {  	[tilespmem:s20+$0x0] =	vst v4;
	v4 =	vsel vm1, $0x1, v1;
	s19 =	sadd.s32 $0x10, s19;
	s21 =	sadd.s32 $0x10, s21;
	s20 =	sadd.s32 $0x10, s20  }
0x70: {  	p1 =	sne.s32 s18, $0xF0;
	s22 =	smov.u32 s18;
	s18 =	sadd.s32 $0x10, s18;
	v6 =	vld [tilespmem:s19+$0x0];
	v5 =	vadd.s32 v4, v5  }
0x71: {  	_ =	sdelay $0x3  }
0x72: {  	v4 =	vshrl.u32 v6, $0x8;
	v6 =	vand.u32 $0xFF, v6;
	_ =	sdelay $0x4  }
0x73: {  	v7 =	vld.idx.msk [tilespmem:v4+s2+$0x0], $0xffff  }
0x74: {  	v8 =	vld.idx.msk [tilespmem:v6+s2+$0x0], $0xffff;
	_ =	sdelay $0x2  }
0x75: {  	v9 =	vor.u32 s22, v0  }
0x76: {  	vm1 =	vne.s32 v6, v9  }
0x77: {  	vm2 =	vne.s32 v4, v9;
	v10 =	vshrl.u32 v7, $0x8;
	v7 =	vand.u32 $0xFF, v7  }
.Ltmp2:
0x78: {  	vm3 =	veq.s32 v10, v9;
	vm4 =	veq.s32 v7, v9;
	v7 =	vshrl.u32 v8, $0x8;
	(pc) =	sbr.rel @p1 .LBB2_2-.Ltmp2, $4  }
0x79: {  	vm3 =	vmor vm3, vm4;
	vm4 =	veq.s32 v7, v9;
	v7 =	vand.u32 $0xFF, v8  }
0x7a: {  	vm2 =	vmand vm2, vm3;
	vm5 =	veq.s32 v7, v9;
	v4 =	vsel vm3, v4, v9  }
0x7b: {  	vm3 =	vmor vm4, vm5;
	v7 =	vsel vm2, $0x1, v1;
	[tilespmem:s21+$0x0] =	vst v4  }
0x7c: {  	vm1 =	vmand vm1, vm3;
	v4 =	vsel vm3, v6, v9;
	v5 =	vadd.s32 v7, v5  }
0x7d: {  	v6 =	vsel vm1, $0x1, v1  }
0x7e: {  	v5 =	vadd.s32 v6, v5  }
0x7f: {  	(xrf0) =	vadd.scan.msk.s32 $0xffff, v5;
	_ =	sdelay $0x5  }
0x80: {  	(v2sf) =	vpush v3, $0x0;
	v3, _, _ =	vpop (xrf0)  }
0x81: {  	(v2sf) =	vpush v3, $0xF;
	_ =	sdelay $0xd  }
0x82: {  	s19 =	spop (v2sf)  }
0x83: {  	s18 =	spop (v2sf)  }
0x84: {  	p1 =	slt.s32 s18, $0x1FE  }
.Ltmp3:
0x85: {  	_ = 	snop;
	(pc) =	sbr.rel @p1 .LBB2_27-.Ltmp3, $3  }
0x86: {  	_ =	sdelay $0x1  }
0x87: {  	[tilespmem:s20+$0x0] =	vst v4;
	v3 =	vimm.f32 $0.0e+00  }
0x88: {  	[tilespmem:$0x900] =	vst v3  }
0x89: {  	s20 =	simm.s32 $0x280  }
0x8a: {  	s21 =	simm.s32 $0x180;
	v3 =	vld [tilespmem:s20+$0x0]  }
0x8b: {  	v4 =	vld [tilespmem:s21+$0x0];
	_ =	sdelay $0x6  }
0x8c: {  	v5 =	vld.idx.msk [tilespmem:v3+s13+$0x0], $0xffff  }
0x8d: {  	v6 =	vld.idx.msk [tilespmem:v4+s13+$0x0], $0xffff;
	_ =	sdelay $0x1  }
0x8e: {  	s22 =	simm.s32 $0x0  }
0x8f: {  	v7 =	vor.u32 s22, v0;
	v8 =	vor.u32 s22, v2  }
0x90: {  	s23 =	simm.s32 $0x480;
	vm1 =	veq.s32 v3, v7;
	vm2 =	veq.s32 v5, v7;
	v5 =	vadd.s32 $0x100, v3  }
0x91: {  	v63 =	vadd.s32 $0x100, v4;
	[tilespmem:s23+$0xFFFFFF00] =	vst v4;
	vm3 =	veq.s32 v6, v7;
	v5 =	vsel vm2, v5, v3  }
0x92: {  	s22 =	simm.s32 $0x680;
	[tilespmem:s23+$0x0] =	vst v3;
	vm2 =	veq.s32 v4, v7;
	v3 =	vsel vm3, v63, v4;
	v4 =	vsel vm1, v8, v5  }
0x93: {  	s24 =	simm.s32 $0x490;
	s23 =	simm.s32 $0x10;
	v3 =	vsel vm2, v7, v3;
	[tilespmem:s22+$0x0] =	vst v4  }
.LBB2_5:
0x94: {  	[tilespmem:s22+$0xFFFFFF00] =	vst v3;
	s22 =	sadd.s32 $0x10, s22;
	s21 =	sadd.s32 $0x10, s21;
	s20 =	sadd.s32 $0x10, s20  }
0x95: {  	p1 =	sne.s32 s23, $0xF0;
	s25 =	smov.u32 s23;
	s23 =	sadd.s32 $0x10, s23;
	v3 =	vld [tilespmem:s20+$0x0]  }
0x96: {  	v4 =	vld [tilespmem:s21+$0x0];
	_ =	sdelay $0x6  }
0x97: {  	v5 =	vld.idx.msk [tilespmem:v3+s13+$0x0], $0xffff  }
0x98: {  	v6 =	vld.idx.msk [tilespmem:v4+s13+$0x0], $0xffff  }
0x99: {  	[tilespmem:s24+$0xFFFFFF00] =	vst v4  }
0x9a: {  	[tilespmem:s24+$0x0] =	vst v3;
	_ =	sdelay $0x1  }
.Ltmp4:
0x9b: {  	v7 =	vor.u32 s25, v0;
	v8 =	vor.u32 s25, v2;
	(pc) =	sbr.rel @p1 .LBB2_5-.Ltmp4, $4  }
0x9c: {  	vm1 =	veq.s32 v3, v7;
	vm2 =	veq.s32 v5, v7;
	v5 =	vadd.s32 $0x100, v3  }
0x9d: {  	vm3 =	veq.s32 v6, v7;
	v6 =	vadd.s32 $0x100, v4;
	v3 =	vsel vm2, v5, v3  }
0x9e: {  	vm2 =	veq.s32 v4, v7;
	v4 =	vsel vm3, v6, v4;
	v5 =	vsel vm1, v8, v3  }
0x9f: {  	s24 =	sadd.s32 $0x10, s24;
	v3 =	vsel vm2, v7, v4;
	[tilespmem:s22+$0x0] =	vst v5  }
0xa0: {  	[tilespmem:s22+$0xFFFFFF00] =	vst v3;
	s20 =	simm.s32 $0x0  }
0xa1: {  	v3 =	vld [tilespmem:s20+$0x580];
	_ =	sdelay $0x6  }
0xa2: {  	v4 =	vld [tilespmem:s20+$0x380]  }
0xa3: {  	v5 =	vld.idx.msk [tilespmem:v3+s14+$0x0], $0xffff  }
0xa4: {  	v6 =	vld.idx.msk [tilespmem:v3+s15+$0x0], $0xffff;
	_ =	sdelay $0x3  }
0xa5: {  	vm1 =	vlt.s32 v4, v5  }
0xa6: {  	s21 =	simm.s32 $0x80;
	s22 =	simm.s32 $0x10;
	[tilespmem:s20+$0x580] =	vst v6;
	v3 =	vsel vm1, v4, v5  }
.LBB2_7:
0xa7: {  	p1 =	sne.s32 s21, $0x7C0  }
0xa8: {  	v4 =	vld [tilespmem:s22+$0x580];
	[tilespmem:s20+$0x380] =	vst v3;
	s23 =	smov.u32 s21;
	s21 =	sadd.s32 $0x40, s21;
	s20 =	smov.u32 s22  }
0xa9: {  	_ =	sdelay $0x5  }
0xaa: {  	v3 =	vld [tilespmem:s20+$0x380]  }
0xab: {  	v5 =	vld.idx.msk [tilespmem:v4+s14+$0x0], $0xffff  }
0xac: {  	v4 =	vld.idx.msk [tilespmem:v4+s15+$0x0], $0xffff;
	_ =	sdelay $0x1  }
.Ltmp5:
0xad: {  	(pc) =	sbr.rel @p1 .LBB2_7-.Ltmp5, $3  }
0xae: {  	_ =	sdelay $0x1  }
0xaf: {  	vm1 =	vlt.s32 v3, v5  }
0xb0: {  	s22 =	sshra.s32 s23, $0x2;
	v3 =	vsel vm1, v3, v5;
	[tilespmem:s20+$0x580] =	vst v4  }
0xb1: {  	v4 =	vld [tilespmem:s22+$0x580];
	_ =	sdelay $0x5  }
0xb2: {  	[tilespmem:s20+$0x380] =	vst v3  }
0xb3: {  	v3 =	vld [tilespmem:s22+$0x380]  }
0xb4: {  	v5 =	vld.idx.msk [tilespmem:v4+s14+$0x0], $0xffff  }
0xb5: {  	v4 =	vld.idx.msk [tilespmem:v4+s15+$0x0], $0xffff;
	_ =	sdelay $0x3  }
0xb6: {  	vm1 =	vlt.s32 v3, v5  }
0xb7: {  	[tilespmem:s22+$0x580] =	vst v4;
	v3 =	vsel vm1, v3, v5  }
0xb8: {  	s20 =	simm.s32 $0x0;
	[tilespmem:s22+$0x380] =	vst v3  }
0xb9: {  	v3 =	vld [tilespmem:s20+$0x580];
	_ =	sdelay $0x6  }
0xba: {  	v4 =	vld [tilespmem:s20+$0x380]  }
0xbb: {  	v5 =	vld.idx.msk [tilespmem:v3+s14+$0x0], $0xffff  }
0xbc: {  	v6 =	vld.idx.msk [tilespmem:v3+s15+$0x0], $0xffff;
	_ =	sdelay $0x3  }
0xbd: {  	vm1 =	vlt.s32 v4, v5  }
0xbe: {  	s21 =	simm.s32 $0x80;
	s23 =	simm.s32 $0x10;
	s22 =	simm.s32 $0x0;
	[tilespmem:s20+$0x580] =	vst v6;
	v3 =	vsel vm1, v4, v5  }
.LBB2_9:
0xbf: {  	p1 =	sne.s32 s21, $0x7C0;
	v4 =	vld [tilespmem:s23+$0x580];
	[tilespmem:s22+$0x380] =	vst v3;
	s24 =	smov.u32 s21;
	s21 =	sadd.s32 $0x40, s21  }
0xc0: {  	s22 =	smov.u32 s23;
	_ =	sdelay $0x5  }
0xc1: {  	v3 =	vld [tilespmem:s22+$0x380]  }
0xc2: {  	v5 =	vld.idx.msk [tilespmem:v4+s14+$0x0], $0xffff  }
0xc3: {  	v4 =	vld.idx.msk [tilespmem:v4+s15+$0x0], $0xffff;
	_ =	sdelay $0x1  }
.Ltmp6:
0xc4: {  	(pc) =	sbr.rel @p1 .LBB2_9-.Ltmp6, $3  }
0xc5: {  	_ =	sdelay $0x1  }
0xc6: {  	vm1 =	vlt.s32 v3, v5  }
0xc7: {  	s23 =	sshra.s32 s24, $0x2;
	v3 =	vsel vm1, v3, v5;
	[tilespmem:s22+$0x580] =	vst v4  }
0xc8: {  	v4 =	vld [tilespmem:s23+$0x580];
	_ =	sdelay $0x5  }
0xc9: {  	[tilespmem:s22+$0x380] =	vst v3  }
0xca: {  	v3 =	vld [tilespmem:s23+$0x380]  }
0xcb: {  	v5 =	vld.idx.msk [tilespmem:v4+s14+$0x0], $0xffff  }
0xcc: {  	v4 =	vld.idx.msk [tilespmem:v4+s15+$0x0], $0xffff;
	_ =	sdelay $0x3  }
0xcd: {  	vm1 =	vlt.s32 v3, v5  }
0xce: {  	[tilespmem:s23+$0x580] =	vst v4;
	v3 =	vsel vm1, v3, v5  }
0xcf: {  	[tilespmem:s23+$0x380] =	vst v3  }
0xd0: {  	v3 =	vld [tilespmem:s20+$0x580];
	_ =	sdelay $0x6  }
0xd1: {  	v4 =	vld [tilespmem:s20+$0x380]  }
0xd2: {  	v5 =	vld.idx.msk [tilespmem:v3+s14+$0x0], $0xffff  }
0xd3: {  	v6 =	vld.idx.msk [tilespmem:v3+s15+$0x0], $0xffff;
	_ =	sdelay $0x3  }
0xd4: {  	vm1 =	vlt.s32 v4, v5  }
0xd5: {  	s21 =	simm.s32 $0x80;
	s22 =	simm.s32 $0x10;
	[tilespmem:s20+$0x580] =	vst v6;
	v3 =	vsel vm1, v4, v5  }
.LBB2_11:
0xd6: {  	p1 =	sne.s32 s21, $0x7C0  }
0xd7: {  	v4 =	vld [tilespmem:s22+$0x580];
	[tilespmem:s20+$0x380] =	vst v3;
	s23 =	smov.u32 s21;
	s21 =	sadd.s32 $0x40, s21;
	s20 =	smov.u32 s22  }
0xd8: {  	_ =	sdelay $0x5  }
0xd9: {  	v3 =	vld [tilespmem:s20+$0x380]  }
0xda: {  	v5 =	vld.idx.msk [tilespmem:v4+s14+$0x0], $0xffff  }
0xdb: {  	v4 =	vld.idx.msk [tilespmem:v4+s15+$0x0], $0xffff;
	_ =	sdelay $0x1  }
.Ltmp7:
0xdc: {  	(pc) =	sbr.rel @p1 .LBB2_11-.Ltmp7, $3  }
0xdd: {  	_ =	sdelay $0x1  }
0xde: {  	vm1 =	vlt.s32 v3, v5  }
0xdf: {  	s22 =	sshra.s32 s23, $0x2;
	v3 =	vsel vm1, v3, v5;
	[tilespmem:s20+$0x580] =	vst v4  }
0xe0: {  	v4 =	vld [tilespmem:s22+$0x580];
	_ =	sdelay $0x5  }
0xe1: {  	[tilespmem:s20+$0x380] =	vst v3  }
0xe2: {  	v3 =	vld [tilespmem:s22+$0x380]  }
0xe3: {  	v5 =	vld.idx.msk [tilespmem:v4+s14+$0x0], $0xffff  }
0xe4: {  	v4 =	vld.idx.msk [tilespmem:v4+s15+$0x0], $0xffff;
	_ =	sdelay $0x3  }
0xe5: {  	vm1 =	vlt.s32 v3, v5  }
0xe6: {  	[tilespmem:s22+$0x580] =	vst v4;
	v3 =	vsel vm1, v3, v5  }
0xe7: {  	s20 =	simm.s32 $0x0;
	[tilespmem:s22+$0x380] =	vst v3  }
0xe8: {  	v3 =	vld [tilespmem:s20+$0x580];
	_ =	sdelay $0x6  }
0xe9: {  	v4 =	vld [tilespmem:s20+$0x380]  }
0xea: {  	v5 =	vld.idx.msk [tilespmem:v3+s14+$0x0], $0xffff  }
0xeb: {  	v6 =	vld.idx.msk [tilespmem:v3+s15+$0x0], $0xffff;
	_ =	sdelay $0x3  }
0xec: {  	vm1 =	vlt.s32 v4, v5  }
0xed: {  	s21 =	simm.s32 $0x80;
	s23 =	simm.s32 $0x10;
	s22 =	simm.s32 $0x0;
	[tilespmem:s20+$0x580] =	vst v6;
	v3 =	vsel vm1, v4, v5  }
.LBB2_13:
0xee: {  	p1 =	sne.s32 s21, $0x7C0;
	v4 =	vld [tilespmem:s23+$0x580];
	[tilespmem:s22+$0x380] =	vst v3;
	s24 =	smov.u32 s21;
	s21 =	sadd.s32 $0x40, s21  }
0xef: {  	s22 =	smov.u32 s23;
	_ =	sdelay $0x5  }
0xf0: {  	v3 =	vld [tilespmem:s22+$0x380]  }
0xf1: {  	v5 =	vld.idx.msk [tilespmem:v4+s14+$0x0], $0xffff  }
0xf2: {  	v4 =	vld.idx.msk [tilespmem:v4+s15+$0x0], $0xffff;
	_ =	sdelay $0x1  }
.Ltmp8:
0xf3: {  	(pc) =	sbr.rel @p1 .LBB2_13-.Ltmp8, $3  }
0xf4: {  	_ =	sdelay $0x1  }
0xf5: {  	vm1 =	vlt.s32 v3, v5  }
0xf6: {  	s23 =	sshra.s32 s24, $0x2;
	v3 =	vsel vm1, v3, v5;
	[tilespmem:s22+$0x580] =	vst v4  }
0xf7: {  	v4 =	vld [tilespmem:s23+$0x580];
	_ =	sdelay $0x5  }
0xf8: {  	[tilespmem:s22+$0x380] =	vst v3  }
0xf9: {  	v3 =	vld [tilespmem:s23+$0x380]  }
0xfa: {  	v5 =	vld.idx.msk [tilespmem:v4+s14+$0x0], $0xffff  }
0xfb: {  	v4 =	vld.idx.msk [tilespmem:v4+s15+$0x0], $0xffff;
	_ =	sdelay $0x3  }
0xfc: {  	vm1 =	vlt.s32 v3, v5  }
0xfd: {  	[tilespmem:s23+$0x580] =	vst v4;
	v3 =	vsel vm1, v3, v5  }
0xfe: {  	[tilespmem:s23+$0x380] =	vst v3  }
0xff: {  	v3 =	vld [tilespmem:s20+$0x580];
	_ =	sdelay $0x6  }
0x100: {  	v4 =	vld [tilespmem:s20+$0x380]  }
0x101: {  	v5 =	vld.idx.msk [tilespmem:v3+s14+$0x0], $0xffff  }
0x102: {  	v6 =	vld.idx.msk [tilespmem:v3+s15+$0x0], $0xffff;
	_ =	sdelay $0x3  }
0x103: {  	vm1 =	vlt.s32 v4, v5  }
0x104: {  	s21 =	simm.s32 $0x80;
	s22 =	simm.s32 $0x10;
	[tilespmem:s20+$0x580] =	vst v6;
	v3 =	vsel vm1, v4, v5  }
.LBB2_15:
0x105: {  	p1 =	sne.s32 s21, $0x7C0  }
0x106: {  	v4 =	vld [tilespmem:s22+$0x580];
	[tilespmem:s20+$0x380] =	vst v3;
	s23 =	smov.u32 s21;
	s21 =	sadd.s32 $0x40, s21;
	s20 =	smov.u32 s22  }
0x107: {  	_ =	sdelay $0x5  }
0x108: {  	v3 =	vld [tilespmem:s20+$0x380]  }
0x109: {  	v5 =	vld.idx.msk [tilespmem:v4+s14+$0x0], $0xffff  }
0x10a: {  	v4 =	vld.idx.msk [tilespmem:v4+s15+$0x0], $0xffff;
	_ =	sdelay $0x1  }
.Ltmp9:
0x10b: {  	(pc) =	sbr.rel @p1 .LBB2_15-.Ltmp9, $3  }
0x10c: {  	_ =	sdelay $0x1  }
0x10d: {  	vm1 =	vlt.s32 v3, v5  }
0x10e: {  	s22 =	sshra.s32 s23, $0x2;
	v3 =	vsel vm1, v3, v5;
	[tilespmem:s20+$0x580] =	vst v4  }
0x10f: {  	v4 =	vld [tilespmem:s22+$0x580];
	_ =	sdelay $0x5  }
0x110: {  	[tilespmem:s20+$0x380] =	vst v3  }
0x111: {  	v3 =	vld [tilespmem:s22+$0x380]  }
0x112: {  	v5 =	vld.idx.msk [tilespmem:v4+s14+$0x0], $0xffff  }
0x113: {  	v4 =	vld.idx.msk [tilespmem:v4+s15+$0x0], $0xffff;
	_ =	sdelay $0x3  }
0x114: {  	vm1 =	vlt.s32 v3, v5  }
0x115: {  	[tilespmem:s22+$0x580] =	vst v4;
	v3 =	vsel vm1, v3, v5  }
0x116: {  	s20 =	simm.s32 $0x0;
	[tilespmem:s22+$0x380] =	vst v3  }
0x117: {  	v3 =	vld [tilespmem:s20+$0x580];
	_ =	sdelay $0x6  }
0x118: {  	v4 =	vld [tilespmem:s20+$0x380]  }
0x119: {  	v5 =	vld.idx.msk [tilespmem:v3+s14+$0x0], $0xffff  }
0x11a: {  	v6 =	vld.idx.msk [tilespmem:v3+s15+$0x0], $0xffff;
	_ =	sdelay $0x3  }
0x11b: {  	vm1 =	vlt.s32 v4, v5  }
0x11c: {  	s21 =	simm.s32 $0x80;
	s23 =	simm.s32 $0x10;
	s22 =	simm.s32 $0x0;
	[tilespmem:s20+$0x580] =	vst v6;
	v3 =	vsel vm1, v4, v5  }
.LBB2_17:
0x11d: {  	p1 =	sne.s32 s21, $0x7C0;
	v4 =	vld [tilespmem:s23+$0x580];
	[tilespmem:s22+$0x380] =	vst v3;
	s24 =	smov.u32 s21;
	s21 =	sadd.s32 $0x40, s21  }
0x11e: {  	s22 =	smov.u32 s23;
	_ =	sdelay $0x5  }
0x11f: {  	v3 =	vld [tilespmem:s22+$0x380]  }
0x120: {  	v5 =	vld.idx.msk [tilespmem:v4+s14+$0x0], $0xffff  }
0x121: {  	v4 =	vld.idx.msk [tilespmem:v4+s15+$0x0], $0xffff;
	_ =	sdelay $0x1  }
.Ltmp10:
0x122: {  	(pc) =	sbr.rel @p1 .LBB2_17-.Ltmp10, $3  }
0x123: {  	_ =	sdelay $0x1  }
0x124: {  	vm1 =	vlt.s32 v3, v5  }
0x125: {  	s23 =	sshra.s32 s24, $0x2;
	v3 =	vsel vm1, v3, v5;
	[tilespmem:s22+$0x580] =	vst v4  }
0x126: {  	v4 =	vld [tilespmem:s23+$0x580];
	_ =	sdelay $0x5  }
0x127: {  	[tilespmem:s22+$0x380] =	vst v3  }
0x128: {  	v3 =	vld [tilespmem:s23+$0x380]  }
0x129: {  	v5 =	vld.idx.msk [tilespmem:v4+s14+$0x0], $0xffff  }
0x12a: {  	v4 =	vld.idx.msk [tilespmem:v4+s15+$0x0], $0xffff;
	_ =	sdelay $0x3  }
0x12b: {  	vm1 =	vlt.s32 v3, v5  }
0x12c: {  	[tilespmem:s23+$0x580] =	vst v4;
	v3 =	vsel vm1, v3, v5  }
0x12d: {  	[tilespmem:s23+$0x380] =	vst v3  }
0x12e: {  	v3 =	vld [tilespmem:s20+$0x580];
	_ =	sdelay $0x6  }
0x12f: {  	v4 =	vld [tilespmem:s20+$0x380]  }
0x130: {  	v5 =	vld.idx.msk [tilespmem:v3+s14+$0x0], $0xffff  }
0x131: {  	v6 =	vld.idx.msk [tilespmem:v3+s15+$0x0], $0xffff;
	_ =	sdelay $0x3  }
0x132: {  	vm1 =	vlt.s32 v4, v5  }
0x133: {  	s21 =	simm.s32 $0x80;
	s22 =	simm.s32 $0x10;
	[tilespmem:s20+$0x580] =	vst v6;
	v3 =	vsel vm1, v4, v5  }
.LBB2_19:
0x134: {  	p1 =	sne.s32 s21, $0x7C0  }
0x135: {  	v4 =	vld [tilespmem:s22+$0x580];
	[tilespmem:s20+$0x380] =	vst v3;
	s23 =	smov.u32 s21;
	s21 =	sadd.s32 $0x40, s21;
	s20 =	smov.u32 s22  }
0x136: {  	_ =	sdelay $0x5  }
0x137: {  	v3 =	vld [tilespmem:s20+$0x380]  }
0x138: {  	v5 =	vld.idx.msk [tilespmem:v4+s14+$0x0], $0xffff  }
0x139: {  	v4 =	vld.idx.msk [tilespmem:v4+s15+$0x0], $0xffff;
	_ =	sdelay $0x1  }
.Ltmp11:
0x13a: {  	(pc) =	sbr.rel @p1 .LBB2_19-.Ltmp11, $3  }
0x13b: {  	_ =	sdelay $0x1  }
0x13c: {  	vm1 =	vlt.s32 v3, v5  }
0x13d: {  	s22 =	sshra.s32 s23, $0x2;
	v3 =	vsel vm1, v3, v5;
	[tilespmem:s20+$0x580] =	vst v4  }
0x13e: {  	v4 =	vld [tilespmem:s22+$0x580];
	_ =	sdelay $0x5  }
0x13f: {  	[tilespmem:s20+$0x380] =	vst v3  }
0x140: {  	v3 =	vld [tilespmem:s22+$0x380]  }
0x141: {  	v5 =	vld.idx.msk [tilespmem:v4+s14+$0x0], $0xffff  }
0x142: {  	v4 =	vld.idx.msk [tilespmem:v4+s15+$0x0], $0xffff;
	_ =	sdelay $0x3  }
0x143: {  	vm1 =	vlt.s32 v3, v5  }
0x144: {  	[tilespmem:s22+$0x580] =	vst v4;
	v3 =	vsel vm1, v3, v5  }
0x145: {  	s21 =	simm.s32 $0x0;
	[tilespmem:s22+$0x380] =	vst v3  }
0x146: {  	v3 =	vld [tilespmem:s21+$0x580];
	_ =	sdelay $0x6  }
0x147: {  	v4 =	vld [tilespmem:s21+$0x380]  }
0x148: {  	v5 =	vld.idx.msk [tilespmem:v3+s14+$0x0], $0xffff  }
0x149: {  	v6 =	vld.idx.msk [tilespmem:v3+s15+$0x0], $0xffff;
	_ =	sdelay $0x3  }
0x14a: {  	vm1 =	vlt.s32 v4, v5  }
0x14b: {  	s20 =	simm.s32 $0x0;
	s23 =	simm.s32 $0x10;
	s22 =	simm.s32 $0x80;
	[tilespmem:s21+$0x580] =	vst v6;
	v3 =	vsel vm1, v4, v5  }
.LBB2_21:
0x14c: {  	p1 =	sne.s32 s22, $0x7C0;
	v4 =	vld [tilespmem:s23+$0x580];
	[tilespmem:s21+$0x380] =	vst v3;
	s24 =	smov.u32 s22;
	s22 =	sadd.s32 $0x40, s22  }
0x14d: {  	s21 =	smov.u32 s23;
	_ =	sdelay $0x5  }
0x14e: {  	v3 =	vld [tilespmem:s21+$0x380]  }
0x14f: {  	v5 =	vld.idx.msk [tilespmem:v4+s14+$0x0], $0xffff  }
0x150: {  	v4 =	vld.idx.msk [tilespmem:v4+s15+$0x0], $0xffff;
	_ =	sdelay $0x1  }
.Ltmp12:
0x151: {  	(pc) =	sbr.rel @p1 .LBB2_21-.Ltmp12, $3  }
0x152: {  	_ =	sdelay $0x1  }
0x153: {  	vm1 =	vlt.s32 v3, v5  }
0x154: {  	s23 =	sshra.s32 s24, $0x2;
	v3 =	vsel vm1, v3, v5;
	[tilespmem:s21+$0x580] =	vst v4  }
0x155: {  	v4 =	vld [tilespmem:s23+$0x580];
	_ =	sdelay $0x5  }
0x156: {  	[tilespmem:s21+$0x380] =	vst v3  }
0x157: {  	v3 =	vld [tilespmem:s23+$0x380]  }
0x158: {  	v5 =	vld.idx.msk [tilespmem:v4+s14+$0x0], $0xffff  }
0x159: {  	v4 =	vld.idx.msk [tilespmem:v4+s15+$0x0], $0xffff;
	_ =	sdelay $0x3  }
0x15a: {  	vm1 =	vlt.s32 v3, v5  }
0x15b: {  	[tilespmem:s23+$0x580] =	vst v4;
	v3 =	vsel vm1, v3, v5  }
0x15c: {  	[tilespmem:s23+$0x380] =	vst v3  }
.LBB2_23:
0x15d: {  	s22 =	sshra.s32 s20, $0x2  }
0x15e: {  	v3 =	vld [tilespmem:s22+$0x580];
	_ =	sdelay $0x6  }
0x15f: {  	s21 =	simm.s32 $0x380;
	v4 =	vld [tilespmem:s22+$0x380]  }
0x160: {  	v5 =	vld.idx.msk [tilespmem:v3+s21+$0x0], $0xffff  }
0x161: {  	v3 =	vld.idx.msk [tilespmem:v3+s15+$0x0], $0xffff  }
0x162: {  	p1 =	sne.s32 s20, $0x7C0  }
.Ltmp13:
0x163: {  	_ = 	snop;
	(pc) =	sbr.rel @p1 .LBB2_23-.Ltmp13, $4  }
0x164: {  	_ = 	snop  }
0x165: {  	vm1 =	vlt.s32 v4, v5  }
0x166: {  	[tilespmem:s22+$0x580] =	vst v3;
	v4 =	vsel vm1, v4, v5  }
0x167: {  	s20 =	sadd.s32 $0x40, s20;
	[tilespmem:s22+$0x380] =	vst v4  }
0x168: {  	s20 =	simm.s32 $0x0  }
0x169: {  	v5 =	vld [tilespmem:s21+$0x0];
	s22 =	sand.u32 $0xF0, s20  }
0x16a: {  	v4 =	vld [tilespmem:s22+$0x480];
	_ =	sdelay $0x2  }
0x16b: {  	v3 =	vimm.s32 $0x0;
	s21 =	simm.s32 $0x10;
	s22 =	simm.s32 $0x390  }
.LBB2_25:
0x16c: {  	s23 =	sand.u32 $0xF0, s21  }
0x16d: {  	v6 =	vld [tilespmem:s22+$0x0];
	p1 =	sne.s32 s21, $0xF0;
	vm1 =	vlt.s32 v5, v4;
	s24 =	smov.u32 s21;
	s21 =	sadd.s32 $0x10, s21  }
.Ltmp14:
0x16e: {  	v7 =	vor.u32 s20, v0;
	v5 =	vsel vm1, v5, v4;
	v4 =	vld [tilespmem:s23+$0x480];
	s20 =	smov.u32 s24;
	(pc) =	sbr.rel @p1 .LBB2_25-.Ltmp14, $4  }
0x16f: {  	vm1 =	vlt.s32 v7, v5  }
0x170: {  	v7 =	vsel vm1, v7, v5  }
0x171: {  	vm1 =	vgt.s32 v3, v7  }
0x172: {  	s22 =	sadd.s32 $0x10, s22;
	v3 =	vsel vm1, v3, v7;
	v5 =	vmov v6  }
0x173: {  	vm1 =	vlt.s32 v5, v4  }
0x174: {  	v6 =	vor.u32 s20, v0;
	v4 =	vsel vm1, v5, v4  }
0x175: {  	vm1 =	vlt.s32 v6, v4  }
0x176: {  	v4 =	vsel vm1, v6, v4  }
0x177: {  	vm1 =	vgt.s32 v3, v4  }
0x178: {  	v3 =	vsel vm1, v3, v4  }
0x179: {  	v3 =	vxor.u32 $0x80000000, v3  }
0x17a: {  	(xrf0) =	vmax.scan.msk.u32 $0xffff, v3;
	_ =	sdelay $0x5  }
0x17b: {  	v3, _, _ =	vpop (xrf0)  }
0x17c: {  	(v2sf) =	vpush v3, $0xF;
	_ =	sdelay $0xe  }
0x17d: {  	p1 =	seq.s32 s18, $0x200;
	s18 =	simm.f32 $6.023626190e-04;
	s31 =	spop (v2sf)  }
0x17e: {  	s18 =	simm.s32 @!p1 $0x391DE964;
	p2 =	seq.s32 s31, $0x80000000  }
0x17f: {  	s18 =	simm.s32 @!p2 $0x0  }
0x180: {  	v3 =	vmov s18  }
0x181: {  	v3 =	vnsel vm0, $0x0, v3  }
0x182: {  	[tilespmem:$0x900] =	vst v3  }
.LBB2_27:
0x183: {  	s18 =	simm.s32 $0x0  }
0x184: {  	[tilespmem:s18], [sflag:$0x1] =	stream.strided.gather [hbm4b:s4+s10], $0x180, s11, s10, $0x38;
	[tilespmem:$0x990] =	vst v63  }
0x185: {  	_ =	swait.ge [sflag:s12], $0x180  }
0x186: {  	[sflag:s12] =	ssyncset.done $0x0  }
0x187: {  	[sflag:s12] =	ssyncadd.s32 $0xFFFFFE80  }
0x188: {  	v4 =	vld [tilespmem:s18+$0x0];
	_ =	sdelay $0x4  }
0x189: {  	v5 =	vshrl.u32 v4, $0x8;
	_ =	sdelay $0x1  }
0x18a: {  	v6 =	vand.u32 $0xFF, v4;
	_ =	sdelay $0x2  }
0x18b: {  	v4 =	vld.idx.msk [tilespmem:v5+s2+$0x0], $0xffff;
	_ =	sdelay $0x1  }
0x18c: {  	v7 =	vld.idx.msk [tilespmem:v6+s2+$0x0], $0xffff;
	_ =	sdelay $0x1  }
0x18d: {  	v8 =	vimm.s32 $0x0;
	v9 =	vor.u32 s18, v0  }
0x18e: {  	vm1 =	vne.s32 v6, v9;
	v10 =	vshrl.u32 v4, $0x8;
	v4 =	vand.u32 $0xFF, v4  }
0x18f: {  	vm2 =	vne.s32 v5, v9;
	vm3 =	veq.s32 v10, v9;
	vm4 =	veq.s32 v4, v9  }
0x190: {  	v4 =	vshrl.u32 v7, $0x8;
	v7 =	vand.u32 $0xFF, v7;
	vm3 =	vmor vm3, vm4  }
0x191: {  	vm15 =	veq.s32 v4, v9;
	vm5 =	veq.s32 v7, v9;
	vm2 =	vmand vm2, vm3  }
0x192: {  	s20 =	simm.s32 $0x180;
	v5 =	vsel vm3, v5, v9;
	vm3 =	vmor vm15, vm5;
	v7 =	vsel vm2, $0x1, v1  }
0x193: {  	s22 =	simm.s32 $0x280;
	s21 =	simm.s32 $0x10;
	v4 =	vld [tilespmem:$0x100];
	[tilespmem:s20+$0x0] =	vst v5;
	vm1 =	vmand vm1, vm3;
	v5 =	vsel vm3, v6, v9;
	v6 =	vadd.s32 v7, v8  }
.LBB2_28:
0x194: {  	[tilespmem:s22+$0x0] =	vst v5;
	v5 =	vsel vm1, $0x1, v1;
	s18 =	sadd.s32 $0x10, s18;
	s20 =	sadd.s32 $0x10, s20;
	s22 =	sadd.s32 $0x10, s22  }
0x195: {  	p1 =	sne.s32 s21, $0xF0;
	s23 =	smov.u32 s21;
	s21 =	sadd.s32 $0x10, s21;
	v7 =	vld [tilespmem:s18+$0x0];
	v6 =	vadd.s32 v5, v6  }
0x196: {  	_ =	sdelay $0x3  }
0x197: {  	v5 =	vshrl.u32 v7, $0x8;
	v7 =	vand.u32 $0xFF, v7;
	_ =	sdelay $0x4  }
0x198: {  	v8 =	vld.idx.msk [tilespmem:v5+s2+$0x0], $0xffff  }
0x199: {  	v9 =	vld.idx.msk [tilespmem:v7+s2+$0x0], $0xffff;
	_ =	sdelay $0x2  }
0x19a: {  	v10 =	vor.u32 s23, v0  }
0x19b: {  	vm1 =	vne.s32 v7, v10  }
0x19c: {  	vm2 =	vne.s32 v5, v10;
	v11 =	vshrl.u32 v8, $0x8;
	v8 =	vand.u32 $0xFF, v8  }
.Ltmp15:
0x19d: {  	vm3 =	veq.s32 v11, v10;
	vm4 =	veq.s32 v8, v10;
	v8 =	vshrl.u32 v9, $0x8;
	(pc) =	sbr.rel @p1 .LBB2_28-.Ltmp15, $4  }
0x19e: {  	vm3 =	vmor vm3, vm4;
	vm4 =	veq.s32 v8, v10;
	v8 =	vand.u32 $0xFF, v9  }
0x19f: {  	vm2 =	vmand vm2, vm3;
	vm5 =	veq.s32 v8, v10;
	v5 =	vsel vm3, v5, v10  }
0x1a0: {  	vm3 =	vmor vm4, vm5;
	v8 =	vsel vm2, $0x1, v1;
	[tilespmem:s20+$0x0] =	vst v5  }
0x1a1: {  	vm1 =	vmand vm1, vm3;
	v5 =	vsel vm3, v7, v10;
	v6 =	vadd.s32 v8, v6  }
0x1a2: {  	v7 =	vsel vm1, $0x1, v1  }
0x1a3: {  	v6 =	vadd.s32 v7, v6  }
0x1a4: {  	(xrf0) =	vadd.scan.msk.s32 $0xffff, v6;
	_ =	sdelay $0x4  }
0x1a5: {  	(v2sf) =	vpush v3, $0x0  }
0x1a6: {  	(v2sf) =	vpush v4, $0x0;
	v3, _, _ =	vpop (xrf0)  }
0x1a7: {  	(v2sf) =	vpush v3, $0xF;
	_ =	sdelay $0xc  }
0x1a8: {  	s20 =	spop (v2sf)  }
0x1a9: {  	s18 =	spop (v2sf)  }
0x1aa: {  	s21 =	spop (v2sf)  }
0x1ab: {  	p1 =	slt.s32 s21, $0x1FE  }
.Ltmp16:
0x1ac: {  	_ = 	snop;
	(pc) =	sbr.rel @p1 .LBB2_53-.Ltmp16, $3  }
0x1ad: {  	_ =	sdelay $0x1  }
0x1ae: {  	[tilespmem:s22+$0x0] =	vst v5;
	v3 =	vimm.f32 $0.0e+00  }
0x1af: {  	[tilespmem:$0x900] =	vst v3  }
0x1b0: {  	s22 =	simm.s32 $0x280  }
0x1b1: {  	s23 =	simm.s32 $0x180;
	v3 =	vld [tilespmem:s22+$0x0]  }
0x1b2: {  	v4 =	vld [tilespmem:s23+$0x0];
	_ =	sdelay $0x6  }
0x1b3: {  	v5 =	vld.idx.msk [tilespmem:v3+s13+$0x0], $0xffff  }
0x1b4: {  	v6 =	vld.idx.msk [tilespmem:v4+s13+$0x0], $0xffff;
	_ =	sdelay $0x1  }
0x1b5: {  	s24 =	simm.s32 $0x0  }
0x1b6: {  	v7 =	vor.u32 s24, v0;
	v8 =	vor.u32 s24, v2  }
0x1b7: {  	s25 =	simm.s32 $0x480;
	vm1 =	veq.s32 v3, v7;
	vm2 =	veq.s32 v5, v7;
	v5 =	vadd.s32 $0x100, v3  }
0x1b8: {  	v63 =	vadd.s32 $0x100, v4;
	[tilespmem:s25+$0xFFFFFF00] =	vst v4;
	vm3 =	veq.s32 v6, v7;
	v5 =	vsel vm2, v5, v3  }
0x1b9: {  	s24 =	simm.s32 $0x680;
	[tilespmem:s25+$0x0] =	vst v3;
	vm2 =	veq.s32 v4, v7;
	v3 =	vsel vm3, v63, v4;
	v4 =	vsel vm1, v8, v5  }
0x1ba: {  	s26 =	simm.s32 $0x490;
	s25 =	simm.s32 $0x10;
	v3 =	vsel vm2, v7, v3;
	[tilespmem:s24+$0x0] =	vst v4  }
.LBB2_31:
0x1bb: {  	[tilespmem:s24+$0xFFFFFF00] =	vst v3;
	s24 =	sadd.s32 $0x10, s24;
	s23 =	sadd.s32 $0x10, s23;
	s22 =	sadd.s32 $0x10, s22  }
0x1bc: {  	p1 =	sne.s32 s25, $0xF0;
	s28 =	smov.u32 s25;
	s25 =	sadd.s32 $0x10, s25;
	v3 =	vld [tilespmem:s22+$0x0]  }
0x1bd: {  	v4 =	vld [tilespmem:s23+$0x0];
	_ =	sdelay $0x6  }
0x1be: {  	v5 =	vld.idx.msk [tilespmem:v3+s13+$0x0], $0xffff  }
0x1bf: {  	v6 =	vld.idx.msk [tilespmem:v4+s13+$0x0], $0xffff  }
0x1c0: {  	[tilespmem:s26+$0xFFFFFF00] =	vst v4  }
0x1c1: {  	[tilespmem:s26+$0x0] =	vst v3;
	_ =	sdelay $0x1  }
.Ltmp17:
0x1c2: {  	v7 =	vor.u32 s28, v0;
	v8 =	vor.u32 s28, v2;
	(pc) =	sbr.rel @p1 .LBB2_31-.Ltmp17, $4  }
0x1c3: {  	vm1 =	veq.s32 v3, v7;
	vm2 =	veq.s32 v5, v7;
	v5 =	vadd.s32 $0x100, v3  }
0x1c4: {  	vm3 =	veq.s32 v6, v7;
	v6 =	vadd.s32 $0x100, v4;
	v3 =	vsel vm2, v5, v3  }
0x1c5: {  	vm2 =	veq.s32 v4, v7;
	v4 =	vsel vm3, v6, v4;
	v5 =	vsel vm1, v8, v3  }
0x1c6: {  	s26 =	sadd.s32 $0x10, s26;
	v3 =	vsel vm2, v7, v4;
	[tilespmem:s24+$0x0] =	vst v5  }
0x1c7: {  	[tilespmem:s24+$0xFFFFFF00] =	vst v3;
	s22 =	simm.s32 $0x0  }
0x1c8: {  	v3 =	vld [tilespmem:s22+$0x580];
	_ =	sdelay $0x6  }
0x1c9: {  	v4 =	vld [tilespmem:s22+$0x380]  }
0x1ca: {  	v5 =	vld.idx.msk [tilespmem:v3+s14+$0x0], $0xffff  }
0x1cb: {  	v6 =	vld.idx.msk [tilespmem:v3+s15+$0x0], $0xffff;
	_ =	sdelay $0x3  }
0x1cc: {  	vm1 =	vlt.s32 v4, v5  }
0x1cd: {  	s23 =	simm.s32 $0x80;
	s24 =	simm.s32 $0x10;
	[tilespmem:s22+$0x580] =	vst v6;
	v3 =	vsel vm1, v4, v5  }
.LBB2_33:
0x1ce: {  	p1 =	sne.s32 s23, $0x7C0  }
0x1cf: {  	v4 =	vld [tilespmem:s24+$0x580];
	[tilespmem:s22+$0x380] =	vst v3;
	s25 =	smov.u32 s23;
	s23 =	sadd.s32 $0x40, s23;
	s22 =	smov.u32 s24  }
0x1d0: {  	_ =	sdelay $0x5  }
0x1d1: {  	v3 =	vld [tilespmem:s22+$0x380]  }
0x1d2: {  	v5 =	vld.idx.msk [tilespmem:v4+s14+$0x0], $0xffff  }
0x1d3: {  	v4 =	vld.idx.msk [tilespmem:v4+s15+$0x0], $0xffff;
	_ =	sdelay $0x1  }
.Ltmp18:
0x1d4: {  	(pc) =	sbr.rel @p1 .LBB2_33-.Ltmp18, $3  }
0x1d5: {  	_ =	sdelay $0x1  }
0x1d6: {  	vm1 =	vlt.s32 v3, v5  }
0x1d7: {  	s24 =	sshra.s32 s25, $0x2;
	v3 =	vsel vm1, v3, v5;
	[tilespmem:s22+$0x580] =	vst v4  }
0x1d8: {  	v4 =	vld [tilespmem:s24+$0x580];
	_ =	sdelay $0x5  }
0x1d9: {  	[tilespmem:s22+$0x380] =	vst v3  }
0x1da: {  	v3 =	vld [tilespmem:s24+$0x380]  }
0x1db: {  	v5 =	vld.idx.msk [tilespmem:v4+s14+$0x0], $0xffff  }
0x1dc: {  	v4 =	vld.idx.msk [tilespmem:v4+s15+$0x0], $0xffff;
	_ =	sdelay $0x3  }
0x1dd: {  	vm1 =	vlt.s32 v3, v5  }
0x1de: {  	[tilespmem:s24+$0x580] =	vst v4;
	v3 =	vsel vm1, v3, v5  }
0x1df: {  	s22 =	simm.s32 $0x0;
	[tilespmem:s24+$0x380] =	vst v3  }
0x1e0: {  	v3 =	vld [tilespmem:s22+$0x580];
	_ =	sdelay $0x6  }
0x1e1: {  	v4 =	vld [tilespmem:s22+$0x380]  }
0x1e2: {  	v5 =	vld.idx.msk [tilespmem:v3+s14+$0x0], $0xffff  }
0x1e3: {  	v6 =	vld.idx.msk [tilespmem:v3+s15+$0x0], $0xffff;
	_ =	sdelay $0x3  }
0x1e4: {  	vm1 =	vlt.s32 v4, v5  }
0x1e5: {  	s23 =	simm.s32 $0x80;
	s25 =	simm.s32 $0x10;
	s24 =	simm.s32 $0x0;
	[tilespmem:s22+$0x580] =	vst v6;
	v3 =	vsel vm1, v4, v5  }
.LBB2_35:
0x1e6: {  	p1 =	sne.s32 s23, $0x7C0;
	v4 =	vld [tilespmem:s25+$0x580];
	[tilespmem:s24+$0x380] =	vst v3;
	s26 =	smov.u32 s23;
	s23 =	sadd.s32 $0x40, s23  }
0x1e7: {  	s24 =	smov.u32 s25;
	_ =	sdelay $0x5  }
0x1e8: {  	v3 =	vld [tilespmem:s24+$0x380]  }
0x1e9: {  	v5 =	vld.idx.msk [tilespmem:v4+s14+$0x0], $0xffff  }
0x1ea: {  	v4 =	vld.idx.msk [tilespmem:v4+s15+$0x0], $0xffff;
	_ =	sdelay $0x1  }
.Ltmp19:
0x1eb: {  	(pc) =	sbr.rel @p1 .LBB2_35-.Ltmp19, $3  }
0x1ec: {  	_ =	sdelay $0x1  }
0x1ed: {  	vm1 =	vlt.s32 v3, v5  }
0x1ee: {  	s25 =	sshra.s32 s26, $0x2;
	v3 =	vsel vm1, v3, v5;
	[tilespmem:s24+$0x580] =	vst v4  }
0x1ef: {  	v4 =	vld [tilespmem:s25+$0x580];
	_ =	sdelay $0x5  }
0x1f0: {  	[tilespmem:s24+$0x380] =	vst v3  }
0x1f1: {  	v3 =	vld [tilespmem:s25+$0x380]  }
0x1f2: {  	v5 =	vld.idx.msk [tilespmem:v4+s14+$0x0], $0xffff  }
0x1f3: {  	v4 =	vld.idx.msk [tilespmem:v4+s15+$0x0], $0xffff;
	_ =	sdelay $0x3  }
0x1f4: {  	vm1 =	vlt.s32 v3, v5  }
0x1f5: {  	[tilespmem:s25+$0x580] =	vst v4;
	v3 =	vsel vm1, v3, v5  }
0x1f6: {  	[tilespmem:s25+$0x380] =	vst v3  }
0x1f7: {  	v3 =	vld [tilespmem:s22+$0x580];
	_ =	sdelay $0x6  }
0x1f8: {  	v4 =	vld [tilespmem:s22+$0x380]  }
0x1f9: {  	v5 =	vld.idx.msk [tilespmem:v3+s14+$0x0], $0xffff  }
0x1fa: {  	v6 =	vld.idx.msk [tilespmem:v3+s15+$0x0], $0xffff;
	_ =	sdelay $0x3  }
0x1fb: {  	vm1 =	vlt.s32 v4, v5  }
0x1fc: {  	s23 =	simm.s32 $0x80;
	s24 =	simm.s32 $0x10;
	[tilespmem:s22+$0x580] =	vst v6;
	v3 =	vsel vm1, v4, v5  }
.LBB2_37:
0x1fd: {  	p1 =	sne.s32 s23, $0x7C0  }
0x1fe: {  	v4 =	vld [tilespmem:s24+$0x580];
	[tilespmem:s22+$0x380] =	vst v3;
	s25 =	smov.u32 s23;
	s23 =	sadd.s32 $0x40, s23;
	s22 =	smov.u32 s24  }
0x1ff: {  	_ =	sdelay $0x5  }
0x200: {  	v3 =	vld [tilespmem:s22+$0x380]  }
0x201: {  	v5 =	vld.idx.msk [tilespmem:v4+s14+$0x0], $0xffff  }
0x202: {  	v4 =	vld.idx.msk [tilespmem:v4+s15+$0x0], $0xffff;
	_ =	sdelay $0x1  }
.Ltmp20:
0x203: {  	(pc) =	sbr.rel @p1 .LBB2_37-.Ltmp20, $3  }
0x204: {  	_ =	sdelay $0x1  }
0x205: {  	vm1 =	vlt.s32 v3, v5  }
0x206: {  	s24 =	sshra.s32 s25, $0x2;
	v3 =	vsel vm1, v3, v5;
	[tilespmem:s22+$0x580] =	vst v4  }
0x207: {  	v4 =	vld [tilespmem:s24+$0x580];
	_ =	sdelay $0x5  }
0x208: {  	[tilespmem:s22+$0x380] =	vst v3  }
0x209: {  	v3 =	vld [tilespmem:s24+$0x380]  }
0x20a: {  	v5 =	vld.idx.msk [tilespmem:v4+s14+$0x0], $0xffff  }
0x20b: {  	v4 =	vld.idx.msk [tilespmem:v4+s15+$0x0], $0xffff;
	_ =	sdelay $0x3  }
0x20c: {  	vm1 =	vlt.s32 v3, v5  }
0x20d: {  	[tilespmem:s24+$0x580] =	vst v4;
	v3 =	vsel vm1, v3, v5  }
0x20e: {  	s22 =	simm.s32 $0x0;
	[tilespmem:s24+$0x380] =	vst v3  }
0x20f: {  	v3 =	vld [tilespmem:s22+$0x580];
	_ =	sdelay $0x6  }
0x210: {  	v4 =	vld [tilespmem:s22+$0x380]  }
0x211: {  	v5 =	vld.idx.msk [tilespmem:v3+s14+$0x0], $0xffff  }
0x212: {  	v6 =	vld.idx.msk [tilespmem:v3+s15+$0x0], $0xffff;
	_ =	sdelay $0x3  }
0x213: {  	vm1 =	vlt.s32 v4, v5  }
0x214: {  	s23 =	simm.s32 $0x80;
	s25 =	simm.s32 $0x10;
	s24 =	simm.s32 $0x0;
	[tilespmem:s22+$0x580] =	vst v6;
	v3 =	vsel vm1, v4, v5  }
.LBB2_39:
0x215: {  	p1 =	sne.s32 s23, $0x7C0;
	v4 =	vld [tilespmem:s25+$0x580];
	[tilespmem:s24+$0x380] =	vst v3;
	s26 =	smov.u32 s23;
	s23 =	sadd.s32 $0x40, s23  }
0x216: {  	s24 =	smov.u32 s25;
	_ =	sdelay $0x5  }
0x217: {  	v3 =	vld [tilespmem:s24+$0x380]  }
0x218: {  	v5 =	vld.idx.msk [tilespmem:v4+s14+$0x0], $0xffff  }
0x219: {  	v4 =	vld.idx.msk [tilespmem:v4+s15+$0x0], $0xffff;
	_ =	sdelay $0x1  }
.Ltmp21:
0x21a: {  	(pc) =	sbr.rel @p1 .LBB2_39-.Ltmp21, $3  }
0x21b: {  	_ =	sdelay $0x1  }
0x21c: {  	vm1 =	vlt.s32 v3, v5  }
0x21d: {  	s25 =	sshra.s32 s26, $0x2;
	v3 =	vsel vm1, v3, v5;
	[tilespmem:s24+$0x580] =	vst v4  }
0x21e: {  	v4 =	vld [tilespmem:s25+$0x580];
	_ =	sdelay $0x5  }
0x21f: {  	[tilespmem:s24+$0x380] =	vst v3  }
0x220: {  	v3 =	vld [tilespmem:s25+$0x380]  }
0x221: {  	v5 =	vld.idx.msk [tilespmem:v4+s14+$0x0], $0xffff  }
0x222: {  	v4 =	vld.idx.msk [tilespmem:v4+s15+$0x0], $0xffff;
	_ =	sdelay $0x3  }
0x223: {  	vm1 =	vlt.s32 v3, v5  }
0x224: {  	[tilespmem:s25+$0x580] =	vst v4;
	v3 =	vsel vm1, v3, v5  }
0x225: {  	[tilespmem:s25+$0x380] =	vst v3  }
0x226: {  	v3 =	vld [tilespmem:s22+$0x580];
	_ =	sdelay $0x6  }
0x227: {  	v4 =	vld [tilespmem:s22+$0x380]  }
0x228: {  	v5 =	vld.idx.msk [tilespmem:v3+s14+$0x0], $0xffff  }
0x229: {  	v6 =	vld.idx.msk [tilespmem:v3+s15+$0x0], $0xffff;
	_ =	sdelay $0x3  }
0x22a: {  	vm1 =	vlt.s32 v4, v5  }
0x22b: {  	s23 =	simm.s32 $0x80;
	s24 =	simm.s32 $0x10;
	[tilespmem:s22+$0x580] =	vst v6;
	v3 =	vsel vm1, v4, v5  }
.LBB2_41:
0x22c: {  	p1 =	sne.s32 s23, $0x7C0  }
0x22d: {  	v4 =	vld [tilespmem:s24+$0x580];
	[tilespmem:s22+$0x380] =	vst v3;
	s25 =	smov.u32 s23;
	s23 =	sadd.s32 $0x40, s23;
	s22 =	smov.u32 s24  }
0x22e: {  	_ =	sdelay $0x5  }
0x22f: {  	v3 =	vld [tilespmem:s22+$0x380]  }
0x230: {  	v5 =	vld.idx.msk [tilespmem:v4+s14+$0x0], $0xffff  }
0x231: {  	v4 =	vld.idx.msk [tilespmem:v4+s15+$0x0], $0xffff;
	_ =	sdelay $0x1  }
.Ltmp22:
0x232: {  	(pc) =	sbr.rel @p1 .LBB2_41-.Ltmp22, $3  }
0x233: {  	_ =	sdelay $0x1  }
0x234: {  	vm1 =	vlt.s32 v3, v5  }
0x235: {  	s24 =	sshra.s32 s25, $0x2;
	v3 =	vsel vm1, v3, v5;
	[tilespmem:s22+$0x580] =	vst v4  }
0x236: {  	v4 =	vld [tilespmem:s24+$0x580];
	_ =	sdelay $0x5  }
0x237: {  	[tilespmem:s22+$0x380] =	vst v3  }
0x238: {  	v3 =	vld [tilespmem:s24+$0x380]  }
0x239: {  	v5 =	vld.idx.msk [tilespmem:v4+s14+$0x0], $0xffff  }
0x23a: {  	v4 =	vld.idx.msk [tilespmem:v4+s15+$0x0], $0xffff;
	_ =	sdelay $0x3  }
0x23b: {  	vm1 =	vlt.s32 v3, v5  }
0x23c: {  	[tilespmem:s24+$0x580] =	vst v4;
	v3 =	vsel vm1, v3, v5  }
0x23d: {  	s22 =	simm.s32 $0x0;
	[tilespmem:s24+$0x380] =	vst v3  }
0x23e: {  	v3 =	vld [tilespmem:s22+$0x580];
	_ =	sdelay $0x6  }
0x23f: {  	v4 =	vld [tilespmem:s22+$0x380]  }
0x240: {  	v5 =	vld.idx.msk [tilespmem:v3+s14+$0x0], $0xffff  }
0x241: {  	v6 =	vld.idx.msk [tilespmem:v3+s15+$0x0], $0xffff;
	_ =	sdelay $0x3  }
0x242: {  	vm1 =	vlt.s32 v4, v5  }
0x243: {  	s23 =	simm.s32 $0x80;
	s25 =	simm.s32 $0x10;
	s24 =	simm.s32 $0x0;
	[tilespmem:s22+$0x580] =	vst v6;
	v3 =	vsel vm1, v4, v5  }
.LBB2_43:
0x244: {  	p1 =	sne.s32 s23, $0x7C0;
	v4 =	vld [tilespmem:s25+$0x580];
	[tilespmem:s24+$0x380] =	vst v3;
	s26 =	smov.u32 s23;
	s23 =	sadd.s32 $0x40, s23  }
0x245: {  	s24 =	smov.u32 s25;
	_ =	sdelay $0x5  }
0x246: {  	v3 =	vld [tilespmem:s24+$0x380]  }
0x247: {  	v5 =	vld.idx.msk [tilespmem:v4+s14+$0x0], $0xffff  }
0x248: {  	v4 =	vld.idx.msk [tilespmem:v4+s15+$0x0], $0xffff;
	_ =	sdelay $0x1  }
.Ltmp23:
0x249: {  	(pc) =	sbr.rel @p1 .LBB2_43-.Ltmp23, $3  }
0x24a: {  	_ =	sdelay $0x1  }
0x24b: {  	vm1 =	vlt.s32 v3, v5  }
0x24c: {  	s25 =	sshra.s32 s26, $0x2;
	v3 =	vsel vm1, v3, v5;
	[tilespmem:s24+$0x580] =	vst v4  }
0x24d: {  	v4 =	vld [tilespmem:s25+$0x580];
	_ =	sdelay $0x5  }
0x24e: {  	[tilespmem:s24+$0x380] =	vst v3  }
0x24f: {  	v3 =	vld [tilespmem:s25+$0x380]  }
0x250: {  	v5 =	vld.idx.msk [tilespmem:v4+s14+$0x0], $0xffff  }
0x251: {  	v4 =	vld.idx.msk [tilespmem:v4+s15+$0x0], $0xffff;
	_ =	sdelay $0x3  }
0x252: {  	vm1 =	vlt.s32 v3, v5  }
0x253: {  	[tilespmem:s25+$0x580] =	vst v4;
	v3 =	vsel vm1, v3, v5  }
0x254: {  	[tilespmem:s25+$0x380] =	vst v3  }
0x255: {  	v3 =	vld [tilespmem:s22+$0x580];
	_ =	sdelay $0x6  }
0x256: {  	v4 =	vld [tilespmem:s22+$0x380]  }
0x257: {  	v5 =	vld.idx.msk [tilespmem:v3+s14+$0x0], $0xffff  }
0x258: {  	v6 =	vld.idx.msk [tilespmem:v3+s15+$0x0], $0xffff;
	_ =	sdelay $0x3  }
0x259: {  	vm1 =	vlt.s32 v4, v5  }
0x25a: {  	s23 =	simm.s32 $0x80;
	s24 =	simm.s32 $0x10;
	[tilespmem:s22+$0x580] =	vst v6;
	v3 =	vsel vm1, v4, v5  }
.LBB2_45:
0x25b: {  	p1 =	sne.s32 s23, $0x7C0  }
0x25c: {  	v4 =	vld [tilespmem:s24+$0x580];
	[tilespmem:s22+$0x380] =	vst v3;
	s25 =	smov.u32 s23;
	s23 =	sadd.s32 $0x40, s23;
	s22 =	smov.u32 s24  }
0x25d: {  	_ =	sdelay $0x5  }
0x25e: {  	v3 =	vld [tilespmem:s22+$0x380]  }
0x25f: {  	v5 =	vld.idx.msk [tilespmem:v4+s14+$0x0], $0xffff  }
0x260: {  	v4 =	vld.idx.msk [tilespmem:v4+s15+$0x0], $0xffff;
	_ =	sdelay $0x1  }
.Ltmp24:
0x261: {  	(pc) =	sbr.rel @p1 .LBB2_45-.Ltmp24, $3  }
0x262: {  	_ =	sdelay $0x1  }
0x263: {  	vm1 =	vlt.s32 v3, v5  }
0x264: {  	s24 =	sshra.s32 s25, $0x2;
	v3 =	vsel vm1, v3, v5;
	[tilespmem:s22+$0x580] =	vst v4  }
0x265: {  	v4 =	vld [tilespmem:s24+$0x580];
	_ =	sdelay $0x5  }
0x266: {  	[tilespmem:s22+$0x380] =	vst v3  }
0x267: {  	v3 =	vld [tilespmem:s24+$0x380]  }
0x268: {  	v5 =	vld.idx.msk [tilespmem:v4+s14+$0x0], $0xffff  }
0x269: {  	v4 =	vld.idx.msk [tilespmem:v4+s15+$0x0], $0xffff;
	_ =	sdelay $0x3  }
0x26a: {  	vm1 =	vlt.s32 v3, v5  }
0x26b: {  	[tilespmem:s24+$0x580] =	vst v4;
	v3 =	vsel vm1, v3, v5  }
0x26c: {  	s23 =	simm.s32 $0x0;
	[tilespmem:s24+$0x380] =	vst v3  }
0x26d: {  	v3 =	vld [tilespmem:s23+$0x580];
	_ =	sdelay $0x6  }
0x26e: {  	v4 =	vld [tilespmem:s23+$0x380]  }
0x26f: {  	v5 =	vld.idx.msk [tilespmem:v3+s14+$0x0], $0xffff  }
0x270: {  	v6 =	vld.idx.msk [tilespmem:v3+s15+$0x0], $0xffff;
	_ =	sdelay $0x3  }
0x271: {  	vm1 =	vlt.s32 v4, v5  }
0x272: {  	s22 =	simm.s32 $0x0;
	s25 =	simm.s32 $0x10;
	s24 =	simm.s32 $0x80;
	[tilespmem:s23+$0x580] =	vst v6;
	v3 =	vsel vm1, v4, v5  }
.LBB2_47:
0x273: {  	p1 =	sne.s32 s24, $0x7C0;
	v4 =	vld [tilespmem:s25+$0x580];
	[tilespmem:s23+$0x380] =	vst v3;
	s26 =	smov.u32 s24;
	s24 =	sadd.s32 $0x40, s24  }
0x274: {  	s23 =	smov.u32 s25;
	_ =	sdelay $0x5  }
0x275: {  	v3 =	vld [tilespmem:s23+$0x380]  }
0x276: {  	v5 =	vld.idx.msk [tilespmem:v4+s14+$0x0], $0xffff  }
0x277: {  	v4 =	vld.idx.msk [tilespmem:v4+s15+$0x0], $0xffff;
	_ =	sdelay $0x1  }
.Ltmp25:
0x278: {  	(pc) =	sbr.rel @p1 .LBB2_47-.Ltmp25, $3  }
0x279: {  	_ =	sdelay $0x1  }
0x27a: {  	vm1 =	vlt.s32 v3, v5  }
0x27b: {  	s25 =	sshra.s32 s26, $0x2;
	v3 =	vsel vm1, v3, v5;
	[tilespmem:s23+$0x580] =	vst v4  }
0x27c: {  	v4 =	vld [tilespmem:s25+$0x580];
	_ =	sdelay $0x5  }
0x27d: {  	[tilespmem:s23+$0x380] =	vst v3  }
0x27e: {  	v3 =	vld [tilespmem:s25+$0x380]  }
0x27f: {  	v5 =	vld.idx.msk [tilespmem:v4+s14+$0x0], $0xffff  }
0x280: {  	v4 =	vld.idx.msk [tilespmem:v4+s15+$0x0], $0xffff;
	_ =	sdelay $0x3  }
0x281: {  	vm1 =	vlt.s32 v3, v5  }
0x282: {  	[tilespmem:s25+$0x580] =	vst v4;
	v3 =	vsel vm1, v3, v5  }
0x283: {  	[tilespmem:s25+$0x380] =	vst v3  }
.LBB2_49:
0x284: {  	s24 =	sshra.s32 s22, $0x2  }
0x285: {  	v3 =	vld [tilespmem:s24+$0x580];
	_ =	sdelay $0x6  }
0x286: {  	s23 =	simm.s32 $0x380;
	v4 =	vld [tilespmem:s24+$0x380]  }
0x287: {  	v5 =	vld.idx.msk [tilespmem:v3+s23+$0x0], $0xffff  }
0x288: {  	v3 =	vld.idx.msk [tilespmem:v3+s15+$0x0], $0xffff  }
0x289: {  	p1 =	sne.s32 s22, $0x7C0  }
.Ltmp26:
0x28a: {  	_ = 	snop;
	(pc) =	sbr.rel @p1 .LBB2_49-.Ltmp26, $4  }
0x28b: {  	_ = 	snop  }
0x28c: {  	vm1 =	vlt.s32 v4, v5  }
0x28d: {  	[tilespmem:s24+$0x580] =	vst v3;
	v4 =	vsel vm1, v4, v5  }
0x28e: {  	s22 =	sadd.s32 $0x40, s22;
	[tilespmem:s24+$0x380] =	vst v4  }
0x28f: {  	s22 =	simm.s32 $0x0  }
0x290: {  	v5 =	vld [tilespmem:s23+$0x0];
	s24 =	sand.u32 $0xF0, s22  }
0x291: {  	v4 =	vld [tilespmem:s24+$0x480];
	_ =	sdelay $0x2  }
0x292: {  	v3 =	vimm.s32 $0x0;
	s23 =	simm.s32 $0x10;
	s24 =	simm.s32 $0x390  }
.LBB2_51:
0x293: {  	s25 =	sand.u32 $0xF0, s23  }
0x294: {  	v6 =	vld [tilespmem:s24+$0x0];
	p1 =	sne.s32 s23, $0xF0;
	vm1 =	vlt.s32 v5, v4;
	s26 =	smov.u32 s23;
	s23 =	sadd.s32 $0x10, s23  }
.Ltmp27:
0x295: {  	v7 =	vor.u32 s22, v0;
	v5 =	vsel vm1, v5, v4;
	v4 =	vld [tilespmem:s25+$0x480];
	s22 =	smov.u32 s26;
	(pc) =	sbr.rel @p1 .LBB2_51-.Ltmp27, $4  }
0x296: {  	vm1 =	vlt.s32 v7, v5  }
0x297: {  	v7 =	vsel vm1, v7, v5  }
0x298: {  	vm1 =	vgt.s32 v3, v7  }
0x299: {  	s24 =	sadd.s32 $0x10, s24;
	v3 =	vsel vm1, v3, v7;
	v5 =	vmov v6  }
0x29a: {  	vm1 =	vlt.s32 v5, v4  }
0x29b: {  	v6 =	vor.u32 s22, v0;
	v4 =	vsel vm1, v5, v4  }
0x29c: {  	vm1 =	vlt.s32 v6, v4  }
0x29d: {  	v4 =	vsel vm1, v6, v4  }
0x29e: {  	vm1 =	vgt.s32 v3, v4  }
0x29f: {  	v3 =	vsel vm1, v3, v4  }
0x2a0: {  	v3 =	vxor.u32 $0x80000000, v3  }
0x2a1: {  	(xrf0) =	vmax.scan.msk.u32 $0xffff, v3;
	_ =	sdelay $0x5  }
0x2a2: {  	v3, _, _ =	vpop (xrf0)  }
0x2a3: {  	(v2sf) =	vpush v3, $0xF;
	_ =	sdelay $0xe  }
0x2a4: {  	p1 =	seq.s32 s21, $0x200;
	s21 =	simm.f32 $6.023626190e-04;
	s31 =	spop (v2sf)  }
0x2a5: {  	s21 =	simm.s32 @!p1 $0x391DE964;
	p2 =	seq.s32 s31, $0x80000000  }
0x2a6: {  	s21 =	simm.s32 @!p2 $0x0  }
0x2a7: {  	v3 =	vmov s21  }
0x2a8: {  	v3 =	vnsel vm0, $0x0, v3  }
0x2a9: {  	[tilespmem:$0x900] =	vst v3  }
.LBB2_53:
0x2aa: {  	s21 =	simm.s32 $0x0  }
0x2ab: {  	[tilespmem:s21], [sflag:$0x1] =	stream.strided.gather [hbm4b:s5+s10], $0x180, s11, s10, $0x38;
	[tilespmem:$0x990] =	vst v63  }
0x2ac: {  	_ =	swait.ge [sflag:s12], $0x180  }
0x2ad: {  	[sflag:s12] =	ssyncset.done $0x0  }
0x2ae: {  	[sflag:s12] =	ssyncadd.s32 $0xFFFFFE80  }
0x2af: {  	v4 =	vld [tilespmem:s21+$0x0];
	_ =	sdelay $0x4  }
0x2b0: {  	v5 =	vshrl.u32 v4, $0x8;
	_ =	sdelay $0x1  }
0x2b1: {  	v6 =	vand.u32 $0xFF, v4;
	_ =	sdelay $0x2  }
0x2b2: {  	v4 =	vld.idx.msk [tilespmem:v5+s2+$0x0], $0xffff;
	_ =	sdelay $0x1  }
0x2b3: {  	v7 =	vld.idx.msk [tilespmem:v6+s2+$0x0], $0xffff;
	_ =	sdelay $0x1  }
0x2b4: {  	s20 =	sadd.f32 $-6.023626190e-04, s20;
	v8 =	vimm.s32 $0x0;
	v9 =	vor.u32 s21, v0  }
0x2b5: {  	vm1 =	vne.s32 v6, v9;
	v10 =	vshrl.u32 v4, $0x8;
	v4 =	vand.u32 $0xFF, v4  }
0x2b6: {  	s22 =	smul.f32 $9.999999770e-03, s20;
	vm2 =	vne.s32 v5, v9;
	vm3 =	veq.s32 v10, v9;
	vm4 =	veq.s32 v4, v9  }
0x2b7: {  	v4 =	vshrl.u32 v7, $0x8;
	v7 =	vand.u32 $0xFF, v7;
	vm3 =	vmor vm3, vm4  }
0x2b8: {  	s23 =	sadd.f32 $0.0e+00, s19;
	s20 =	smul.f32 s22, s20;
	vm15 =	veq.s32 v4, v9;
	vm5 =	veq.s32 v7, v9;
	vm2 =	vmand vm2, vm3  }
0x2b9: {  	s19 =	simm.s32 $0x180;
	v5 =	vsel vm3, v5, v9;
	vm3 =	vmor vm15, vm5;
	v7 =	vsel vm2, $0x1, v1  }
0x2ba: {  	s22 =	simm.s32 $0x10;
	s20 =	sadd.f32 s20, s23;
	s23 =	simm.s32 $0x280;
	v4 =	vld [tilespmem:$0x100];
	[tilespmem:s19+$0x0] =	vst v5;
	vm1 =	vmand vm1, vm3;
	v5 =	vsel vm3, v6, v9;
	v6 =	vadd.s32 v7, v8  }
.LBB2_54:
0x2bb: {  	[tilespmem:s23+$0x0] =	vst v5;
	v5 =	vsel vm1, $0x1, v1;
	s21 =	sadd.s32 $0x10, s21;
	s19 =	sadd.s32 $0x10, s19;
	s23 =	sadd.s32 $0x10, s23  }
0x2bc: {  	p1 =	sne.s32 s22, $0xF0;
	s24 =	smov.u32 s22;
	s22 =	sadd.s32 $0x10, s22;
	v7 =	vld [tilespmem:s21+$0x0];
	v6 =	vadd.s32 v5, v6  }
0x2bd: {  	_ =	sdelay $0x3  }
0x2be: {  	v5 =	vshrl.u32 v7, $0x8;
	v7 =	vand.u32 $0xFF, v7;
	_ =	sdelay $0x4  }
0x2bf: {  	v8 =	vld.idx.msk [tilespmem:v5+s2+$0x0], $0xffff  }
0x2c0: {  	v9 =	vld.idx.msk [tilespmem:v7+s2+$0x0], $0xffff;
	_ =	sdelay $0x2  }
0x2c1: {  	v10 =	vor.u32 s24, v0  }
0x2c2: {  	vm1 =	vne.s32 v7, v10  }
0x2c3: {  	vm2 =	vne.s32 v5, v10;
	v11 =	vshrl.u32 v8, $0x8;
	v8 =	vand.u32 $0xFF, v8  }
.Ltmp28:
0x2c4: {  	vm3 =	veq.s32 v11, v10;
	vm4 =	veq.s32 v8, v10;
	v8 =	vshrl.u32 v9, $0x8;
	(pc) =	sbr.rel @p1 .LBB2_54-.Ltmp28, $4  }
0x2c5: {  	vm3 =	vmor vm3, vm4;
	vm4 =	veq.s32 v8, v10;
	v8 =	vand.u32 $0xFF, v9  }
0x2c6: {  	vm2 =	vmand vm2, vm3;
	vm5 =	veq.s32 v8, v10;
	v5 =	vsel vm3, v5, v10  }
0x2c7: {  	vm3 =	vmor vm4, vm5;
	v8 =	vsel vm2, $0x1, v1;
	[tilespmem:s19+$0x0] =	vst v5  }
0x2c8: {  	vm1 =	vmand vm1, vm3;
	v5 =	vsel vm3, v7, v10;
	v6 =	vadd.s32 v8, v6  }
0x2c9: {  	v7 =	vsel vm1, $0x1, v1  }
0x2ca: {  	v6 =	vadd.s32 v7, v6  }
0x2cb: {  	(xrf0) =	vadd.scan.msk.s32 $0xffff, v6;
	_ =	sdelay $0x4  }
0x2cc: {  	(v2sf) =	vpush v3, $0x0  }
0x2cd: {  	(v2sf) =	vpush v4, $0x0;
	v3, _, _ =	vpop (xrf0)  }
0x2ce: {  	(v2sf) =	vpush v3, $0xF;
	_ =	sdelay $0xc  }
0x2cf: {  	s21 =	spop (v2sf)  }
0x2d0: {  	s19 =	spop (v2sf)  }
0x2d1: {  	s22 =	spop (v2sf)  }
0x2d2: {  	p1 =	slt.s32 s22, $0x1FE  }
.Ltmp29:
0x2d3: {  	_ = 	snop;
	(pc) =	sbr.rel @p1 .LBB2_79-.Ltmp29, $3  }
0x2d4: {  	_ =	sdelay $0x1  }
0x2d5: {  	[tilespmem:s23+$0x0] =	vst v5;
	v3 =	vimm.f32 $0.0e+00  }
0x2d6: {  	[tilespmem:$0x900] =	vst v3  }
0x2d7: {  	s23 =	simm.s32 $0x280  }
0x2d8: {  	s24 =	simm.s32 $0x180;
	v3 =	vld [tilespmem:s23+$0x0]  }
0x2d9: {  	v4 =	vld [tilespmem:s24+$0x0];
	_ =	sdelay $0x6  }
0x2da: {  	v5 =	vld.idx.msk [tilespmem:v3+s13+$0x0], $0xffff  }
0x2db: {  	v6 =	vld.idx.msk [tilespmem:v4+s13+$0x0], $0xffff;
	_ =	sdelay $0x1  }
0x2dc: {  	s25 =	simm.s32 $0x0  }
0x2dd: {  	v7 =	vor.u32 s25, v0;
	v8 =	vor.u32 s25, v2  }
0x2de: {  	s26 =	simm.s32 $0x480;
	vm1 =	veq.s32 v3, v7;
	vm2 =	veq.s32 v5, v7;
	v5 =	vadd.s32 $0x100, v3  }
0x2df: {  	v63 =	vadd.s32 $0x100, v4;
	[tilespmem:s26+$0xFFFFFF00] =	vst v4;
	vm3 =	veq.s32 v6, v7;
	v5 =	vsel vm2, v5, v3  }
0x2e0: {  	s25 =	simm.s32 $0x680;
	[tilespmem:s26+$0x0] =	vst v3;
	vm2 =	veq.s32 v4, v7;
	v3 =	vsel vm3, v63, v4;
	v4 =	vsel vm1, v8, v5  }
0x2e1: {  	s28 =	simm.s32 $0x490;
	s26 =	simm.s32 $0x10;
	v3 =	vsel vm2, v7, v3;
	[tilespmem:s25+$0x0] =	vst v4  }
.LBB2_57:
0x2e2: {  	[tilespmem:s25+$0xFFFFFF00] =	vst v3;
	s25 =	sadd.s32 $0x10, s25;
	s24 =	sadd.s32 $0x10, s24;
	s23 =	sadd.s32 $0x10, s23  }
0x2e3: {  	p1 =	sne.s32 s26, $0xF0;
	s29 =	smov.u32 s26;
	s26 =	sadd.s32 $0x10, s26;
	v3 =	vld [tilespmem:s23+$0x0]  }
0x2e4: {  	v4 =	vld [tilespmem:s24+$0x0];
	_ =	sdelay $0x6  }
0x2e5: {  	v5 =	vld.idx.msk [tilespmem:v3+s13+$0x0], $0xffff  }
0x2e6: {  	v6 =	vld.idx.msk [tilespmem:v4+s13+$0x0], $0xffff  }
0x2e7: {  	[tilespmem:s28+$0xFFFFFF00] =	vst v4  }
0x2e8: {  	[tilespmem:s28+$0x0] =	vst v3;
	_ =	sdelay $0x1  }
.Ltmp30:
0x2e9: {  	v7 =	vor.u32 s29, v0;
	v8 =	vor.u32 s29, v2;
	(pc) =	sbr.rel @p1 .LBB2_57-.Ltmp30, $4  }
0x2ea: {  	vm1 =	veq.s32 v3, v7;
	vm2 =	veq.s32 v5, v7;
	v5 =	vadd.s32 $0x100, v3  }
0x2eb: {  	vm3 =	veq.s32 v6, v7;
	v6 =	vadd.s32 $0x100, v4;
	v3 =	vsel vm2, v5, v3  }
0x2ec: {  	vm2 =	veq.s32 v4, v7;
	v4 =	vsel vm3, v6, v4;
	v5 =	vsel vm1, v8, v3  }
0x2ed: {  	s28 =	sadd.s32 $0x10, s28;
	v3 =	vsel vm2, v7, v4;
	[tilespmem:s25+$0x0] =	vst v5  }
0x2ee: {  	[tilespmem:s25+$0xFFFFFF00] =	vst v3;
	s23 =	simm.s32 $0x0  }
0x2ef: {  	v3 =	vld [tilespmem:s23+$0x580];
	_ =	sdelay $0x6  }
0x2f0: {  	v4 =	vld [tilespmem:s23+$0x380]  }
0x2f1: {  	v5 =	vld.idx.msk [tilespmem:v3+s14+$0x0], $0xffff  }
0x2f2: {  	v6 =	vld.idx.msk [tilespmem:v3+s15+$0x0], $0xffff;
	_ =	sdelay $0x3  }
0x2f3: {  	vm1 =	vlt.s32 v4, v5  }
0x2f4: {  	s24 =	simm.s32 $0x80;
	s25 =	simm.s32 $0x10;
	[tilespmem:s23+$0x580] =	vst v6;
	v3 =	vsel vm1, v4, v5  }
.LBB2_59:
0x2f5: {  	p1 =	sne.s32 s24, $0x7C0  }
0x2f6: {  	v4 =	vld [tilespmem:s25+$0x580];
	[tilespmem:s23+$0x380] =	vst v3;
	s26 =	smov.u32 s24;
	s24 =	sadd.s32 $0x40, s24;
	s23 =	smov.u32 s25  }
0x2f7: {  	_ =	sdelay $0x5  }
0x2f8: {  	v3 =	vld [tilespmem:s23+$0x380]  }
0x2f9: {  	v5 =	vld.idx.msk [tilespmem:v4+s14+$0x0], $0xffff  }
0x2fa: {  	v4 =	vld.idx.msk [tilespmem:v4+s15+$0x0], $0xffff;
	_ =	sdelay $0x1  }
.Ltmp31:
0x2fb: {  	(pc) =	sbr.rel @p1 .LBB2_59-.Ltmp31, $3  }
0x2fc: {  	_ =	sdelay $0x1  }
0x2fd: {  	vm1 =	vlt.s32 v3, v5  }
0x2fe: {  	s25 =	sshra.s32 s26, $0x2;
	v3 =	vsel vm1, v3, v5;
	[tilespmem:s23+$0x580] =	vst v4  }
0x2ff: {  	v4 =	vld [tilespmem:s25+$0x580];
	_ =	sdelay $0x5  }
0x300: {  	[tilespmem:s23+$0x380] =	vst v3  }
0x301: {  	v3 =	vld [tilespmem:s25+$0x380]  }
0x302: {  	v5 =	vld.idx.msk [tilespmem:v4+s14+$0x0], $0xffff  }
0x303: {  	v4 =	vld.idx.msk [tilespmem:v4+s15+$0x0], $0xffff;
	_ =	sdelay $0x3  }
0x304: {  	vm1 =	vlt.s32 v3, v5  }
0x305: {  	[tilespmem:s25+$0x580] =	vst v4;
	v3 =	vsel vm1, v3, v5  }
0x306: {  	s23 =	simm.s32 $0x0;
	[tilespmem:s25+$0x380] =	vst v3  }
0x307: {  	v3 =	vld [tilespmem:s23+$0x580];
	_ =	sdelay $0x6  }
0x308: {  	v4 =	vld [tilespmem:s23+$0x380]  }
0x309: {  	v5 =	vld.idx.msk [tilespmem:v3+s14+$0x0], $0xffff  }
0x30a: {  	v6 =	vld.idx.msk [tilespmem:v3+s15+$0x0], $0xffff;
	_ =	sdelay $0x3  }
0x30b: {  	vm1 =	vlt.s32 v4, v5  }
0x30c: {  	s24 =	simm.s32 $0x80;
	s26 =	simm.s32 $0x10;
	s25 =	simm.s32 $0x0;
	[tilespmem:s23+$0x580] =	vst v6;
	v3 =	vsel vm1, v4, v5  }
.LBB2_61:
0x30d: {  	p1 =	sne.s32 s24, $0x7C0;
	v4 =	vld [tilespmem:s26+$0x580];
	[tilespmem:s25+$0x380] =	vst v3;
	s28 =	smov.u32 s24;
	s24 =	sadd.s32 $0x40, s24  }
0x30e: {  	s25 =	smov.u32 s26;
	_ =	sdelay $0x5  }
0x30f: {  	v3 =	vld [tilespmem:s25+$0x380]  }
0x310: {  	v5 =	vld.idx.msk [tilespmem:v4+s14+$0x0], $0xffff  }
0x311: {  	v4 =	vld.idx.msk [tilespmem:v4+s15+$0x0], $0xffff;
	_ =	sdelay $0x1  }
.Ltmp32:
0x312: {  	(pc) =	sbr.rel @p1 .LBB2_61-.Ltmp32, $3  }
0x313: {  	_ =	sdelay $0x1  }
0x314: {  	vm1 =	vlt.s32 v3, v5  }
0x315: {  	s26 =	sshra.s32 s28, $0x2;
	v3 =	vsel vm1, v3, v5;
	[tilespmem:s25+$0x580] =	vst v4  }
0x316: {  	v4 =	vld [tilespmem:s26+$0x580];
	_ =	sdelay $0x5  }
0x317: {  	[tilespmem:s25+$0x380] =	vst v3  }
0x318: {  	v3 =	vld [tilespmem:s26+$0x380]  }
0x319: {  	v5 =	vld.idx.msk [tilespmem:v4+s14+$0x0], $0xffff  }
0x31a: {  	v4 =	vld.idx.msk [tilespmem:v4+s15+$0x0], $0xffff;
	_ =	sdelay $0x3  }
0x31b: {  	vm1 =	vlt.s32 v3, v5  }
0x31c: {  	[tilespmem:s26+$0x580] =	vst v4;
	v3 =	vsel vm1, v3, v5  }
0x31d: {  	[tilespmem:s26+$0x380] =	vst v3  }
0x31e: {  	v3 =	vld [tilespmem:s23+$0x580];
	_ =	sdelay $0x6  }
0x31f: {  	v4 =	vld [tilespmem:s23+$0x380]  }
0x320: {  	v5 =	vld.idx.msk [tilespmem:v3+s14+$0x0], $0xffff  }
0x321: {  	v6 =	vld.idx.msk [tilespmem:v3+s15+$0x0], $0xffff;
	_ =	sdelay $0x3  }
0x322: {  	vm1 =	vlt.s32 v4, v5  }
0x323: {  	s24 =	simm.s32 $0x80;
	s25 =	simm.s32 $0x10;
	[tilespmem:s23+$0x580] =	vst v6;
	v3 =	vsel vm1, v4, v5  }
.LBB2_63:
0x324: {  	p1 =	sne.s32 s24, $0x7C0  }
0x325: {  	v4 =	vld [tilespmem:s25+$0x580];
	[tilespmem:s23+$0x380] =	vst v3;
	s26 =	smov.u32 s24;
	s24 =	sadd.s32 $0x40, s24;
	s23 =	smov.u32 s25  }
0x326: {  	_ =	sdelay $0x5  }
0x327: {  	v3 =	vld [tilespmem:s23+$0x380]  }
0x328: {  	v5 =	vld.idx.msk [tilespmem:v4+s14+$0x0], $0xffff  }
0x329: {  	v4 =	vld.idx.msk [tilespmem:v4+s15+$0x0], $0xffff;
	_ =	sdelay $0x1  }
.Ltmp33:
0x32a: {  	(pc) =	sbr.rel @p1 .LBB2_63-.Ltmp33, $3  }
0x32b: {  	_ =	sdelay $0x1  }
0x32c: {  	vm1 =	vlt.s32 v3, v5  }
0x32d: {  	s25 =	sshra.s32 s26, $0x2;
	v3 =	vsel vm1, v3, v5;
	[tilespmem:s23+$0x580] =	vst v4  }
0x32e: {  	v4 =	vld [tilespmem:s25+$0x580];
	_ =	sdelay $0x5  }
0x32f: {  	[tilespmem:s23+$0x380] =	vst v3  }
0x330: {  	v3 =	vld [tilespmem:s25+$0x380]  }
0x331: {  	v5 =	vld.idx.msk [tilespmem:v4+s14+$0x0], $0xffff  }
0x332: {  	v4 =	vld.idx.msk [tilespmem:v4+s15+$0x0], $0xffff;
	_ =	sdelay $0x3  }
0x333: {  	vm1 =	vlt.s32 v3, v5  }
0x334: {  	[tilespmem:s25+$0x580] =	vst v4;
	v3 =	vsel vm1, v3, v5  }
0x335: {  	s23 =	simm.s32 $0x0;
	[tilespmem:s25+$0x380] =	vst v3  }
0x336: {  	v3 =	vld [tilespmem:s23+$0x580];
	_ =	sdelay $0x6  }
0x337: {  	v4 =	vld [tilespmem:s23+$0x380]  }
0x338: {  	v5 =	vld.idx.msk [tilespmem:v3+s14+$0x0], $0xffff  }
0x339: {  	v6 =	vld.idx.msk [tilespmem:v3+s15+$0x0], $0xffff;
	_ =	sdelay $0x3  }
0x33a: {  	vm1 =	vlt.s32 v4, v5  }
0x33b: {  	s24 =	simm.s32 $0x80;
	s26 =	simm.s32 $0x10;
	s25 =	simm.s32 $0x0;
	[tilespmem:s23+$0x580] =	vst v6;
	v3 =	vsel vm1, v4, v5  }
.LBB2_65:
0x33c: {  	p1 =	sne.s32 s24, $0x7C0;
	v4 =	vld [tilespmem:s26+$0x580];
	[tilespmem:s25+$0x380] =	vst v3;
	s28 =	smov.u32 s24;
	s24 =	sadd.s32 $0x40, s24  }
0x33d: {  	s25 =	smov.u32 s26;
	_ =	sdelay $0x5  }
0x33e: {  	v3 =	vld [tilespmem:s25+$0x380]  }
0x33f: {  	v5 =	vld.idx.msk [tilespmem:v4+s14+$0x0], $0xffff  }
0x340: {  	v4 =	vld.idx.msk [tilespmem:v4+s15+$0x0], $0xffff;
	_ =	sdelay $0x1  }
.Ltmp34:
0x341: {  	(pc) =	sbr.rel @p1 .LBB2_65-.Ltmp34, $3  }
0x342: {  	_ =	sdelay $0x1  }
0x343: {  	vm1 =	vlt.s32 v3, v5  }
0x344: {  	s26 =	sshra.s32 s28, $0x2;
	v3 =	vsel vm1, v3, v5;
	[tilespmem:s25+$0x580] =	vst v4  }
0x345: {  	v4 =	vld [tilespmem:s26+$0x580];
	_ =	sdelay $0x5  }
0x346: {  	[tilespmem:s25+$0x380] =	vst v3  }
0x347: {  	v3 =	vld [tilespmem:s26+$0x380]  }
0x348: {  	v5 =	vld.idx.msk [tilespmem:v4+s14+$0x0], $0xffff  }
0x349: {  	v4 =	vld.idx.msk [tilespmem:v4+s15+$0x0], $0xffff;
	_ =	sdelay $0x3  }
0x34a: {  	vm1 =	vlt.s32 v3, v5  }
0x34b: {  	[tilespmem:s26+$0x580] =	vst v4;
	v3 =	vsel vm1, v3, v5  }
0x34c: {  	[tilespmem:s26+$0x380] =	vst v3  }
0x34d: {  	v3 =	vld [tilespmem:s23+$0x580];
	_ =	sdelay $0x6  }
0x34e: {  	v4 =	vld [tilespmem:s23+$0x380]  }
0x34f: {  	v5 =	vld.idx.msk [tilespmem:v3+s14+$0x0], $0xffff  }
0x350: {  	v6 =	vld.idx.msk [tilespmem:v3+s15+$0x0], $0xffff;
	_ =	sdelay $0x3  }
0x351: {  	vm1 =	vlt.s32 v4, v5  }
0x352: {  	s24 =	simm.s32 $0x80;
	s25 =	simm.s32 $0x10;
	[tilespmem:s23+$0x580] =	vst v6;
	v3 =	vsel vm1, v4, v5  }
.LBB2_67:
0x353: {  	p1 =	sne.s32 s24, $0x7C0  }
0x354: {  	v4 =	vld [tilespmem:s25+$0x580];
	[tilespmem:s23+$0x380] =	vst v3;
	s26 =	smov.u32 s24;
	s24 =	sadd.s32 $0x40, s24;
	s23 =	smov.u32 s25  }
0x355: {  	_ =	sdelay $0x5  }
0x356: {  	v3 =	vld [tilespmem:s23+$0x380]  }
0x357: {  	v5 =	vld.idx.msk [tilespmem:v4+s14+$0x0], $0xffff  }
0x358: {  	v4 =	vld.idx.msk [tilespmem:v4+s15+$0x0], $0xffff;
	_ =	sdelay $0x1  }
.Ltmp35:
0x359: {  	(pc) =	sbr.rel @p1 .LBB2_67-.Ltmp35, $3  }
0x35a: {  	_ =	sdelay $0x1  }
0x35b: {  	vm1 =	vlt.s32 v3, v5  }
0x35c: {  	s25 =	sshra.s32 s26, $0x2;
	v3 =	vsel vm1, v3, v5;
	[tilespmem:s23+$0x580] =	vst v4  }
0x35d: {  	v4 =	vld [tilespmem:s25+$0x580];
	_ =	sdelay $0x5  }
0x35e: {  	[tilespmem:s23+$0x380] =	vst v3  }
0x35f: {  	v3 =	vld [tilespmem:s25+$0x380]  }
0x360: {  	v5 =	vld.idx.msk [tilespmem:v4+s14+$0x0], $0xffff  }
0x361: {  	v4 =	vld.idx.msk [tilespmem:v4+s15+$0x0], $0xffff;
	_ =	sdelay $0x3  }
0x362: {  	vm1 =	vlt.s32 v3, v5  }
0x363: {  	[tilespmem:s25+$0x580] =	vst v4;
	v3 =	vsel vm1, v3, v5  }
0x364: {  	s23 =	simm.s32 $0x0;
	[tilespmem:s25+$0x380] =	vst v3  }
0x365: {  	v3 =	vld [tilespmem:s23+$0x580];
	_ =	sdelay $0x6  }
0x366: {  	v4 =	vld [tilespmem:s23+$0x380]  }
0x367: {  	v5 =	vld.idx.msk [tilespmem:v3+s14+$0x0], $0xffff  }
0x368: {  	v6 =	vld.idx.msk [tilespmem:v3+s15+$0x0], $0xffff;
	_ =	sdelay $0x3  }
0x369: {  	vm1 =	vlt.s32 v4, v5  }
0x36a: {  	s24 =	simm.s32 $0x80;
	s26 =	simm.s32 $0x10;
	s25 =	simm.s32 $0x0;
	[tilespmem:s23+$0x580] =	vst v6;
	v3 =	vsel vm1, v4, v5  }
.LBB2_69:
0x36b: {  	p1 =	sne.s32 s24, $0x7C0;
	v4 =	vld [tilespmem:s26+$0x580];
	[tilespmem:s25+$0x380] =	vst v3;
	s28 =	smov.u32 s24;
	s24 =	sadd.s32 $0x40, s24  }
0x36c: {  	s25 =	smov.u32 s26;
	_ =	sdelay $0x5  }
0x36d: {  	v3 =	vld [tilespmem:s25+$0x380]  }
0x36e: {  	v5 =	vld.idx.msk [tilespmem:v4+s14+$0x0], $0xffff  }
0x36f: {  	v4 =	vld.idx.msk [tilespmem:v4+s15+$0x0], $0xffff;
	_ =	sdelay $0x1  }
.Ltmp36:
0x370: {  	(pc) =	sbr.rel @p1 .LBB2_69-.Ltmp36, $3  }
0x371: {  	_ =	sdelay $0x1  }
0x372: {  	vm1 =	vlt.s32 v3, v5  }
0x373: {  	s26 =	sshra.s32 s28, $0x2;
	v3 =	vsel vm1, v3, v5;
	[tilespmem:s25+$0x580] =	vst v4  }
0x374: {  	v4 =	vld [tilespmem:s26+$0x580];
	_ =	sdelay $0x5  }
0x375: {  	[tilespmem:s25+$0x380] =	vst v3  }
0x376: {  	v3 =	vld [tilespmem:s26+$0x380]  }
0x377: {  	v5 =	vld.idx.msk [tilespmem:v4+s14+$0x0], $0xffff  }
0x378: {  	v4 =	vld.idx.msk [tilespmem:v4+s15+$0x0], $0xffff;
	_ =	sdelay $0x3  }
0x379: {  	vm1 =	vlt.s32 v3, v5  }
0x37a: {  	[tilespmem:s26+$0x580] =	vst v4;
	v3 =	vsel vm1, v3, v5  }
0x37b: {  	[tilespmem:s26+$0x380] =	vst v3  }
0x37c: {  	v3 =	vld [tilespmem:s23+$0x580];
	_ =	sdelay $0x6  }
0x37d: {  	v4 =	vld [tilespmem:s23+$0x380]  }
0x37e: {  	v5 =	vld.idx.msk [tilespmem:v3+s14+$0x0], $0xffff  }
0x37f: {  	v6 =	vld.idx.msk [tilespmem:v3+s15+$0x0], $0xffff;
	_ =	sdelay $0x3  }
0x380: {  	vm1 =	vlt.s32 v4, v5  }
0x381: {  	s24 =	simm.s32 $0x80;
	s25 =	simm.s32 $0x10;
	[tilespmem:s23+$0x580] =	vst v6;
	v3 =	vsel vm1, v4, v5  }
.LBB2_71:
0x382: {  	p1 =	sne.s32 s24, $0x7C0  }
0x383: {  	v4 =	vld [tilespmem:s25+$0x580];
	[tilespmem:s23+$0x380] =	vst v3;
	s26 =	smov.u32 s24;
	s24 =	sadd.s32 $0x40, s24;
	s23 =	smov.u32 s25  }
0x384: {  	_ =	sdelay $0x5  }
0x385: {  	v3 =	vld [tilespmem:s23+$0x380]  }
0x386: {  	v5 =	vld.idx.msk [tilespmem:v4+s14+$0x0], $0xffff  }
0x387: {  	v4 =	vld.idx.msk [tilespmem:v4+s15+$0x0], $0xffff;
	_ =	sdelay $0x1  }
.Ltmp37:
0x388: {  	(pc) =	sbr.rel @p1 .LBB2_71-.Ltmp37, $3  }
0x389: {  	_ =	sdelay $0x1  }
0x38a: {  	vm1 =	vlt.s32 v3, v5  }
0x38b: {  	s25 =	sshra.s32 s26, $0x2;
	v3 =	vsel vm1, v3, v5;
	[tilespmem:s23+$0x580] =	vst v4  }
0x38c: {  	v4 =	vld [tilespmem:s25+$0x580];
	_ =	sdelay $0x5  }
0x38d: {  	[tilespmem:s23+$0x380] =	vst v3  }
0x38e: {  	v3 =	vld [tilespmem:s25+$0x380]  }
0x38f: {  	v5 =	vld.idx.msk [tilespmem:v4+s14+$0x0], $0xffff  }
0x390: {  	v4 =	vld.idx.msk [tilespmem:v4+s15+$0x0], $0xffff;
	_ =	sdelay $0x3  }
0x391: {  	vm1 =	vlt.s32 v3, v5  }
0x392: {  	[tilespmem:s25+$0x580] =	vst v4;
	v3 =	vsel vm1, v3, v5  }
0x393: {  	s24 =	simm.s32 $0x0;
	[tilespmem:s25+$0x380] =	vst v3  }
0x394: {  	v3 =	vld [tilespmem:s24+$0x580];
	_ =	sdelay $0x6  }
0x395: {  	v4 =	vld [tilespmem:s24+$0x380]  }
0x396: {  	v5 =	vld.idx.msk [tilespmem:v3+s14+$0x0], $0xffff  }
0x397: {  	v6 =	vld.idx.msk [tilespmem:v3+s15+$0x0], $0xffff;
	_ =	sdelay $0x3  }
0x398: {  	vm1 =	vlt.s32 v4, v5  }
0x399: {  	s23 =	simm.s32 $0x0;
	s26 =	simm.s32 $0x10;
	s25 =	simm.s32 $0x80;
	[tilespmem:s24+$0x580] =	vst v6;
	v3 =	vsel vm1, v4, v5  }
.LBB2_73:
0x39a: {  	p1 =	sne.s32 s25, $0x7C0;
	v4 =	vld [tilespmem:s26+$0x580];
	[tilespmem:s24+$0x380] =	vst v3;
	s28 =	smov.u32 s25;
	s25 =	sadd.s32 $0x40, s25  }
0x39b: {  	s24 =	smov.u32 s26;
	_ =	sdelay $0x5  }
0x39c: {  	v3 =	vld [tilespmem:s24+$0x380]  }
0x39d: {  	v5 =	vld.idx.msk [tilespmem:v4+s14+$0x0], $0xffff  }
0x39e: {  	v4 =	vld.idx.msk [tilespmem:v4+s15+$0x0], $0xffff;
	_ =	sdelay $0x1  }
.Ltmp38:
0x39f: {  	(pc) =	sbr.rel @p1 .LBB2_73-.Ltmp38, $3  }
0x3a0: {  	_ =	sdelay $0x1  }
0x3a1: {  	vm1 =	vlt.s32 v3, v5  }
0x3a2: {  	s26 =	sshra.s32 s28, $0x2;
	v3 =	vsel vm1, v3, v5;
	[tilespmem:s24+$0x580] =	vst v4  }
0x3a3: {  	v4 =	vld [tilespmem:s26+$0x580];
	_ =	sdelay $0x5  }
0x3a4: {  	[tilespmem:s24+$0x380] =	vst v3  }
0x3a5: {  	v3 =	vld [tilespmem:s26+$0x380]  }
0x3a6: {  	v5 =	vld.idx.msk [tilespmem:v4+s14+$0x0], $0xffff  }
0x3a7: {  	v4 =	vld.idx.msk [tilespmem:v4+s15+$0x0], $0xffff;
	_ =	sdelay $0x3  }
0x3a8: {  	vm1 =	vlt.s32 v3, v5  }
0x3a9: {  	[tilespmem:s26+$0x580] =	vst v4;
	v3 =	vsel vm1, v3, v5  }
0x3aa: {  	[tilespmem:s26+$0x380] =	vst v3  }
.LBB2_75:
0x3ab: {  	s25 =	sshra.s32 s23, $0x2  }
0x3ac: {  	v3 =	vld [tilespmem:s25+$0x580];
	_ =	sdelay $0x6  }
0x3ad: {  	s24 =	simm.s32 $0x380;
	v4 =	vld [tilespmem:s25+$0x380]  }
0x3ae: {  	v5 =	vld.idx.msk [tilespmem:v3+s24+$0x0], $0xffff  }
0x3af: {  	v3 =	vld.idx.msk [tilespmem:v3+s15+$0x0], $0xffff  }
0x3b0: {  	p1 =	sne.s32 s23, $0x7C0  }
.Ltmp39:
0x3b1: {  	_ = 	snop;
	(pc) =	sbr.rel @p1 .LBB2_75-.Ltmp39, $4  }
0x3b2: {  	_ = 	snop  }
0x3b3: {  	vm1 =	vlt.s32 v4, v5  }
0x3b4: {  	[tilespmem:s25+$0x580] =	vst v3;
	v4 =	vsel vm1, v4, v5  }
0x3b5: {  	s23 =	sadd.s32 $0x40, s23;
	[tilespmem:s25+$0x380] =	vst v4  }
0x3b6: {  	s23 =	simm.s32 $0x0  }
0x3b7: {  	v5 =	vld [tilespmem:s24+$0x0];
	s25 =	sand.u32 $0xF0, s23  }
0x3b8: {  	v4 =	vld [tilespmem:s25+$0x480];
	_ =	sdelay $0x2  }
0x3b9: {  	v3 =	vimm.s32 $0x0;
	s24 =	simm.s32 $0x10;
	s25 =	simm.s32 $0x390  }
.LBB2_77:
0x3ba: {  	s26 =	sand.u32 $0xF0, s24  }
0x3bb: {  	v6 =	vld [tilespmem:s25+$0x0];
	p1 =	sne.s32 s24, $0xF0;
	vm1 =	vlt.s32 v5, v4;
	s28 =	smov.u32 s24;
	s24 =	sadd.s32 $0x10, s24  }
.Ltmp40:
0x3bc: {  	v7 =	vor.u32 s23, v0;
	v5 =	vsel vm1, v5, v4;
	v4 =	vld [tilespmem:s26+$0x480];
	s23 =	smov.u32 s28;
	(pc) =	sbr.rel @p1 .LBB2_77-.Ltmp40, $4  }
0x3bd: {  	vm1 =	vlt.s32 v7, v5  }
0x3be: {  	v7 =	vsel vm1, v7, v5  }
0x3bf: {  	vm1 =	vgt.s32 v3, v7  }
0x3c0: {  	s25 =	sadd.s32 $0x10, s25;
	v3 =	vsel vm1, v3, v7;
	v5 =	vmov v6  }
0x3c1: {  	vm1 =	vlt.s32 v5, v4  }
0x3c2: {  	v6 =	vor.u32 s23, v0;
	v4 =	vsel vm1, v5, v4  }
0x3c3: {  	vm1 =	vlt.s32 v6, v4  }
0x3c4: {  	v4 =	vsel vm1, v6, v4  }
0x3c5: {  	vm1 =	vgt.s32 v3, v4  }
0x3c6: {  	v3 =	vsel vm1, v3, v4  }
0x3c7: {  	v3 =	vxor.u32 $0x80000000, v3  }
0x3c8: {  	(xrf0) =	vmax.scan.msk.u32 $0xffff, v3;
	_ =	sdelay $0x5  }
0x3c9: {  	v3, _, _ =	vpop (xrf0)  }
0x3ca: {  	(v2sf) =	vpush v3, $0xF;
	_ =	sdelay $0xe  }
0x3cb: {  	p1 =	seq.s32 s22, $0x200;
	s22 =	simm.f32 $6.023626190e-04;
	s31 =	spop (v2sf)  }
0x3cc: {  	s22 =	simm.s32 @!p1 $0x391DE964;
	p2 =	seq.s32 s31, $0x80000000  }
0x3cd: {  	s22 =	simm.s32 @!p2 $0x0  }
0x3ce: {  	v3 =	vmov s22  }
0x3cf: {  	v3 =	vnsel vm0, $0x0, v3  }
0x3d0: {  	[tilespmem:$0x900] =	vst v3  }
.LBB2_79:
0x3d1: {  	s22 =	simm.s32 $0x0  }
0x3d2: {  	[tilespmem:s22], [sflag:$0x1] =	stream.strided.gather [hbm4b:s6+s10], $0x180, s11, s10, $0x38;
	[tilespmem:$0x990] =	vst v63  }
0x3d3: {  	_ =	swait.ge [sflag:s12], $0x180  }
0x3d4: {  	[sflag:s12] =	ssyncset.done $0x0  }
0x3d5: {  	[sflag:s12] =	ssyncadd.s32 $0xFFFFFE80  }
0x3d6: {  	v4 =	vld [tilespmem:s22+$0x0];
	_ =	sdelay $0x4  }
0x3d7: {  	v5 =	vshrl.u32 v4, $0x8;
	_ =	sdelay $0x1  }
0x3d8: {  	v6 =	vand.u32 $0xFF, v4;
	_ =	sdelay $0x2  }
0x3d9: {  	v4 =	vld.idx.msk [tilespmem:v5+s2+$0x0], $0xffff;
	_ =	sdelay $0x1  }
0x3da: {  	v7 =	vld.idx.msk [tilespmem:v6+s2+$0x0], $0xffff;
	_ =	sdelay $0x1  }
0x3db: {  	s21 =	sadd.f32 $-6.023626190e-04, s21;
	v8 =	vimm.s32 $0x0;
	v9 =	vor.u32 s22, v0  }
0x3dc: {  	vm1 =	vne.s32 v6, v9;
	v10 =	vshrl.u32 v4, $0x8;
	v4 =	vand.u32 $0xFF, v4  }
0x3dd: {  	s23 =	smul.f32 $9.999999770e-03, s21;
	vm2 =	vne.s32 v5, v9;
	vm3 =	veq.s32 v10, v9;
	vm4 =	veq.s32 v4, v9  }
0x3de: {  	v4 =	vshrl.u32 v7, $0x8;
	v7 =	vand.u32 $0xFF, v7;
	vm3 =	vmor vm3, vm4  }
0x3df: {  	s18 =	sadd.f32 s18, s20;
	s21 =	smul.f32 s23, s21;
	vm15 =	veq.s32 v4, v9;
	vm5 =	veq.s32 v7, v9;
	vm2 =	vmand vm2, vm3  }
0x3e0: {  	s20 =	simm.s32 $0x180;
	v5 =	vsel vm3, v5, v9;
	vm3 =	vmor vm15, vm5;
	v7 =	vsel vm2, $0x1, v1  }
0x3e1: {  	s23 =	simm.s32 $0x280;
	s18 =	sadd.f32 s21, s18;
	s21 =	simm.s32 $0x10;
	v4 =	vld [tilespmem:$0x100];
	[tilespmem:s20+$0x0] =	vst v5;
	vm1 =	vmand vm1, vm3;
	v5 =	vsel vm3, v6, v9;
	v6 =	vadd.s32 v7, v8  }
.LBB2_80:
0x3e2: {  	[tilespmem:s23+$0x0] =	vst v5;
	v5 =	vsel vm1, $0x1, v1;
	s22 =	sadd.s32 $0x10, s22;
	s20 =	sadd.s32 $0x10, s20;
	s23 =	sadd.s32 $0x10, s23  }
0x3e3: {  	p1 =	sne.s32 s21, $0xF0;
	s24 =	smov.u32 s21;
	s21 =	sadd.s32 $0x10, s21;
	v7 =	vld [tilespmem:s22+$0x0];
	v6 =	vadd.s32 v5, v6  }
0x3e4: {  	_ =	sdelay $0x3  }
0x3e5: {  	v5 =	vshrl.u32 v7, $0x8;
	v7 =	vand.u32 $0xFF, v7;
	_ =	sdelay $0x4  }
0x3e6: {  	v8 =	vld.idx.msk [tilespmem:v5+s2+$0x0], $0xffff  }
0x3e7: {  	v9 =	vld.idx.msk [tilespmem:v7+s2+$0x0], $0xffff;
	_ =	sdelay $0x2  }
0x3e8: {  	v10 =	vor.u32 s24, v0  }
0x3e9: {  	vm1 =	vne.s32 v7, v10  }
0x3ea: {  	vm2 =	vne.s32 v5, v10;
	v11 =	vshrl.u32 v8, $0x8;
	v8 =	vand.u32 $0xFF, v8  }
.Ltmp41:
0x3eb: {  	vm3 =	veq.s32 v11, v10;
	vm4 =	veq.s32 v8, v10;
	v8 =	vshrl.u32 v9, $0x8;
	(pc) =	sbr.rel @p1 .LBB2_80-.Ltmp41, $4  }
0x3ec: {  	vm3 =	vmor vm3, vm4;
	vm4 =	veq.s32 v8, v10;
	v8 =	vand.u32 $0xFF, v9  }
0x3ed: {  	vm2 =	vmand vm2, vm3;
	vm5 =	veq.s32 v8, v10;
	v5 =	vsel vm3, v5, v10  }
0x3ee: {  	vm3 =	vmor vm4, vm5;
	v8 =	vsel vm2, $0x1, v1;
	[tilespmem:s20+$0x0] =	vst v5  }
0x3ef: {  	vm1 =	vmand vm1, vm3;
	v5 =	vsel vm3, v7, v10;
	v6 =	vadd.s32 v8, v6  }
0x3f0: {  	v7 =	vsel vm1, $0x1, v1  }
0x3f1: {  	v6 =	vadd.s32 v7, v6  }
0x3f2: {  	(xrf0) =	vadd.scan.msk.s32 $0xffff, v6;
	_ =	sdelay $0x4  }
0x3f3: {  	(v2sf) =	vpush v3, $0x0  }
0x3f4: {  	(v2sf) =	vpush v4, $0x0;
	v3, _, _ =	vpop (xrf0)  }
0x3f5: {  	(v2sf) =	vpush v3, $0xF;
	_ =	sdelay $0xc  }
0x3f6: {  	s21 =	spop (v2sf)  }
0x3f7: {  	s20 =	spop (v2sf)  }
0x3f8: {  	s22 =	spop (v2sf)  }
0x3f9: {  	p1 =	slt.s32 s22, $0x1FE  }
.Ltmp42:
0x3fa: {  	_ = 	snop;
	(pc) =	sbr.rel @p1 .LBB2_105-.Ltmp42, $3  }
0x3fb: {  	_ =	sdelay $0x1  }
0x3fc: {  	[tilespmem:s23+$0x0] =	vst v5;
	v3 =	vimm.f32 $0.0e+00  }
0x3fd: {  	[tilespmem:$0x900] =	vst v3  }
0x3fe: {  	s23 =	simm.s32 $0x280  }
0x3ff: {  	s24 =	simm.s32 $0x180;
	v3 =	vld [tilespmem:s23+$0x0]  }
0x400: {  	v4 =	vld [tilespmem:s24+$0x0];
	_ =	sdelay $0x6  }
0x401: {  	v5 =	vld.idx.msk [tilespmem:v3+s13+$0x0], $0xffff  }
0x402: {  	v6 =	vld.idx.msk [tilespmem:v4+s13+$0x0], $0xffff;
	_ =	sdelay $0x1  }
0x403: {  	s25 =	simm.s32 $0x0  }
0x404: {  	v7 =	vor.u32 s25, v0;
	v8 =	vor.u32 s25, v2  }
0x405: {  	s26 =	simm.s32 $0x480;
	vm1 =	veq.s32 v3, v7;
	vm2 =	veq.s32 v5, v7;
	v5 =	vadd.s32 $0x100, v3  }
0x406: {  	v63 =	vadd.s32 $0x100, v4;
	[tilespmem:s26+$0xFFFFFF00] =	vst v4;
	vm3 =	veq.s32 v6, v7;
	v5 =	vsel vm2, v5, v3  }
0x407: {  	s25 =	simm.s32 $0x680;
	[tilespmem:s26+$0x0] =	vst v3;
	vm2 =	veq.s32 v4, v7;
	v3 =	vsel vm3, v63, v4;
	v4 =	vsel vm1, v8, v5  }
0x408: {  	s28 =	simm.s32 $0x490;
	s26 =	simm.s32 $0x10;
	v3 =	vsel vm2, v7, v3;
	[tilespmem:s25+$0x0] =	vst v4  }
.LBB2_83:
0x409: {  	[tilespmem:s25+$0xFFFFFF00] =	vst v3;
	s25 =	sadd.s32 $0x10, s25;
	s24 =	sadd.s32 $0x10, s24;
	s23 =	sadd.s32 $0x10, s23  }
0x40a: {  	p1 =	sne.s32 s26, $0xF0;
	s29 =	smov.u32 s26;
	s26 =	sadd.s32 $0x10, s26;
	v3 =	vld [tilespmem:s23+$0x0]  }
0x40b: {  	v4 =	vld [tilespmem:s24+$0x0];
	_ =	sdelay $0x6  }
0x40c: {  	v5 =	vld.idx.msk [tilespmem:v3+s13+$0x0], $0xffff  }
0x40d: {  	v6 =	vld.idx.msk [tilespmem:v4+s13+$0x0], $0xffff  }
0x40e: {  	[tilespmem:s28+$0xFFFFFF00] =	vst v4  }
0x40f: {  	[tilespmem:s28+$0x0] =	vst v3;
	_ =	sdelay $0x1  }
.Ltmp43:
0x410: {  	v7 =	vor.u32 s29, v0;
	v8 =	vor.u32 s29, v2;
	(pc) =	sbr.rel @p1 .LBB2_83-.Ltmp43, $4  }
0x411: {  	vm1 =	veq.s32 v3, v7;
	vm2 =	veq.s32 v5, v7;
	v5 =	vadd.s32 $0x100, v3  }
0x412: {  	vm3 =	veq.s32 v6, v7;
	v6 =	vadd.s32 $0x100, v4;
	v3 =	vsel vm2, v5, v3  }
0x413: {  	vm2 =	veq.s32 v4, v7;
	v4 =	vsel vm3, v6, v4;
	v5 =	vsel vm1, v8, v3  }
0x414: {  	s28 =	sadd.s32 $0x10, s28;
	v3 =	vsel vm2, v7, v4;
	[tilespmem:s25+$0x0] =	vst v5  }
0x415: {  	[tilespmem:s25+$0xFFFFFF00] =	vst v3;
	s23 =	simm.s32 $0x0  }
0x416: {  	v3 =	vld [tilespmem:s23+$0x580];
	_ =	sdelay $0x6  }
0x417: {  	v4 =	vld [tilespmem:s23+$0x380]  }
0x418: {  	v5 =	vld.idx.msk [tilespmem:v3+s14+$0x0], $0xffff  }
0x419: {  	v6 =	vld.idx.msk [tilespmem:v3+s15+$0x0], $0xffff;
	_ =	sdelay $0x3  }
0x41a: {  	vm1 =	vlt.s32 v4, v5  }
0x41b: {  	s24 =	simm.s32 $0x80;
	s25 =	simm.s32 $0x10;
	[tilespmem:s23+$0x580] =	vst v6;
	v3 =	vsel vm1, v4, v5  }
.LBB2_85:
0x41c: {  	p1 =	sne.s32 s24, $0x7C0  }
0x41d: {  	v4 =	vld [tilespmem:s25+$0x580];
	[tilespmem:s23+$0x380] =	vst v3;
	s26 =	smov.u32 s24;
	s24 =	sadd.s32 $0x40, s24;
	s23 =	smov.u32 s25  }
0x41e: {  	_ =	sdelay $0x5  }
0x41f: {  	v3 =	vld [tilespmem:s23+$0x380]  }
0x420: {  	v5 =	vld.idx.msk [tilespmem:v4+s14+$0x0], $0xffff  }
0x421: {  	v4 =	vld.idx.msk [tilespmem:v4+s15+$0x0], $0xffff;
	_ =	sdelay $0x1  }
.Ltmp44:
0x422: {  	(pc) =	sbr.rel @p1 .LBB2_85-.Ltmp44, $3  }
0x423: {  	_ =	sdelay $0x1  }
0x424: {  	vm1 =	vlt.s32 v3, v5  }
0x425: {  	s25 =	sshra.s32 s26, $0x2;
	v3 =	vsel vm1, v3, v5;
	[tilespmem:s23+$0x580] =	vst v4  }
0x426: {  	v4 =	vld [tilespmem:s25+$0x580];
	_ =	sdelay $0x5  }
0x427: {  	[tilespmem:s23+$0x380] =	vst v3  }
0x428: {  	v3 =	vld [tilespmem:s25+$0x380]  }
0x429: {  	v5 =	vld.idx.msk [tilespmem:v4+s14+$0x0], $0xffff  }
0x42a: {  	v4 =	vld.idx.msk [tilespmem:v4+s15+$0x0], $0xffff;
	_ =	sdelay $0x3  }
0x42b: {  	vm1 =	vlt.s32 v3, v5  }
0x42c: {  	[tilespmem:s25+$0x580] =	vst v4;
	v3 =	vsel vm1, v3, v5  }
0x42d: {  	s23 =	simm.s32 $0x0;
	[tilespmem:s25+$0x380] =	vst v3  }
0x42e: {  	v3 =	vld [tilespmem:s23+$0x580];
	_ =	sdelay $0x6  }
0x42f: {  	v4 =	vld [tilespmem:s23+$0x380]  }
0x430: {  	v5 =	vld.idx.msk [tilespmem:v3+s14+$0x0], $0xffff  }
0x431: {  	v6 =	vld.idx.msk [tilespmem:v3+s15+$0x0], $0xffff;
	_ =	sdelay $0x3  }
0x432: {  	vm1 =	vlt.s32 v4, v5  }
0x433: {  	s24 =	simm.s32 $0x80;
	s26 =	simm.s32 $0x10;
	s25 =	simm.s32 $0x0;
	[tilespmem:s23+$0x580] =	vst v6;
	v3 =	vsel vm1, v4, v5  }
.LBB2_87:
0x434: {  	p1 =	sne.s32 s24, $0x7C0;
	v4 =	vld [tilespmem:s26+$0x580];
	[tilespmem:s25+$0x380] =	vst v3;
	s28 =	smov.u32 s24;
	s24 =	sadd.s32 $0x40, s24  }
0x435: {  	s25 =	smov.u32 s26;
	_ =	sdelay $0x5  }
0x436: {  	v3 =	vld [tilespmem:s25+$0x380]  }
0x437: {  	v5 =	vld.idx.msk [tilespmem:v4+s14+$0x0], $0xffff  }
0x438: {  	v4 =	vld.idx.msk [tilespmem:v4+s15+$0x0], $0xffff;
	_ =	sdelay $0x1  }
.Ltmp45:
0x439: {  	(pc) =	sbr.rel @p1 .LBB2_87-.Ltmp45, $3  }
0x43a: {  	_ =	sdelay $0x1  }
0x43b: {  	vm1 =	vlt.s32 v3, v5  }
0x43c: {  	s26 =	sshra.s32 s28, $0x2;
	v3 =	vsel vm1, v3, v5;
	[tilespmem:s25+$0x580] =	vst v4  }
0x43d: {  	v4 =	vld [tilespmem:s26+$0x580];
	_ =	sdelay $0x5  }
0x43e: {  	[tilespmem:s25+$0x380] =	vst v3  }
0x43f: {  	v3 =	vld [tilespmem:s26+$0x380]  }
0x440: {  	v5 =	vld.idx.msk [tilespmem:v4+s14+$0x0], $0xffff  }
0x441: {  	v4 =	vld.idx.msk [tilespmem:v4+s15+$0x0], $0xffff;
	_ =	sdelay $0x3  }
0x442: {  	vm1 =	vlt.s32 v3, v5  }
0x443: {  	[tilespmem:s26+$0x580] =	vst v4;
	v3 =	vsel vm1, v3, v5  }
0x444: {  	[tilespmem:s26+$0x380] =	vst v3  }
0x445: {  	v3 =	vld [tilespmem:s23+$0x580];
	_ =	sdelay $0x6  }
0x446: {  	v4 =	vld [tilespmem:s23+$0x380]  }
0x447: {  	v5 =	vld.idx.msk [tilespmem:v3+s14+$0x0], $0xffff  }
0x448: {  	v6 =	vld.idx.msk [tilespmem:v3+s15+$0x0], $0xffff;
	_ =	sdelay $0x3  }
0x449: {  	vm1 =	vlt.s32 v4, v5  }
0x44a: {  	s24 =	simm.s32 $0x80;
	s25 =	simm.s32 $0x10;
	[tilespmem:s23+$0x580] =	vst v6;
	v3 =	vsel vm1, v4, v5  }
.LBB2_89:
0x44b: {  	p1 =	sne.s32 s24, $0x7C0  }
0x44c: {  	v4 =	vld [tilespmem:s25+$0x580];
	[tilespmem:s23+$0x380] =	vst v3;
	s26 =	smov.u32 s24;
	s24 =	sadd.s32 $0x40, s24;
	s23 =	smov.u32 s25  }
0x44d: {  	_ =	sdelay $0x5  }
0x44e: {  	v3 =	vld [tilespmem:s23+$0x380]  }
0x44f: {  	v5 =	vld.idx.msk [tilespmem:v4+s14+$0x0], $0xffff  }
0x450: {  	v4 =	vld.idx.msk [tilespmem:v4+s15+$0x0], $0xffff;
	_ =	sdelay $0x1  }
.Ltmp46:
0x451: {  	(pc) =	sbr.rel @p1 .LBB2_89-.Ltmp46, $3  }
0x452: {  	_ =	sdelay $0x1  }
0x453: {  	vm1 =	vlt.s32 v3, v5  }
0x454: {  	s25 =	sshra.s32 s26, $0x2;
	v3 =	vsel vm1, v3, v5;
	[tilespmem:s23+$0x580] =	vst v4  }
0x455: {  	v4 =	vld [tilespmem:s25+$0x580];
	_ =	sdelay $0x5  }
0x456: {  	[tilespmem:s23+$0x380] =	vst v3  }
0x457: {  	v3 =	vld [tilespmem:s25+$0x380]  }
0x458: {  	v5 =	vld.idx.msk [tilespmem:v4+s14+$0x0], $0xffff  }
0x459: {  	v4 =	vld.idx.msk [tilespmem:v4+s15+$0x0], $0xffff;
	_ =	sdelay $0x3  }
0x45a: {  	vm1 =	vlt.s32 v3, v5  }
0x45b: {  	[tilespmem:s25+$0x580] =	vst v4;
	v3 =	vsel vm1, v3, v5  }
0x45c: {  	s23 =	simm.s32 $0x0;
	[tilespmem:s25+$0x380] =	vst v3  }
0x45d: {  	v3 =	vld [tilespmem:s23+$0x580];
	_ =	sdelay $0x6  }
0x45e: {  	v4 =	vld [tilespmem:s23+$0x380]  }
0x45f: {  	v5 =	vld.idx.msk [tilespmem:v3+s14+$0x0], $0xffff  }
0x460: {  	v6 =	vld.idx.msk [tilespmem:v3+s15+$0x0], $0xffff;
	_ =	sdelay $0x3  }
0x461: {  	vm1 =	vlt.s32 v4, v5  }
0x462: {  	s24 =	simm.s32 $0x80;
	s26 =	simm.s32 $0x10;
	s25 =	simm.s32 $0x0;
	[tilespmem:s23+$0x580] =	vst v6;
	v3 =	vsel vm1, v4, v5  }
.LBB2_91:
0x463: {  	p1 =	sne.s32 s24, $0x7C0;
	v4 =	vld [tilespmem:s26+$0x580];
	[tilespmem:s25+$0x380] =	vst v3;
	s28 =	smov.u32 s24;
	s24 =	sadd.s32 $0x40, s24  }
0x464: {  	s25 =	smov.u32 s26;
	_ =	sdelay $0x5  }
0x465: {  	v3 =	vld [tilespmem:s25+$0x380]  }
0x466: {  	v5 =	vld.idx.msk [tilespmem:v4+s14+$0x0], $0xffff  }
0x467: {  	v4 =	vld.idx.msk [tilespmem:v4+s15+$0x0], $0xffff;
	_ =	sdelay $0x1  }
.Ltmp47:
0x468: {  	(pc) =	sbr.rel @p1 .LBB2_91-.Ltmp47, $3  }
0x469: {  	_ =	sdelay $0x1  }
0x46a: {  	vm1 =	vlt.s32 v3, v5  }
0x46b: {  	s26 =	sshra.s32 s28, $0x2;
	v3 =	vsel vm1, v3, v5;
	[tilespmem:s25+$0x580] =	vst v4  }
0x46c: {  	v4 =	vld [tilespmem:s26+$0x580];
	_ =	sdelay $0x5  }
0x46d: {  	[tilespmem:s25+$0x380] =	vst v3  }
0x46e: {  	v3 =	vld [tilespmem:s26+$0x380]  }
0x46f: {  	v5 =	vld.idx.msk [tilespmem:v4+s14+$0x0], $0xffff  }
0x470: {  	v4 =	vld.idx.msk [tilespmem:v4+s15+$0x0], $0xffff;
	_ =	sdelay $0x3  }
0x471: {  	vm1 =	vlt.s32 v3, v5  }
0x472: {  	[tilespmem:s26+$0x580] =	vst v4;
	v3 =	vsel vm1, v3, v5  }
0x473: {  	[tilespmem:s26+$0x380] =	vst v3  }
0x474: {  	v3 =	vld [tilespmem:s23+$0x580];
	_ =	sdelay $0x6  }
0x475: {  	v4 =	vld [tilespmem:s23+$0x380]  }
0x476: {  	v5 =	vld.idx.msk [tilespmem:v3+s14+$0x0], $0xffff  }
0x477: {  	v6 =	vld.idx.msk [tilespmem:v3+s15+$0x0], $0xffff;
	_ =	sdelay $0x3  }
0x478: {  	vm1 =	vlt.s32 v4, v5  }
0x479: {  	s24 =	simm.s32 $0x80;
	s25 =	simm.s32 $0x10;
	[tilespmem:s23+$0x580] =	vst v6;
	v3 =	vsel vm1, v4, v5  }
.LBB2_93:
0x47a: {  	p1 =	sne.s32 s24, $0x7C0  }
0x47b: {  	v4 =	vld [tilespmem:s25+$0x580];
	[tilespmem:s23+$0x380] =	vst v3;
	s26 =	smov.u32 s24;
	s24 =	sadd.s32 $0x40, s24;
	s23 =	smov.u32 s25  }
0x47c: {  	_ =	sdelay $0x5  }
0x47d: {  	v3 =	vld [tilespmem:s23+$0x380]  }
0x47e: {  	v5 =	vld.idx.msk [tilespmem:v4+s14+$0x0], $0xffff  }
0x47f: {  	v4 =	vld.idx.msk [tilespmem:v4+s15+$0x0], $0xffff;
	_ =	sdelay $0x1  }
.Ltmp48:
0x480: {  	(pc) =	sbr.rel @p1 .LBB2_93-.Ltmp48, $3  }
0x481: {  	_ =	sdelay $0x1  }
0x482: {  	vm1 =	vlt.s32 v3, v5  }
0x483: {  	s25 =	sshra.s32 s26, $0x2;
	v3 =	vsel vm1, v3, v5;
	[tilespmem:s23+$0x580] =	vst v4  }
0x484: {  	v4 =	vld [tilespmem:s25+$0x580];
	_ =	sdelay $0x5  }
0x485: {  	[tilespmem:s23+$0x380] =	vst v3  }
0x486: {  	v3 =	vld [tilespmem:s25+$0x380]  }
0x487: {  	v5 =	vld.idx.msk [tilespmem:v4+s14+$0x0], $0xffff  }
0x488: {  	v4 =	vld.idx.msk [tilespmem:v4+s15+$0x0], $0xffff;
	_ =	sdelay $0x3  }
0x489: {  	vm1 =	vlt.s32 v3, v5  }
0x48a: {  	[tilespmem:s25+$0x580] =	vst v4;
	v3 =	vsel vm1, v3, v5  }
0x48b: {  	s23 =	simm.s32 $0x0;
	[tilespmem:s25+$0x380] =	vst v3  }
0x48c: {  	v3 =	vld [tilespmem:s23+$0x580];
	_ =	sdelay $0x6  }
0x48d: {  	v4 =	vld [tilespmem:s23+$0x380]  }
0x48e: {  	v5 =	vld.idx.msk [tilespmem:v3+s14+$0x0], $0xffff  }
0x48f: {  	v6 =	vld.idx.msk [tilespmem:v3+s15+$0x0], $0xffff;
	_ =	sdelay $0x3  }
0x490: {  	vm1 =	vlt.s32 v4, v5  }
0x491: {  	s24 =	simm.s32 $0x80;
	s26 =	simm.s32 $0x10;
	s25 =	simm.s32 $0x0;
	[tilespmem:s23+$0x580] =	vst v6;
	v3 =	vsel vm1, v4, v5  }
.LBB2_95:
0x492: {  	p1 =	sne.s32 s24, $0x7C0;
	v4 =	vld [tilespmem:s26+$0x580];
	[tilespmem:s25+$0x380] =	vst v3;
	s28 =	smov.u32 s24;
	s24 =	sadd.s32 $0x40, s24  }
0x493: {  	s25 =	smov.u32 s26;
	_ =	sdelay $0x5  }
0x494: {  	v3 =	vld [tilespmem:s25+$0x380]  }
0x495: {  	v5 =	vld.idx.msk [tilespmem:v4+s14+$0x0], $0xffff  }
0x496: {  	v4 =	vld.idx.msk [tilespmem:v4+s15+$0x0], $0xffff;
	_ =	sdelay $0x1  }
.Ltmp49:
0x497: {  	(pc) =	sbr.rel @p1 .LBB2_95-.Ltmp49, $3  }
0x498: {  	_ =	sdelay $0x1  }
0x499: {  	vm1 =	vlt.s32 v3, v5  }
0x49a: {  	s26 =	sshra.s32 s28, $0x2;
	v3 =	vsel vm1, v3, v5;
	[tilespmem:s25+$0x580] =	vst v4  }
0x49b: {  	v4 =	vld [tilespmem:s26+$0x580];
	_ =	sdelay $0x5  }
0x49c: {  	[tilespmem:s25+$0x380] =	vst v3  }
0x49d: {  	v3 =	vld [tilespmem:s26+$0x380]  }
0x49e: {  	v5 =	vld.idx.msk [tilespmem:v4+s14+$0x0], $0xffff  }
0x49f: {  	v4 =	vld.idx.msk [tilespmem:v4+s15+$0x0], $0xffff;
	_ =	sdelay $0x3  }
0x4a0: {  	vm1 =	vlt.s32 v3, v5  }
0x4a1: {  	[tilespmem:s26+$0x580] =	vst v4;
	v3 =	vsel vm1, v3, v5  }
0x4a2: {  	[tilespmem:s26+$0x380] =	vst v3  }
0x4a3: {  	v3 =	vld [tilespmem:s23+$0x580];
	_ =	sdelay $0x6  }
0x4a4: {  	v4 =	vld [tilespmem:s23+$0x380]  }
0x4a5: {  	v5 =	vld.idx.msk [tilespmem:v3+s14+$0x0], $0xffff  }
0x4a6: {  	v6 =	vld.idx.msk [tilespmem:v3+s15+$0x0], $0xffff;
	_ =	sdelay $0x3  }
0x4a7: {  	vm1 =	vlt.s32 v4, v5  }
0x4a8: {  	s24 =	simm.s32 $0x80;
	s25 =	simm.s32 $0x10;
	[tilespmem:s23+$0x580] =	vst v6;
	v3 =	vsel vm1, v4, v5  }
.LBB2_97:
0x4a9: {  	p1 =	sne.s32 s24, $0x7C0  }
0x4aa: {  	v4 =	vld [tilespmem:s25+$0x580];
	[tilespmem:s23+$0x380] =	vst v3;
	s26 =	smov.u32 s24;
	s24 =	sadd.s32 $0x40, s24;
	s23 =	smov.u32 s25  }
0x4ab: {  	_ =	sdelay $0x5  }
0x4ac: {  	v3 =	vld [tilespmem:s23+$0x380]  }
0x4ad: {  	v5 =	vld.idx.msk [tilespmem:v4+s14+$0x0], $0xffff  }
0x4ae: {  	v4 =	vld.idx.msk [tilespmem:v4+s15+$0x0], $0xffff;
	_ =	sdelay $0x1  }
.Ltmp50:
0x4af: {  	(pc) =	sbr.rel @p1 .LBB2_97-.Ltmp50, $3  }
0x4b0: {  	_ =	sdelay $0x1  }
0x4b1: {  	vm1 =	vlt.s32 v3, v5  }
0x4b2: {  	s25 =	sshra.s32 s26, $0x2;
	v3 =	vsel vm1, v3, v5;
	[tilespmem:s23+$0x580] =	vst v4  }
0x4b3: {  	v4 =	vld [tilespmem:s25+$0x580];
	_ =	sdelay $0x5  }
0x4b4: {  	[tilespmem:s23+$0x380] =	vst v3  }
0x4b5: {  	v3 =	vld [tilespmem:s25+$0x380]  }
0x4b6: {  	v5 =	vld.idx.msk [tilespmem:v4+s14+$0x0], $0xffff  }
0x4b7: {  	v4 =	vld.idx.msk [tilespmem:v4+s15+$0x0], $0xffff;
	_ =	sdelay $0x3  }
0x4b8: {  	vm1 =	vlt.s32 v3, v5  }
0x4b9: {  	[tilespmem:s25+$0x580] =	vst v4;
	v3 =	vsel vm1, v3, v5  }
0x4ba: {  	s24 =	simm.s32 $0x0;
	[tilespmem:s25+$0x380] =	vst v3  }
0x4bb: {  	v3 =	vld [tilespmem:s24+$0x580];
	_ =	sdelay $0x6  }
0x4bc: {  	v4 =	vld [tilespmem:s24+$0x380]  }
0x4bd: {  	v5 =	vld.idx.msk [tilespmem:v3+s14+$0x0], $0xffff  }
0x4be: {  	v6 =	vld.idx.msk [tilespmem:v3+s15+$0x0], $0xffff;
	_ =	sdelay $0x3  }
0x4bf: {  	vm1 =	vlt.s32 v4, v5  }
0x4c0: {  	s23 =	simm.s32 $0x0;
	s26 =	simm.s32 $0x10;
	s25 =	simm.s32 $0x80;
	[tilespmem:s24+$0x580] =	vst v6;
	v3 =	vsel vm1, v4, v5  }
.LBB2_99:
0x4c1: {  	p1 =	sne.s32 s25, $0x7C0;
	v4 =	vld [tilespmem:s26+$0x580];
	[tilespmem:s24+$0x380] =	vst v3;
	s28 =	smov.u32 s25;
	s25 =	sadd.s32 $0x40, s25  }
0x4c2: {  	s24 =	smov.u32 s26;
	_ =	sdelay $0x5  }
0x4c3: {  	v3 =	vld [tilespmem:s24+$0x380]  }
0x4c4: {  	v5 =	vld.idx.msk [tilespmem:v4+s14+$0x0], $0xffff  }
0x4c5: {  	v4 =	vld.idx.msk [tilespmem:v4+s15+$0x0], $0xffff;
	_ =	sdelay $0x1  }
.Ltmp51:
0x4c6: {  	(pc) =	sbr.rel @p1 .LBB2_99-.Ltmp51, $3  }
0x4c7: {  	_ =	sdelay $0x1  }
0x4c8: {  	vm1 =	vlt.s32 v3, v5  }
0x4c9: {  	s26 =	sshra.s32 s28, $0x2;
	v3 =	vsel vm1, v3, v5;
	[tilespmem:s24+$0x580] =	vst v4  }
0x4ca: {  	v4 =	vld [tilespmem:s26+$0x580];
	_ =	sdelay $0x5  }
0x4cb: {  	[tilespmem:s24+$0x380] =	vst v3  }
0x4cc: {  	v3 =	vld [tilespmem:s26+$0x380]  }
0x4cd: {  	v5 =	vld.idx.msk [tilespmem:v4+s14+$0x0], $0xffff  }
0x4ce: {  	v4 =	vld.idx.msk [tilespmem:v4+s15+$0x0], $0xffff;
	_ =	sdelay $0x3  }
0x4cf: {  	vm1 =	vlt.s32 v3, v5  }
0x4d0: {  	[tilespmem:s26+$0x580] =	vst v4;
	v3 =	vsel vm1, v3, v5  }
0x4d1: {  	[tilespmem:s26+$0x380] =	vst v3  }
.LBB2_101:
0x4d2: {  	s25 =	sshra.s32 s23, $0x2  }
0x4d3: {  	v3 =	vld [tilespmem:s25+$0x580];
	_ =	sdelay $0x6  }
0x4d4: {  	s24 =	simm.s32 $0x380;
	v4 =	vld [tilespmem:s25+$0x380]  }
0x4d5: {  	v5 =	vld.idx.msk [tilespmem:v3+s24+$0x0], $0xffff  }
0x4d6: {  	v3 =	vld.idx.msk [tilespmem:v3+s15+$0x0], $0xffff  }
0x4d7: {  	p1 =	sne.s32 s23, $0x7C0  }
.Ltmp52:
0x4d8: {  	_ = 	snop;
	(pc) =	sbr.rel @p1 .LBB2_101-.Ltmp52, $4  }
0x4d9: {  	_ = 	snop  }
0x4da: {  	vm1 =	vlt.s32 v4, v5  }
0x4db: {  	[tilespmem:s25+$0x580] =	vst v3;
	v4 =	vsel vm1, v4, v5  }
0x4dc: {  	s23 =	sadd.s32 $0x40, s23;
	[tilespmem:s25+$0x380] =	vst v4  }
0x4dd: {  	s23 =	simm.s32 $0x0  }
0x4de: {  	v5 =	vld [tilespmem:s24+$0x0];
	s25 =	sand.u32 $0xF0, s23  }
0x4df: {  	v4 =	vld [tilespmem:s25+$0x480];
	_ =	sdelay $0x2  }
0x4e0: {  	v3 =	vimm.s32 $0x0;
	s24 =	simm.s32 $0x10;
	s25 =	simm.s32 $0x390  }
.LBB2_103:
0x4e1: {  	s26 =	sand.u32 $0xF0, s24  }
0x4e2: {  	v6 =	vld [tilespmem:s25+$0x0];
	p1 =	sne.s32 s24, $0xF0;
	vm1 =	vlt.s32 v5, v4;
	s28 =	smov.u32 s24;
	s24 =	sadd.s32 $0x10, s24  }
.Ltmp53:
0x4e3: {  	v7 =	vor.u32 s23, v0;
	v5 =	vsel vm1, v5, v4;
	v4 =	vld [tilespmem:s26+$0x480];
	s23 =	smov.u32 s28;
	(pc) =	sbr.rel @p1 .LBB2_103-.Ltmp53, $4  }
0x4e4: {  	vm1 =	vlt.s32 v7, v5  }
0x4e5: {  	v7 =	vsel vm1, v7, v5  }
0x4e6: {  	vm1 =	vgt.s32 v3, v7  }
0x4e7: {  	s25 =	sadd.s32 $0x10, s25;
	v3 =	vsel vm1, v3, v7;
	v5 =	vmov v6  }
.Ltmp54:
0x4e8: {  	_ = 	snop;
	(pc) =	sbr.rel .LBB2_104-.Ltmp54, $1  }
0x4e9: {  	_ =	sdelay $0x3  }
.LBB2_106:
0x4ea: {  	_ =	sfence.sel $0x180000  }
0x4eb: {  	[bflag:$0x0] =	sbarrier.arrive $0xFFFF  }
0x4ec: {  	_ =	strace $0x90000047  }
0x4ed: {  	s0 =	sadd.s32 @!p0 $0x100000, s0;
	[bflag:$0x2] =	sbarrier.arrive $0xFFFF  }
0x4ee: {  	[sflag:s0] =	ssyncadd.tile.s32 @!p0 $0x1;
	_ =	shalt  }
.Lfunc_end2:
_tile_overlayer_lowered:
.L_overlay_start_2:
0x4ef: {  	(tag) =	ssettag $0x2  }
0x4f0: {  	s0 =	rddreg [dreg:$0x0];
	s2 =	stileid.u32  }
0x4f1: {  	s1 =	rddreg [dreg:$0x1];
	p0 =	sne.s32 s2, $0x0  }
0x4f2: {  	s3 =	rddreg [dreg:$0x2];
	[bflag:$0x3] =	sbarrier.arrive $0xFFFF;
	s2 =	simm.s32 @!p0 $0x1C01  }
0x4f3: {  	[timem:s3], [sflag:s2] =	dma.local @!p0 [hbm:s0], s1  }
0x4f4: {  	s0 =	simm.s32 @!p0 $0x1  }
0x4f5: {  	_ =	swait.ge @!p0 [sflag:s0], s1  }
0x4f6: {  	s1 =	ssub.s32 @!p0 $0x0, s1;
	[sflag:s0] =	ssyncset.done @!p0 $0x0  }
0x4f7: {  	[sflag:s0] =	ssyncadd.s32 @!p0 s1  }
0x4f8: {  	[bflag:$0x3] =	sbarrier.arrive $0xFFFF  }
0x4f9: {  	_ =	shalt  }

</sc_bundles>
